<compile_context>
chip_gen: v7x
topology: tpu7x:2x2x1
jax: 0.10.2.dev20260603
libtpu: 0.0.44.dev20260713+nightly
codegen_flags: <defaults>
</compile_context>

<pallas_src>
import functools

import jax
import jax.numpy as jnp
from jax import lax
from jax.experimental import pallas as pl
from jax.experimental.pallas import tpu as pltpu
from jax.experimental.pallas import tpu_sc as plsc

N = 10000
NPAD = 10240
D = 128
DH = 64
NC = 2
NS = 16
RPT = NPAD // NS
CHUNK = 128
E_RAW = 320000
EPAD = 327680
NCHT = EPAD // CHUNK
TCH = NCHT // NS
ACH = NCHT // (NC * NS)
B = 1024
BPT = B // NS
MB = 1280
NCLS = 10

_MESH = plsc.VectorSubcoreMesh(
    core_axis_name="c", subcore_axis_name="s", num_cores=NC, num_subcores=NS)
_SC_PARAMS = pltpu.CompilerParams(use_tc_tiling_on_sc=False)


@functools.partial(
    pl.kernel,
    out_type=jax.ShapeDtypeStruct((NC, NPAD, 8), jnp.float32),
    mesh=_MESH,
    compiler_params=_SC_PARAMS,
    scratch_types=[
        pltpu.VMEM((ACH, CHUNK), jnp.int32),
        pltpu.VMEM((CHUNK, 8), jnp.float32),
        pltpu.VMEM_SHARED((NPAD, 8), jnp.float32),
        pltpu.SemaphoreType.DMA,
    ],
)
def _deg_sc(dstq_hbm, zeros_hbm, ones_hbm, cnt_hbm, dstv, onev, acc, dsem):
    c = lax.axis_index("c")
    s = lax.axis_index("s")
    r0 = s * RPT
    inits = [
        pltpu.async_copy(zeros_hbm.at[pl.ds(r0, RPT)], acc.at[pl.ds(r0, RPT)],
                         dsem),
        pltpu.async_copy(ones_hbm, onev, dsem),
        pltpu.async_copy(dstq_hbm.at[c, pl.ds(s * ACH, ACH)], dstv, dsem),
    ]
    for a in inits:
        a.wait()
    plsc.subcore_barrier()

    def body(j, carry):
        pltpu.async_copy(onev, acc.at[dstv.at[j]], dsem, add=True)
        return carry

    lax.fori_loop(0, ACH, body, 0)

    def drain(j, carry):
        pltpu.make_async_copy(onev, acc.at[dstv.at[j]], dsem).wait()
        return carry

    lax.fori_loop(0, ACH, drain, 0)
    plsc.subcore_barrier()
    pltpu.sync_copy(acc.at[pl.ds(r0, RPT)], cnt_hbm.at[c, pl.ds(r0, RPT)])


NB = 2
TCH2 = TCH // 2


def _agg_edges(c, s, tf_hbm, srcq_hbm, dstq_hbm, srcv, dstv, bufs, ts, acc,
               gsem, ssem):
    r0 = s * RPT
    inits = [
        pltpu.async_copy(tf_hbm.at[pl.ds(c * NPAD + r0, RPT)],
                         ts.at[pl.ds(r0, RPT)], gsem.at[0]),
        pltpu.async_copy(tf_hbm.at[pl.ds(c * NPAD + r0, RPT)],
                         acc.at[pl.ds(r0, RPT)], gsem.at[1]),
        pltpu.async_copy(srcq_hbm.at[pl.ds(s * TCH, TCH2)], srcv, ssem.at[0]),
        pltpu.async_copy(dstq_hbm.at[pl.ds(s * TCH, TCH2)], dstv, ssem.at[1]),
    ]
    for a in inits:
        a.wait()
    plsc.subcore_barrier()

    def start_g(b, j):
        pltpu.async_copy(ts.at[srcv.at[j]], bufs.at[b], gsem.at[b])

    def wait_g(b, j):
        pltpu.make_async_copy(ts.at[srcv.at[j]], bufs.at[b],
                              gsem.at[b]).wait()

    def start_s(b, j):
        pltpu.async_copy(bufs.at[b], acc.at[dstv.at[j]], ssem.at[b], add=True)

    def wait_s(b, j):
        pltpu.make_async_copy(bufs.at[b], acc.at[dstv.at[j]],
                              ssem.at[b]).wait()

    for ph in range(2):
        if ph > 0:
            q0 = s * TCH + ph * TCH2
            a1 = pltpu.async_copy(srcq_hbm.at[pl.ds(q0, TCH2)], srcv,
                                  gsem.at[0])
            a2 = pltpu.async_copy(dstq_hbm.at[pl.ds(q0, TCH2)], dstv,
                                  gsem.at[1])
            a1.wait()
            a2.wait()
        for b in range(NB):
            start_g(b, b)

        def outer(o, carry):
            j0 = o * NB
            for b in range(NB):
                wait_g(b, j0 + b)
                start_s(b, j0 + b)
            for b in range(NB):
                wait_s(b, j0 + b)
                start_g(b, j0 + NB + b)
            return carry

        lax.fori_loop(0, TCH2 // NB - 1, outer, 0)
        j0 = TCH2 - NB
        for b in range(NB):
            wait_g(b, j0 + b)
            start_s(b, j0 + b)
        for b in range(NB):
            wait_s(b, j0 + b)
    plsc.subcore_barrier()


@functools.partial(
    pl.kernel,
    out_type=jax.ShapeDtypeStruct((NC, NPAD, DH), jnp.float32),
    mesh=_MESH,
    compiler_params=_SC_PARAMS,
    scratch_types=[
        pltpu.VMEM((TCH2, CHUNK), jnp.int32),
        pltpu.VMEM((TCH2, CHUNK), jnp.int32),
        pltpu.VMEM((NB, CHUNK, DH), jnp.float32),
        pltpu.VMEM_SHARED((NPAD, DH), jnp.float32),
        pltpu.VMEM_SHARED((NPAD, DH), jnp.float32),
        pltpu.SemaphoreType.DMA((NB,)),
        pltpu.SemaphoreType.DMA((NB,)),
    ],
)
def _agg_full_sc(tf_hbm, srcq_hbm, dstq_hbm, agg_hbm, srcv, dstv, bufs, ts,
                 acc, gsem, ssem):
    c = lax.axis_index("c")
    s = lax.axis_index("s")
    _agg_edges(c, s, tf_hbm, srcq_hbm, dstq_hbm, srcv, dstv, bufs, ts, acc,
               gsem, ssem)
    r0 = s * RPT
    pltpu.sync_copy(acc.at[pl.ds(r0, RPT)], agg_hbm.at[c, pl.ds(r0, RPT)])


@functools.partial(
    pl.kernel,
    out_type=(
        jax.ShapeDtypeStruct((NC, B, DH), jnp.float32),
        jax.ShapeDtypeStruct((NC, B, 8), jnp.float32),
    ),
    mesh=_MESH,
    compiler_params=_SC_PARAMS,
    scratch_types=[
        pltpu.VMEM((TCH2, CHUNK), jnp.int32),
        pltpu.VMEM((TCH2, CHUNK), jnp.int32),
        pltpu.VMEM((NB, CHUNK, DH), jnp.float32),
        pltpu.VMEM_SHARED((NPAD, DH), jnp.float32),
        pltpu.VMEM_SHARED((NPAD, DH), jnp.float32),
        pltpu.SemaphoreType.DMA((NB,)),
        pltpu.SemaphoreType.DMA((NB,)),
        pltpu.SemaphoreType.DMA,
        pltpu.VMEM((BPT,), jnp.int32),
        pltpu.VMEM((BPT,), jnp.int32),
        pltpu.VMEM((BPT, DH), jnp.float32),
        pltpu.VMEM((BPT, 8), jnp.float32),
    ],
)
def _agg_batch_sc(tf_hbm, srcq_hbm, dstq_hbm, cntf_hbm, bidx2_hbm,
                  asel_hbm, csel_hbm,
                  srcv, dstv, bufs, ts, acc, gsem, ssem, sem, bloc, boff,
                  gbuf, cbuf):
    c = lax.axis_index("c")
    s = lax.axis_index("s")
    _agg_edges(c, s, tf_hbm, srcq_hbm, dstq_hbm, srcv, dstv, bufs, ts, acc,
               gsem, ssem)
    b0 = s * BPT
    i1 = pltpu.async_copy(bidx2_hbm.at[0, pl.ds(b0, BPT)], bloc, gsem.at[0])
    i2 = pltpu.async_copy(bidx2_hbm.at[c, pl.ds(b0, BPT)], boff, gsem.at[1])
    i1.wait()
    i2.wait()
    g1 = pltpu.async_copy(acc.at[bloc], gbuf, sem)
    g2 = pltpu.async_copy(cntf_hbm.at[boff], cbuf, ssem.at[0])
    g1.wait()
    w1 = pltpu.async_copy(gbuf, asel_hbm.at[c, pl.ds(b0, BPT)], gsem.at[0])
    g2.wait()
    w2 = pltpu.async_copy(cbuf, csel_hbm.at[c, pl.ds(b0, BPT)], gsem.at[1])
    w1.wait()
    w2.wait()


def _dis_from_cnt(cnt_ref):
    deg = cnt_ref[0, :, 0:1] + cnt_ref[1, :, 0:1] + 1.0
    return lax.rsqrt(deg)


def _dense1_body(x_ref, w_ref, cnt_ref, t_ref):
    u = jnp.dot(x_ref[...], w_ref[...], preferred_element_type=jnp.float32)
    us = u * _dis_from_cnt(cnt_ref)
    t_ref[0] = us[:, :DH]
    t_ref[1] = us[:, DH:]


def _dense2_body(agg_ref, cnt_ref, w_ref, b_ref, t_ref):
    dis = _dis_from_cnt(cnt_ref)
    h0 = jnp.maximum(agg_ref[0] * dis + b_ref[0:1, :DH], 0.0)
    h1 = jnp.maximum(agg_ref[1] * dis + b_ref[0:1, DH:], 0.0)
    u = (jnp.dot(h0, w_ref[:DH, :], preferred_element_type=jnp.float32)
         + jnp.dot(h1, w_ref[DH:, :], preferred_element_type=jnp.float32))
    us = u * dis
    t_ref[0] = us[:, :DH]
    t_ref[1] = us[:, DH:]


def _head_body(asel_ref, csel_ref, b2_ref, wl_ref, bl_ref,
               logp_ref, out_ref, fsel_ref):
    deg = csel_ref[0, :, 0:1] + csel_ref[1, :, 0:1] + 1.0
    dis = lax.rsqrt(deg)
    f0 = jnp.maximum(asel_ref[0] * dis + b2_ref[0:1, :DH], 0.0)
    f1 = jnp.maximum(asel_ref[1] * dis + b2_ref[0:1, DH:], 0.0)
    fsel_ref[:, :DH] = f0
    fsel_ref[:, DH:] = f1
    o = (jnp.dot(f0, wl_ref[:DH, :], preferred_element_type=jnp.float32)
         + jnp.dot(f1, wl_ref[DH:, :], preferred_element_type=jnp.float32))
    o = jnp.maximum(o + bl_ref[0:1, :], 0.0)
    out_ref[...] = o
    m = jnp.max(o, axis=1, keepdims=True)
    lse = m + jnp.log(jnp.sum(jnp.exp(o - m), axis=1, keepdims=True))
    logp_ref[...] = o - lse


_GRID = NPAD // MB

_dense1 = pl.pallas_call(
    _dense1_body,
    grid=(_GRID,),
    in_specs=[
        pl.BlockSpec((MB, D), lambda i: (i, 0)),
        pl.BlockSpec((D, D), lambda i: (0, 0)),
        pl.BlockSpec((NC, MB, 8), lambda i: (0, i, 0)),
    ],
    out_specs=pl.BlockSpec((NC, MB, DH), lambda i: (0, i, 0)),
    out_shape=jax.ShapeDtypeStruct((NC, NPAD, DH), jnp.float32),
)

_dense2 = pl.pallas_call(
    _dense2_body,
    grid=(_GRID,),
    in_specs=[
        pl.BlockSpec((NC, MB, DH), lambda i: (0, i, 0)),
        pl.BlockSpec((NC, MB, 8), lambda i: (0, i, 0)),
        pl.BlockSpec((D, D), lambda i: (0, 0)),
        pl.BlockSpec((1, D), lambda i: (0, 0)),
    ],
    out_specs=pl.BlockSpec((NC, MB, DH), lambda i: (0, i, 0)),
    out_shape=jax.ShapeDtypeStruct((NC, NPAD, DH), jnp.float32),
)

_head = pl.pallas_call(
    _head_body,
    grid=(1,),
    in_specs=[
        pl.BlockSpec((NC, B, DH), lambda i: (0, 0, 0)),
        pl.BlockSpec((NC, B, 8), lambda i: (0, 0, 0)),
        pl.BlockSpec((1, D), lambda i: (0, 0)),
        pl.BlockSpec((D, NCLS), lambda i: (0, 0)),
        pl.BlockSpec((1, NCLS), lambda i: (0, 0)),
    ],
    out_specs=(
        pl.BlockSpec((B, NCLS), lambda i: (0, 0)),
        pl.BlockSpec((B, NCLS), lambda i: (0, 0)),
        pl.BlockSpec((B, D), lambda i: (0, 0)),
    ),
    out_shape=(
        jax.ShapeDtypeStruct((B, NCLS), jnp.float32),
        jax.ShapeDtypeStruct((B, NCLS), jnp.float32),
        jax.ShapeDtypeStruct((B, D), jnp.float32),
    ),
)


def kernel(x, edge_index, batch_index, W1, b1, W2, b2, Wlin, blin):
    src = edge_index[0].astype(jnp.int32)
    dst = edge_index[1].astype(jnp.int32)
    e = src.shape[0]
    pad = EPAD - e
    srcp = jnp.concatenate([src, jnp.zeros((pad,), jnp.int32)])
    dstp = jnp.concatenate([dst, jnp.full((pad,), N, jnp.int32)])
    srcq = srcp.reshape(NCHT, CHUNK)
    dstq_deg = dstp.reshape(NC, NCHT // NC, CHUNK)
    dstq = dstp.reshape(NCHT, CHUNK)
    xp = jnp.concatenate([x, jnp.zeros((NPAD - N, D), jnp.float32)])
    zeros8 = jnp.zeros((NPAD, 8), jnp.float32)
    ones8 = jnp.ones((CHUNK, 8), jnp.float32)

    cnt = _deg_sc(dstq_deg, zeros8, ones8)
    t1 = _dense1(xp, W1, cnt)
    agg1 = _agg_full_sc(t1.reshape(NC * NPAD, DH), srcq, dstq)
    t2 = _dense2(agg1, cnt, W2, b1.reshape(1, D))
    bidx = batch_index.astype(jnp.int32)
    bidx2 = jnp.stack([bidx, bidx + NPAD])
    asel, csel = _agg_batch_sc(t2.reshape(NC * NPAD, DH), srcq, dstq,
                               cnt.reshape(NC * NPAD, 8), bidx2)
    logp, out, fsel = _head(asel, csel, b2.reshape(1, D), Wlin,
                            blin.reshape(1, NCLS))
    return (logp, out, fsel)

# --- scband reference (transcript-rebuilt; emitter-appended) ---
"""Pipeline reference for scband-gcn-7825430413942 (READ-ONLY COPY).

The authoritative reference and input builder live on the scoring server;
editing this copy changes nothing except your own understanding.
"""

import jax, jax.numpy as jnp
import numpy as np

N_NODES = 10000


def gcn_conv(x, edge_index, W, b):
    n = x.shape[0]
    src = edge_index[0]
    dst = edge_index[1]
    # add self loops (PyG GCNConv default)
    loop = jnp.arange(n, dtype=edge_index.dtype)
    src = jnp.concatenate([src, loop])
    dst = jnp.concatenate([dst, loop])
    # symmetric normalization: D^{-1/2} (A+I) D^{-1/2}
    deg = jnp.zeros((n,), dtype=x.dtype).at[dst].add(1.0)
    dis = jnp.where(deg > 0, jax.lax.rsqrt(deg), 0.0)
    norm = dis[src] * dis[dst]
    h = x @ W
    msg = h[src] * norm[:, None]
    out = jnp.zeros((n, W.shape[1]), dtype=x.dtype).at[dst].add(msg)
    return out + b


def setup_inputs(seed: int = 0) -> dict:
    key = jax.random.key(seed)
    ks = [jax.random.fold_in(key, i) for i in range(16)]
    hidden = 128
    num_features = 128
    num_classes = 10
    x = jax.random.normal(ks[0], (N_NODES, num_features), dtype=jnp.float32)
    edge_index = jax.random.randint(ks[1], (2, 320000), 0, N_NODES, dtype=jnp.int64)
    batch_index = jax.random.randint(ks[2], (1024,), 0, N_NODES, dtype=jnp.int64)
    s = 1.0 / np.sqrt(num_features)
    W1 = jax.random.uniform(ks[3], (num_features, hidden), minval=-s, maxval=s, dtype=jnp.float32)
    b1 = jnp.zeros((hidden,), dtype=jnp.float32)
    s2 = 1.0 / np.sqrt(hidden)
    W2 = jax.random.uniform(ks[4], (hidden, hidden), minval=-s2, maxval=s2, dtype=jnp.float32)
    b2 = jnp.zeros((hidden,), dtype=jnp.float32)
    Wlin = jax.random.uniform(ks[5], (hidden, num_classes), minval=-s2, maxval=s2, dtype=jnp.float32)
    blin = jax.random.uniform(ks[6], (num_classes,), minval=-s2, maxval=s2, dtype=jnp.float32)
    return {"x": x, "edge_index": edge_index, "batch_index": batch_index,
            "W1": W1, "b1": b1, "W2": W2, "b2": b2, "Wlin": Wlin, "blin": blin}


def reference(x, edge_index, batch_index, W1, b1, W2, b2, Wlin, blin):
    h = jax.nn.relu(gcn_conv(x, edge_index, W1, b1))
    h = jax.nn.relu(gcn_conv(h, edge_index, W2, b2))
    features = h
    h = jax.nn.relu(h @ Wlin + blin)
    out = h[batch_index]
    logp = jax.nn.log_softmax(out, axis=1)
    feats_sel = jax.lax.stop_gradient(features[batch_index])
    return (logp, out, feats_sel)

if __name__ == "__main__":
    import jax
    _d = setup_inputs()
    print(jax.jit(kernel)(*tuple(_d.values())))

</pallas_src>

<mosaic_0001>
#map = affine_map<(d0, d1) -> (0, 0)>
#map1 = affine_map<(d0, d1) -> (0, 0, 0)>
module attributes {stable_mosaic.version = 14 : i64} {
  func.func @_agg_batch_sc(%arg0: i32, %arg1: i32, %arg2: memref<20480x64xf32, #tpu.memory_space<hbm>>, %arg3: memref<2560x128xi32, #tpu.memory_space<hbm>>, %arg4: memref<2560x128xi32, #tpu.memory_space<hbm>>, %arg5: memref<20480x8xf32, #tpu.memory_space<hbm>>, %arg6: memref<2x1024xi32, #tpu.memory_space<hbm>>, %arg7: memref<2x1024x64xf32, #tpu.memory_space<hbm>>, %arg8: memref<2x1024x8xf32, #tpu.memory_space<hbm>>, %arg9: memref<80x128xi32, #tpu.memory_space<vmem>>, %arg10: memref<80x128xi32, #tpu.memory_space<vmem>>, %arg11: memref<2x128x64xf32, #tpu.memory_space<vmem>>, %arg12: memref<10240x64xf32, #tpu.memory_space<vmem_shared>>, %arg13: memref<10240x64xf32, #tpu.memory_space<vmem_shared>>, %arg14: memref<2x!tpu.dma_semaphore, #tpu.memory_space<semaphore_mem>>, %arg15: memref<2x!tpu.dma_semaphore, #tpu.memory_space<semaphore_mem>>, %arg16: memref<!tpu.dma_semaphore, #tpu.memory_space<semaphore_mem>>, %arg17: memref<64xi32, #tpu.memory_space<vmem>>, %arg18: memref<64xi32, #tpu.memory_space<vmem>>, %arg19: memref<64x64xf32, #tpu.memory_space<vmem>>, %arg20: memref<64x8xf32, #tpu.memory_space<vmem>>) attributes {dimension_semantics = [#tpu.dimension_semantics<core_parallel>, #tpu.dimension_semantics<subcore_parallel>], iteration_bounds = array<i64: 2, 16>, scalar_prefetch = 0 : i64, scratch_operands = 12 : i64, tpu.core_type = #tpu.core_type<sc_vector_subcore>, window_params = [{transform_indices = #map}, {transform_indices = #map}, {transform_indices = #map}, {transform_indices = #map}, {transform_indices = #map}, {transform_indices = #map1}, {transform_indices = #map1}]} {
    %mul3A = arith.constant 640 : i32
    %mul3A_0 = arith.muli %arg1, %mul3A : i32
    %mul3A_1 = arith.constant 10240 : i32
    %mul3A_2 = arith.muli %arg0, %mul3A_1 : i32
    %add3A = arith.addi %mul3A_2, %mul3A_0 : i32
    %dma_start3A = arith.constant 0 : i32
    %dma_start3A_3 = tpu.memref_slice %arg14[%dma_start3A] : memref<2x!tpu.dma_semaphore, #tpu.memory_space<semaphore_mem>> -> memref<1x!tpu.dma_semaphore, #tpu.memory_space<semaphore_mem>>
    %dma_start3A_4 = tpu.memref_squeeze %dma_start3A_3 : memref<1x!tpu.dma_semaphore, #tpu.memory_space<semaphore_mem>> -> memref<!tpu.dma_semaphore, #tpu.memory_space<semaphore_mem>>
    %dma_start3A_5 = arith.constant 0 : i32
    %dma_start3A_6 = tpu.memref_slice %arg12[%mul3A_0, %dma_start3A_5] : memref<10240x64xf32, #tpu.memory_space<vmem_shared>> -> memref<640x64xf32, #tpu.memory_space<vmem_shared>>
    %dma_start3A_7 = arith.constant 0 : i32
    %dma_start3A_8 = tpu.memref_slice %arg2[%add3A, %dma_start3A_7] : memref<20480x64xf32, #tpu.memory_space<hbm>> -> memref<640x64xf32, #tpu.memory_space<hbm>>
    tpu.enqueue_dma source(%dma_start3A_8 : memref<640x64xf32, #tpu.memory_space<hbm>>) target(%dma_start3A_6 : memref<640x64xf32, #tpu.memory_space<vmem_shared>>) target_semaphore(%dma_start3A_4 : memref<!tpu.dma_semaphore, #tpu.memory_space<semaphore_mem>>)
    %mul3A_9 = arith.constant 10240 : i32
    %mul3A_10 = arith.muli %arg0, %mul3A_9 : i32
    %add3A_11 = arith.addi %mul3A_10, %mul3A_0 : i32
    %dma_start3A_12 = arith.constant 1 : i32
    %dma_start3A_13 = tpu.memref_slice %arg14[%dma_start3A_12] : memref<2x!tpu.dma_semaphore, #tpu.memory_space<semaphore_mem>> -> memref<1x!tpu.dma_semaphore, #tpu.memory_space<semaphore_mem>>
    %dma_start3A_14 = tpu.memref_squeeze %dma_start3A_13 : memref<1x!tpu.dma_semaphore, #tpu.memory_space<semaphore_mem>> -> memref<!tpu.dma_semaphore, #tpu.memory_space<semaphore_mem>>
    %dma_start3A_15 = arith.constant 0 : i32
    %dma_start3A_16 = tpu.memref_slice %arg13[%mul3A_0, %dma_start3A_15] : memref<10240x64xf32, #tpu.memory_space<vmem_shared>> -> memref<640x64xf32, #tpu.memory_space<vmem_shared>>
    %dma_start3A_17 = arith.constant 0 : i32
    %dma_start3A_18 = tpu.memref_slice %arg2[%add3A_11, %dma_start3A_17] : memref<20480x64xf32, #tpu.memory_space<hbm>> -> memref<640x64xf32, #tpu.memory_space<hbm>>
    tpu.enqueue_dma source(%dma_start3A_18 : memref<640x64xf32, #tpu.memory_space<hbm>>) target(%dma_start3A_16 : memref<640x64xf32, #tpu.memory_space<vmem_shared>>) target_semaphore(%dma_start3A_14 : memref<!tpu.dma_semaphore, #tpu.memory_space<semaphore_mem>>)
    %mul3A_19 = arith.constant 160 : i32
    %mul3A_20 = arith.muli %arg1, %mul3A_19 : i32
    %dma_start3A_21 = arith.constant 0 : i32
    %dma_start3A_22 = arith.constant 0 : i32
    %dma_start3A_23 = tpu.memref_slice %arg3[%mul3A_20, %dma_start3A_22] : memref<2560x128xi32, #tpu.memory_space<hbm>> -> memref<80x128xi32, #tpu.memory_space<hbm>>
    %dma_start3A_24 = tpu.memref_slice %arg15[%dma_start3A_21] : memref<2x!tpu.dma_semaphore, #tpu.memory_space<semaphore_mem>> -> memref<1x!tpu.dma_semaphore, #tpu.memory_space<semaphore_mem>>
    %dma_start3A_25 = tpu.memref_squeeze %dma_start3A_24 : memref<1x!tpu.dma_semaphore, #tpu.memory_space<semaphore_mem>> -> memref<!tpu.dma_semaphore, #tpu.memory_space<semaphore_mem>>
    %dma_start3A_26 = arith.constant 0 : i32
    %dma_start3A_27 = tpu.memref_slice %arg3[%mul3A_20, %dma_start3A_26] : memref<2560x128xi32, #tpu.memory_space<hbm>> -> memref<80x128xi32, #tpu.memory_space<hbm>>
    tpu.enqueue_dma source(%dma_start3A_27 : memref<80x128xi32, #tpu.memory_space<hbm>>) target(%arg9 : memref<80x128xi32, #tpu.memory_space<vmem>>) target_semaphore(%dma_start3A_25 : memref<!tpu.dma_semaphore, #tpu.memory_space<semaphore_mem>>)
    %mul3A_28 = arith.constant 160 : i32
    %mul3A_29 = arith.muli %arg1, %mul3A_28 : i32
    %dma_start3A_30 = arith.constant 1 : i32
    %dma_start3A_31 = arith.constant 0 : i32
    %dma_start3A_32 = tpu.memref_slice %arg4[%mul3A_29, %dma_start3A_31] : memref<2560x128xi32, #tpu.memory_space<hbm>> -> memref<80x128xi32, #tpu.memory_space<hbm>>
    %dma_start3A_33 = tpu.memref_slice %arg15[%dma_start3A_30] : memref<2x!tpu.dma_semaphore, #tpu.memory_space<semaphore_mem>> -> memref<1x!tpu.dma_semaphore, #tpu.memory_space<semaphore_mem>>
    %dma_start3A_34 = tpu.memref_squeeze %dma_start3A_33 : memref<1x!tpu.dma_semaphore, #tpu.memory_space<semaphore_mem>> -> memref<!tpu.dma_semaphore, #tpu.memory_space<semaphore_mem>>
    %dma_start3A_35 = arith.constant 0 : i32
    %dma_start3A_36 = tpu.memref_slice %arg4[%mul3A_29, %dma_start3A_35] : memref<2560x128xi32, #tpu.memory_space<hbm>> -> memref<80x128xi32, #tpu.memory_space<hbm>>
    tpu.enqueue_dma source(%dma_start3A_36 : memref<80x128xi32, #tpu.memory_space<hbm>>) target(%arg10 : memref<80x128xi32, #tpu.memory_space<vmem>>) target_semaphore(%dma_start3A_34 : memref<!tpu.dma_semaphore, #tpu.memory_space<semaphore_mem>>)
    %dma_wait3A = arith.constant 0 : i32
    %dma_wait3A_37 = tpu.memref_slice %arg14[%dma_wait3A] : memref<2x!tpu.dma_semaphore, #tpu.memory_space<semaphore_mem>> -> memref<1x!tpu.dma_semaphore, #tpu.memory_space<semaphore_mem>>
    %dma_wait3A_38 = tpu.memref_squeeze %dma_wait3A_37 : memref<1x!tpu.dma_semaphore, #tpu.memory_space<semaphore_mem>> -> memref<!tpu.dma_semaphore, #tpu.memory_space<semaphore_mem>>
    %dma_wait3A_39 = arith.constant 0 : i32
    %dma_wait3A_40 = tpu.memref_slice %arg12[%mul3A_0, %dma_wait3A_39] : memref<10240x64xf32, #tpu.memory_space<vmem_shared>> -> memref<640x64xf32, #tpu.memory_space<vmem_shared>>
    %dma_wait3A_41 = arith.constant 0 : i32
    %dma_wait3A_42 = tpu.memref_slice %arg2[%add3A, %dma_wait3A_41] : memref<20480x64xf32, #tpu.memory_space<hbm>> -> memref<640x64xf32, #tpu.memory_space<hbm>>
    tpu.wait_dma2 semaphore(%dma_wait3A_38 : memref<!tpu.dma_semaphore, #tpu.memory_space<semaphore_mem>>) src(%dma_wait3A_42 : memref<640x64xf32, #tpu.memory_space<hbm>>) dst(%dma_wait3A_40 : memref<640x64xf32, #tpu.memory_space<vmem_shared>>)
    %dma_wait3A_43 = arith.constant 1 : i32
    %dma_wait3A_44 = tpu.memref_slice %arg14[%dma_wait3A_43] : memref<2x!tpu.dma_semaphore, #tpu.memory_space<semaphore_mem>> -> memref<1x!tpu.dma_semaphore, #tpu.memory_space<semaphore_mem>>
    %dma_wait3A_45 = tpu.memref_squeeze %dma_wait3A_44 : memref<1x!tpu.dma_semaphore, #tpu.memory_space<semaphore_mem>> -> memref<!tpu.dma_semaphore, #tpu.memory_space<semaphore_mem>>
    %dma_wait3A_46 = arith.constant 0 : i32
    %dma_wait3A_47 = tpu.memref_slice %arg13[%mul3A_0, %dma_wait3A_46] : memref<10240x64xf32, #tpu.memory_space<vmem_shared>> -> memref<640x64xf32, #tpu.memory_space<vmem_shared>>
    %dma_wait3A_48 = arith.constant 0 : i32
    %dma_wait3A_49 = tpu.memref_slice %arg2[%add3A_11, %dma_wait3A_48] : memref<20480x64xf32, #tpu.memory_space<hbm>> -> memref<640x64xf32, #tpu.memory_space<hbm>>
    tpu.wait_dma2 semaphore(%dma_wait3A_45 : memref<!tpu.dma_semaphore, #tpu.memory_space<semaphore_mem>>) src(%dma_wait3A_49 : memref<640x64xf32, #tpu.memory_space<hbm>>) dst(%dma_wait3A_47 : memref<640x64xf32, #tpu.memory_space<vmem_shared>>)
    %dma_wait3A_50 = arith.constant 0 : i32
    %dma_wait3A_51 = arith.constant 0 : i32
    %dma_wait3A_52 = tpu.memref_slice %arg3[%mul3A_20, %dma_wait3A_51] : memref<2560x128xi32, #tpu.memory_space<hbm>> -> memref<80x128xi32, #tpu.memory_space<hbm>>
    %dma_wait3A_53 = tpu.memref_slice %arg15[%dma_wait3A_50] : memref<2x!tpu.dma_semaphore, #tpu.memory_space<semaphore_mem>> -> memref<1x!tpu.dma_semaphore, #tpu.memory_space<semaphore_mem>>
    %dma_wait3A_54 = tpu.memref_squeeze %dma_wait3A_53 : memref<1x!tpu.dma_semaphore, #tpu.memory_space<semaphore_mem>> -> memref<!tpu.dma_semaphore, #tpu.memory_space<semaphore_mem>>
    %dma_wait3A_55 = arith.constant 0 : i32
    %dma_wait3A_56 = tpu.memref_slice %arg3[%mul3A_20, %dma_wait3A_55] : memref<2560x128xi32, #tpu.memory_space<hbm>> -> memref<80x128xi32, #tpu.memory_space<hbm>>
    tpu.wait_dma2 semaphore(%dma_wait3A_54 : memref<!tpu.dma_semaphore, #tpu.memory_space<semaphore_mem>>) src(%dma_wait3A_56 : memref<80x128xi32, #tpu.memory_space<hbm>>) dst(%arg9 : memref<80x128xi32, #tpu.memory_space<vmem>>)
    %dma_wait3A_57 = arith.constant 1 : i32
    %dma_wait3A_58 = arith.constant 0 : i32
    %dma_wait3A_59 = tpu.memref_slice %arg4[%mul3A_29, %dma_wait3A_58] : memref<2560x128xi32, #tpu.memory_space<hbm>> -> memref<80x128xi32, #tpu.memory_space<hbm>>
    %dma_wait3A_60 = tpu.memref_slice %arg15[%dma_wait3A_57] : memref<2x!tpu.dma_semaphore, #tpu.memory_space<semaphore_mem>> -> memref<1x!tpu.dma_semaphore, #tpu.memory_space<semaphore_mem>>
    %dma_wait3A_61 = tpu.memref_squeeze %dma_wait3A_60 : memref<1x!tpu.dma_semaphore, #tpu.memory_space<semaphore_mem>> -> memref<!tpu.dma_semaphore, #tpu.memory_space<semaphore_mem>>
    %dma_wait3A_62 = arith.constant 0 : i32
    %dma_wait3A_63 = tpu.memref_slice %arg4[%mul3A_29, %dma_wait3A_62] : memref<2560x128xi32, #tpu.memory_space<hbm>> -> memref<80x128xi32, #tpu.memory_space<hbm>>
    tpu.wait_dma2 semaphore(%dma_wait3A_61 : memref<!tpu.dma_semaphore, #tpu.memory_space<semaphore_mem>>) src(%dma_wait3A_63 : memref<80x128xi32, #tpu.memory_space<hbm>>) dst(%arg10 : memref<80x128xi32, #tpu.memory_space<vmem>>)
    %barrier3A = arith.constant 0 : index
    tpu.barrier barrier_id(%barrier3A)
    %dma_start3A_64 = arith.constant 0 : i32
    %dma_start3A_65 = arith.constant 0 : i32
    %dma_start3A_66 = arith.constant 0 : i32
    %dma_start3A_67 = arith.constant 0 : i32
    %dma_start3A_68 = arith.constant 0 : i32
    %dma_start3A_69 = tpu.memref_slice %arg11[%dma_start3A_65, %dma_start3A_67, %dma_start3A_68] : memref<2x128x64xf32, #tpu.memory_space<vmem>> -> memref<1x128x64xf32, #tpu.memory_space<vmem>>
    %dma_start3A_70 = tpu.memref_squeeze %dma_start3A_69 : memref<1x128x64xf32, #tpu.memory_space<vmem>> -> memref<128x64xf32, #tpu.memory_space<vmem>>
    %dma_start3A_71 = arith.constant 0 : i32
    %dma_start3A_72 = tpu.memref_slice %arg9[%dma_start3A_64, %dma_start3A_71] : memref<80x128xi32, #tpu.memory_space<vmem>> -> memref<1x128xi32, #tpu.memory_space<vmem>>
    %dma_start3A_73 = tpu.memref_squeeze %dma_start3A_72 : memref<1x128xi32, #tpu.memory_space<vmem>> -> memref<128xi32, #tpu.memory_space<vmem>>
    %dma_start3A_74 = arith.constant 0 : i32
    %dma_start3A_75 = arith.constant 0 : i32
    %dma_start3A_76 = tpu.memref_slice %arg12[%dma_start3A_74, %dma_start3A_75] : memref<10240x64xf32, #tpu.memory_space<vmem_shared>> -> memref<10240x64xf32, #tpu.memory_space<vmem_shared>>
    %dma_start3A_77 = tpu.memref_slice %arg14[%dma_start3A_66] : memref<2x!tpu.dma_semaphore, #tpu.memory_space<semaphore_mem>> -> memref<1x!tpu.dma_semaphore, #tpu.memory_space<semaphore_mem>>
    %dma_start3A_78 = tpu.memref_squeeze %dma_start3A_77 : memref<1x!tpu.dma_semaphore, #tpu.memory_space<semaphore_mem>> -> memref<!tpu.dma_semaphore, #tpu.memory_space<semaphore_mem>>
    tpu.enqueue_indirect_dma source(%dma_start3A_76 : memref<10240x64xf32, #tpu.memory_space<vmem_shared>>) target(%dma_start3A_70 : memref<128x64xf32, #tpu.memory_space<vmem>>) offsets(%dma_start3A_73 : memref<128xi32, #tpu.memory_space<vmem>>) semaphore(%dma_start3A_78 : memref<!tpu.dma_semaphore, #tpu.memory_space<semaphore_mem>>)
    %dma_start3A_79 = arith.constant 1 : i32
    %dma_start3A_80 = arith.constant 1 : i32
    %dma_start3A_81 = arith.constant 1 : i32
    %dma_start3A_82 = arith.constant 0 : i32
    %dma_start3A_83 = arith.constant 0 : i32
    %dma_start3A_84 = tpu.memref_slice %arg11[%dma_start3A_80, %dma_start3A_82, %dma_start3A_83] : memref<2x128x64xf32, #tpu.memory_space<vmem>> -> memref<1x128x64xf32, #tpu.memory_space<vmem>>
    %dma_start3A_85 = tpu.memref_squeeze %dma_start3A_84 : memref<1x128x64xf32, #tpu.memory_space<vmem>> -> memref<128x64xf32, #tpu.memory_space<vmem>>
    %dma_start3A_86 = arith.constant 0 : i32
    %dma_start3A_87 = tpu.memref_slice %arg9[%dma_start3A_79, %dma_start3A_86] : memref<80x128xi32, #tpu.memory_space<vmem>> -> memref<1x128xi32, #tpu.memory_space<vmem>>
    %dma_start3A_88 = tpu.memref_squeeze %dma_start3A_87 : memref<1x128xi32, #tpu.memory_space<vmem>> -> memref<128xi32, #tpu.memory_space<vmem>>
    %dma_start3A_89 = arith.constant 0 : i32
    %dma_start3A_90 = arith.constant 0 : i32
    %dma_start3A_91 = tpu.memref_slice %arg12[%dma_start3A_89, %dma_start3A_90] : memref<10240x64xf32, #tpu.memory_space<vmem_shared>> -> memref<10240x64xf32, #tpu.memory_space<vmem_shared>>
    %dma_start3A_92 = tpu.memref_slice %arg14[%dma_start3A_81] : memref<2x!tpu.dma_semaphore, #tpu.memory_space<semaphore_mem>> -> memref<1x!tpu.dma_semaphore, #tpu.memory_space<semaphore_mem>>
    %dma_start3A_93 = tpu.memref_squeeze %dma_start3A_92 : memref<1x!tpu.dma_semaphore, #tpu.memory_space<semaphore_mem>> -> memref<!tpu.dma_semaphore, #tpu.memory_space<semaphore_mem>>
    tpu.enqueue_indirect_dma source(%dma_start3A_91 : memref<10240x64xf32, #tpu.memory_space<vmem_shared>>) target(%dma_start3A_85 : memref<128x64xf32, #tpu.memory_space<vmem>>) offsets(%dma_start3A_88 : memref<128xi32, #tpu.memory_space<vmem>>) semaphore(%dma_start3A_93 : memref<!tpu.dma_semaphore, #tpu.memory_space<semaphore_mem>>)
    %scan3A = arith.constant 0 : i32
    %scan3A_94 = arith.constant 0 : i32
    %scan3A_95 = arith.constant 39 : i32
    %scan3A_96 = arith.addi %scan3A_94, %scan3A_95 : i32
    %scan3A_97 = arith.constant 1 : i32
    scf.for %scan3A_434 = %scan3A_94 to %scan3A_96 step %scan3A_97  : i32 {
      %mul3A_435 = arith.constant 2 : i32
      %mul3A_436 = arith.muli %scan3A_434, %mul3A_435 : i32
      %add3A_437 = arith.constant 0 : i32
      %add3A_438 = arith.addi %mul3A_436, %add3A_437 : i32
      %dma_wait3A_439 = arith.constant 0 : i32
      %dma_wait3A_440 = arith.constant 0 : i32
      %dma_wait3A_441 = arith.constant 0 : i32
      %dma_wait3A_442 = arith.constant 0 : i32
      %dma_wait3A_443 = tpu.memref_slice %arg11[%dma_wait3A_439, %dma_wait3A_441, %dma_wait3A_442] : memref<2x128x64xf32, #tpu.memory_space<vmem>> -> memref<1x128x64xf32, #tpu.memory_space<vmem>>
      %dma_wait3A_444 = tpu.memref_squeeze %dma_wait3A_443 : memref<1x128x64xf32, #tpu.memory_space<vmem>> -> memref<128x64xf32, #tpu.memory_space<vmem>>
      %dma_wait3A_445 = arith.constant 0 : i32
      %dma_wait3A_446 = tpu.memref_slice %arg9[%add3A_438, %dma_wait3A_445] : memref<80x128xi32, #tpu.memory_space<vmem>> -> memref<1x128xi32, #tpu.memory_space<vmem>>
      %dma_wait3A_447 = tpu.memref_squeeze %dma_wait3A_446 : memref<1x128xi32, #tpu.memory_space<vmem>> -> memref<128xi32, #tpu.memory_space<vmem>>
      %dma_wait3A_448 = arith.constant 0 : i32
      %dma_wait3A_449 = arith.constant 0 : i32
      %dma_wait3A_450 = tpu.memref_slice %arg12[%dma_wait3A_448, %dma_wait3A_449] : memref<10240x64xf32, #tpu.memory_space<vmem_shared>> -> memref<10240x64xf32, #tpu.memory_space<vmem_shared>>
      %dma_wait3A_451 = tpu.memref_slice %arg14[%dma_wait3A_440] : memref<2x!tpu.dma_semaphore, #tpu.memory_space<semaphore_mem>> -> memref<1x!tpu.dma_semaphore, #tpu.memory_space<semaphore_mem>>
      %dma_wait3A_452 = tpu.memref_squeeze %dma_wait3A_451 : memref<1x!tpu.dma_semaphore, #tpu.memory_space<semaphore_mem>> -> memref<!tpu.dma_semaphore, #tpu.memory_space<semaphore_mem>>
      tpu.wait_indirect_dma semaphore(%dma_wait3A_452 : memref<!tpu.dma_semaphore, #tpu.memory_space<semaphore_mem>>) src(%dma_wait3A_450 : memref<10240x64xf32, #tpu.memory_space<vmem_shared>>) dst(%dma_wait3A_444 : memref<128x64xf32, #tpu.memory_space<vmem>>)
      %add3A_453 = arith.constant 0 : i32
      %add3A_454 = arith.addi %mul3A_436, %add3A_453 : i32
      %dma_start3A_455 = arith.constant 0 : i32
      %dma_start3A_456 = arith.constant 0 : i32
      %dma_start3A_457 = arith.constant 0 : i32
      %dma_start3A_458 = arith.constant 0 : i32
      %dma_start3A_459 = tpu.memref_slice %arg11[%dma_start3A_455, %dma_start3A_457, %dma_start3A_458] : memref<2x128x64xf32, #tpu.memory_space<vmem>> -> memref<1x128x64xf32, #tpu.memory_space<vmem>>
      %dma_start3A_460 = tpu.memref_squeeze %dma_start3A_459 : memref<1x128x64xf32, #tpu.memory_space<vmem>> -> memref<128x64xf32, #tpu.memory_space<vmem>>
      %dma_start3A_461 = arith.constant 0 : i32
      %dma_start3A_462 = tpu.memref_slice %arg10[%add3A_454, %dma_start3A_461] : memref<80x128xi32, #tpu.memory_space<vmem>> -> memref<1x128xi32, #tpu.memory_space<vmem>>
      %dma_start3A_463 = tpu.memref_squeeze %dma_start3A_462 : memref<1x128xi32, #tpu.memory_space<vmem>> -> memref<128xi32, #tpu.memory_space<vmem>>
      %dma_start3A_464 = arith.constant 0 : i32
      %dma_start3A_465 = arith.constant 0 : i32
      %dma_start3A_466 = tpu.memref_slice %arg13[%dma_start3A_464, %dma_start3A_465] : memref<10240x64xf32, #tpu.memory_space<vmem_shared>> -> memref<10240x64xf32, #tpu.memory_space<vmem_shared>>
      %dma_start3A_467 = tpu.memref_slice %arg15[%dma_start3A_456] : memref<2x!tpu.dma_semaphore, #tpu.memory_space<semaphore_mem>> -> memref<1x!tpu.dma_semaphore, #tpu.memory_space<semaphore_mem>>
      %dma_start3A_468 = tpu.memref_squeeze %dma_start3A_467 : memref<1x!tpu.dma_semaphore, #tpu.memory_space<semaphore_mem>> -> memref<!tpu.dma_semaphore, #tpu.memory_space<semaphore_mem>>
      tpu.enqueue_indirect_dma source(%dma_start3A_460 : memref<128x64xf32, #tpu.memory_space<vmem>>) target(%dma_start3A_466 : memref<10240x64xf32, #tpu.memory_space<vmem_shared>>) offsets(%dma_start3A_463 : memref<128xi32, #tpu.memory_space<vmem>>) semaphore(%dma_start3A_468 : memref<!tpu.dma_semaphore, #tpu.memory_space<semaphore_mem>>) {add = true}
      %add3A_469 = arith.constant 1 : i32
      %add3A_470 = arith.addi %mul3A_436, %add3A_469 : i32
      %dma_wait3A_471 = arith.constant 1 : i32
      %dma_wait3A_472 = arith.constant 1 : i32
      %dma_wait3A_473 = arith.constant 0 : i32
      %dma_wait3A_474 = arith.constant 0 : i32
      %dma_wait3A_475 = tpu.memref_slice %arg11[%dma_wait3A_471, %dma_wait3A_473, %dma_wait3A_474] : memref<2x128x64xf32, #tpu.memory_space<vmem>> -> memref<1x128x64xf32, #tpu.memory_space<vmem>>
      %dma_wait3A_476 = tpu.memref_squeeze %dma_wait3A_475 : memref<1x128x64xf32, #tpu.memory_space<vmem>> -> memref<128x64xf32, #tpu.memory_space<vmem>>
      %dma_wait3A_477 = arith.constant 0 : i32
      %dma_wait3A_478 = tpu.memref_slice %arg9[%add3A_470, %dma_wait3A_477] : memref<80x128xi32, #tpu.memory_space<vmem>> -> memref<1x128xi32, #tpu.memory_space<vmem>>
      %dma_wait3A_479 = tpu.memref_squeeze %dma_wait3A_478 : memref<1x128xi32, #tpu.memory_space<vmem>> -> memref<128xi32, #tpu.memory_space<vmem>>
      %dma_wait3A_480 = arith.constant 0 : i32
      %dma_wait3A_481 = arith.constant 0 : i32
      %dma_wait3A_482 = tpu.memref_slice %arg12[%dma_wait3A_480, %dma_wait3A_481] : memref<10240x64xf32, #tpu.memory_space<vmem_shared>> -> memref<10240x64xf32, #tpu.memory_space<vmem_shared>>
      %dma_wait3A_483 = tpu.memref_slice %arg14[%dma_wait3A_472] : memref<2x!tpu.dma_semaphore, #tpu.memory_space<semaphore_mem>> -> memref<1x!tpu.dma_semaphore, #tpu.memory_space<semaphore_mem>>
      %dma_wait3A_484 = tpu.memref_squeeze %dma_wait3A_483 : memref<1x!tpu.dma_semaphore, #tpu.memory_space<semaphore_mem>> -> memref<!tpu.dma_semaphore, #tpu.memory_space<semaphore_mem>>
      tpu.wait_indirect_dma semaphore(%dma_wait3A_484 : memref<!tpu.dma_semaphore, #tpu.memory_space<semaphore_mem>>) src(%dma_wait3A_482 : memref<10240x64xf32, #tpu.memory_space<vmem_shared>>) dst(%dma_wait3A_476 : memref<128x64xf32, #tpu.memory_space<vmem>>)
      %add3A_485 = arith.constant 1 : i32
      %add3A_486 = arith.addi %mul3A_436, %add3A_485 : i32
      %dma_start3A_487 = arith.constant 1 : i32
      %dma_start3A_488 = arith.constant 1 : i32
      %dma_start3A_489 = arith.constant 0 : i32
      %dma_start3A_490 = arith.constant 0 : i32
      %dma_start3A_491 = tpu.memref_slice %arg11[%dma_start3A_487, %dma_start3A_489, %dma_start3A_490] : memref<2x128x64xf32, #tpu.memory_space<vmem>> -> memref<1x128x64xf32, #tpu.memory_space<vmem>>
      %dma_start3A_492 = tpu.memref_squeeze %dma_start3A_491 : memref<1x128x64xf32, #tpu.memory_space<vmem>> -> memref<128x64xf32, #tpu.memory_space<vmem>>
      %dma_start3A_493 = arith.constant 0 : i32
      %dma_start3A_494 = tpu.memref_slice %arg10[%add3A_486, %dma_start3A_493] : memref<80x128xi32, #tpu.memory_space<vmem>> -> memref<1x128xi32, #tpu.memory_space<vmem>>
      %dma_start3A_495 = tpu.memref_squeeze %dma_start3A_494 : memref<1x128xi32, #tpu.memory_space<vmem>> -> memref<128xi32, #tpu.memory_space<vmem>>
      %dma_start3A_496 = arith.constant 0 : i32
      %dma_start3A_497 = arith.constant 0 : i32
      %dma_start3A_498 = tpu.memref_slice %arg13[%dma_start3A_496, %dma_start3A_497] : memref<10240x64xf32, #tpu.memory_space<vmem_shared>> -> memref<10240x64xf32, #tpu.memory_space<vmem_shared>>
      %dma_start3A_499 = tpu.memref_slice %arg15[%dma_start3A_488] : memref<2x!tpu.dma_semaphore, #tpu.memory_space<semaphore_mem>> -> memref<1x!tpu.dma_semaphore, #tpu.memory_space<semaphore_mem>>
      %dma_start3A_500 = tpu.memref_squeeze %dma_start3A_499 : memref<1x!tpu.dma_semaphore, #tpu.memory_space<semaphore_mem>> -> memref<!tpu.dma_semaphore, #tpu.memory_space<semaphore_mem>>
      tpu.enqueue_indirect_dma source(%dma_start3A_492 : memref<128x64xf32, #tpu.memory_space<vmem>>) target(%dma_start3A_498 : memref<10240x64xf32, #tpu.memory_space<vmem_shared>>) offsets(%dma_start3A_495 : memref<128xi32, #tpu.memory_space<vmem>>) semaphore(%dma_start3A_500 : memref<!tpu.dma_semaphore, #tpu.memory_space<semaphore_mem>>) {add = true}
      %add3A_501 = arith.constant 0 : i32
      %add3A_502 = arith.addi %mul3A_436, %add3A_501 : i32
      %dma_wait3A_503 = arith.constant 0 : i32
      %dma_wait3A_504 = arith.constant 0 : i32
      %dma_wait3A_505 = arith.constant 0 : i32
      %dma_wait3A_506 = arith.constant 0 : i32
      %dma_wait3A_507 = tpu.memref_slice %arg11[%dma_wait3A_503, %dma_wait3A_505, %dma_wait3A_506] : memref<2x128x64xf32, #tpu.memory_space<vmem>> -> memref<1x128x64xf32, #tpu.memory_space<vmem>>
      %dma_wait3A_508 = tpu.memref_squeeze %dma_wait3A_507 : memref<1x128x64xf32, #tpu.memory_space<vmem>> -> memref<128x64xf32, #tpu.memory_space<vmem>>
      %dma_wait3A_509 = arith.constant 0 : i32
      %dma_wait3A_510 = tpu.memref_slice %arg10[%add3A_502, %dma_wait3A_509] : memref<80x128xi32, #tpu.memory_space<vmem>> -> memref<1x128xi32, #tpu.memory_space<vmem>>
      %dma_wait3A_511 = tpu.memref_squeeze %dma_wait3A_510 : memref<1x128xi32, #tpu.memory_space<vmem>> -> memref<128xi32, #tpu.memory_space<vmem>>
      %dma_wait3A_512 = arith.constant 0 : i32
      %dma_wait3A_513 = arith.constant 0 : i32
      %dma_wait3A_514 = tpu.memref_slice %arg13[%dma_wait3A_512, %dma_wait3A_513] : memref<10240x64xf32, #tpu.memory_space<vmem_shared>> -> memref<10240x64xf32, #tpu.memory_space<vmem_shared>>
      %dma_wait3A_515 = tpu.memref_slice %arg15[%dma_wait3A_504] : memref<2x!tpu.dma_semaphore, #tpu.memory_space<semaphore_mem>> -> memref<1x!tpu.dma_semaphore, #tpu.memory_space<semaphore_mem>>
      %dma_wait3A_516 = tpu.memref_squeeze %dma_wait3A_515 : memref<1x!tpu.dma_semaphore, #tpu.memory_space<semaphore_mem>> -> memref<!tpu.dma_semaphore, #tpu.memory_space<semaphore_mem>>
      tpu.wait_indirect_dma semaphore(%dma_wait3A_516 : memref<!tpu.dma_semaphore, #tpu.memory_space<semaphore_mem>>) src(%dma_wait3A_508 : memref<128x64xf32, #tpu.memory_space<vmem>>) dst(%dma_wait3A_514 : memref<10240x64xf32, #tpu.memory_space<vmem_shared>>)
      %add3A_517 = arith.constant 2 : i32
      %add3A_518 = arith.addi %mul3A_436, %add3A_517 : i32
      %add3A_519 = arith.constant 0 : i32
      %add3A_520 = arith.addi %add3A_518, %add3A_519 : i32
      %dma_start3A_521 = arith.constant 0 : i32
      %dma_start3A_522 = arith.constant 0 : i32
      %dma_start3A_523 = arith.constant 0 : i32
      %dma_start3A_524 = arith.constant 0 : i32
      %dma_start3A_525 = tpu.memref_slice %arg11[%dma_start3A_521, %dma_start3A_523, %dma_start3A_524] : memref<2x128x64xf32, #tpu.memory_space<vmem>> -> memref<1x128x64xf32, #tpu.memory_space<vmem>>
      %dma_start3A_526 = tpu.memref_squeeze %dma_start3A_525 : memref<1x128x64xf32, #tpu.memory_space<vmem>> -> memref<128x64xf32, #tpu.memory_space<vmem>>
      %dma_start3A_527 = arith.constant 0 : i32
      %dma_start3A_528 = tpu.memref_slice %arg9[%add3A_520, %dma_start3A_527] : memref<80x128xi32, #tpu.memory_space<vmem>> -> memref<1x128xi32, #tpu.memory_space<vmem>>
      %dma_start3A_529 = tpu.memref_squeeze %dma_start3A_528 : memref<1x128xi32, #tpu.memory_space<vmem>> -> memref<128xi32, #tpu.memory_space<vmem>>
      %dma_start3A_530 = arith.constant 0 : i32
      %dma_start3A_531 = arith.constant 0 : i32
      %dma_start3A_532 = tpu.memref_slice %arg12[%dma_start3A_530, %dma_start3A_531] : memref<10240x64xf32, #tpu.memory_space<vmem_shared>> -> memref<10240x64xf32, #tpu.memory_space<vmem_shared>>
      %dma_start3A_533 = tpu.memref_slice %arg14[%dma_start3A_522] : memref<2x!tpu.dma_semaphore, #tpu.memory_space<semaphore_mem>> -> memref<1x!tpu.dma_semaphore, #tpu.memory_space<semaphore_mem>>
      %dma_start3A_534 = tpu.memref_squeeze %dma_start3A_533 : memref<1x!tpu.dma_semaphore, #tpu.memory_space<semaphore_mem>> -> memref<!tpu.dma_semaphore, #tpu.memory_space<semaphore_mem>>
      tpu.enqueue_indirect_dma source(%dma_start3A_532 : memref<10240x64xf32, #tpu.memory_space<vmem_shared>>) target(%dma_start3A_526 : memref<128x64xf32, #tpu.memory_space<vmem>>) offsets(%dma_start3A_529 : memref<128xi32, #tpu.memory_space<vmem>>) semaphore(%dma_start3A_534 : memref<!tpu.dma_semaphore, #tpu.memory_space<semaphore_mem>>)
      %add3A_535 = arith.constant 1 : i32
      %add3A_536 = arith.addi %mul3A_436, %add3A_535 : i32
      %dma_wait3A_537 = arith.constant 1 : i32
      %dma_wait3A_538 = arith.constant 1 : i32
      %dma_wait3A_539 = arith.constant 0 : i32
      %dma_wait3A_540 = arith.constant 0 : i32
      %dma_wait3A_541 = tpu.memref_slice %arg11[%dma_wait3A_537, %dma_wait3A_539, %dma_wait3A_540] : memref<2x128x64xf32, #tpu.memory_space<vmem>> -> memref<1x128x64xf32, #tpu.memory_space<vmem>>
      %dma_wait3A_542 = tpu.memref_squeeze %dma_wait3A_541 : memref<1x128x64xf32, #tpu.memory_space<vmem>> -> memref<128x64xf32, #tpu.memory_space<vmem>>
      %dma_wait3A_543 = arith.constant 0 : i32
      %dma_wait3A_544 = tpu.memref_slice %arg10[%add3A_536, %dma_wait3A_543] : memref<80x128xi32, #tpu.memory_space<vmem>> -> memref<1x128xi32, #tpu.memory_space<vmem>>
      %dma_wait3A_545 = tpu.memref_squeeze %dma_wait3A_544 : memref<1x128xi32, #tpu.memory_space<vmem>> -> memref<128xi32, #tpu.memory_space<vmem>>
      %dma_wait3A_546 = arith.constant 0 : i32
      %dma_wait3A_547 = arith.constant 0 : i32
      %dma_wait3A_548 = tpu.memref_slice %arg13[%dma_wait3A_546, %dma_wait3A_547] : memref<10240x64xf32, #tpu.memory_space<vmem_shared>> -> memref<10240x64xf32, #tpu.memory_space<vmem_shared>>
      %dma_wait3A_549 = tpu.memref_slice %arg15[%dma_wait3A_538] : memref<2x!tpu.dma_semaphore, #tpu.memory_space<semaphore_mem>> -> memref<1x!tpu.dma_semaphore, #tpu.memory_space<semaphore_mem>>
      %dma_wait3A_550 = tpu.memref_squeeze %dma_wait3A_549 : memref<1x!tpu.dma_semaphore, #tpu.memory_space<semaphore_mem>> -> memref<!tpu.dma_semaphore, #tpu.memory_space<semaphore_mem>>
      tpu.wait_indirect_dma semaphore(%dma_wait3A_550 : memref<!tpu.dma_semaphore, #tpu.memory_space<semaphore_mem>>) src(%dma_wait3A_542 : memref<128x64xf32, #tpu.memory_space<vmem>>) dst(%dma_wait3A_548 : memref<10240x64xf32, #tpu.memory_space<vmem_shared>>)
      %add3A_551 = arith.constant 2 : i32
      %add3A_552 = arith.addi %mul3A_436, %add3A_551 : i32
      %add3A_553 = arith.constant 1 : i32
      %add3A_554 = arith.addi %add3A_552, %add3A_553 : i32
      %dma_start3A_555 = arith.constant 1 : i32
      %dma_start3A_556 = arith.constant 1 : i32
      %dma_start3A_557 = arith.constant 0 : i32
      %dma_start3A_558 = arith.constant 0 : i32
      %dma_start3A_559 = tpu.memref_slice %arg11[%dma_start3A_555, %dma_start3A_557, %dma_start3A_558] : memref<2x128x64xf32, #tpu.memory_space<vmem>> -> memref<1x128x64xf32, #tpu.memory_space<vmem>>
      %dma_start3A_560 = tpu.memref_squeeze %dma_start3A_559 : memref<1x128x64xf32, #tpu.memory_space<vmem>> -> memref<128x64xf32, #tpu.memory_space<vmem>>
      %dma_start3A_561 = arith.constant 0 : i32
      %dma_start3A_562 = tpu.memref_slice %arg9[%add3A_554, %dma_start3A_561] : memref<80x128xi32, #tpu.memory_space<vmem>> -> memref<1x128xi32, #tpu.memory_space<vmem>>
      %dma_start3A_563 = tpu.memref_squeeze %dma_start3A_562 : memref<1x128xi32, #tpu.memory_space<vmem>> -> memref<128xi32, #tpu.memory_space<vmem>>
      %dma_start3A_564 = arith.constant 0 : i32
      %dma_start3A_565 = arith.constant 0 : i32
      %dma_start3A_566 = tpu.memref_slice %arg12[%dma_start3A_564, %dma_start3A_565] : memref<10240x64xf32, #tpu.memory_space<vmem_shared>> -> memref<10240x64xf32, #tpu.memory_space<vmem_shared>>
      %dma_start3A_567 = tpu.memref_slice %arg14[%dma_start3A_556] : memref<2x!tpu.dma_semaphore, #tpu.memory_space<semaphore_mem>> -> memref<1x!tpu.dma_semaphore, #tpu.memory_space<semaphore_mem>>
      %dma_start3A_568 = tpu.memref_squeeze %dma_start3A_567 : memref<1x!tpu.dma_semaphore, #tpu.memory_space<semaphore_mem>> -> memref<!tpu.dma_semaphore, #tpu.memory_space<semaphore_mem>>
      tpu.enqueue_indirect_dma source(%dma_start3A_566 : memref<10240x64xf32, #tpu.memory_space<vmem_shared>>) target(%dma_start3A_560 : memref<128x64xf32, #tpu.memory_space<vmem>>) offsets(%dma_start3A_563 : memref<128xi32, #tpu.memory_space<vmem>>) semaphore(%dma_start3A_568 : memref<!tpu.dma_semaphore, #tpu.memory_space<semaphore_mem>>)
    }
    %scan3A_98 = arith.constant 39 : i32
    %dma_wait3A_99 = arith.constant 78 : i32
    %dma_wait3A_100 = arith.constant 0 : i32
    %dma_wait3A_101 = arith.constant 0 : i32
    %dma_wait3A_102 = arith.constant 0 : i32
    %dma_wait3A_103 = arith.constant 0 : i32
    %dma_wait3A_104 = tpu.memref_slice %arg11[%dma_wait3A_100, %dma_wait3A_102, %dma_wait3A_103] : memref<2x128x64xf32, #tpu.memory_space<vmem>> -> memref<1x128x64xf32, #tpu.memory_space<vmem>>
    %dma_wait3A_105 = tpu.memref_squeeze %dma_wait3A_104 : memref<1x128x64xf32, #tpu.memory_space<vmem>> -> memref<128x64xf32, #tpu.memory_space<vmem>>
    %dma_wait3A_106 = arith.constant 0 : i32
    %dma_wait3A_107 = tpu.memref_slice %arg9[%dma_wait3A_99, %dma_wait3A_106] : memref<80x128xi32, #tpu.memory_space<vmem>> -> memref<1x128xi32, #tpu.memory_space<vmem>>
    %dma_wait3A_108 = tpu.memref_squeeze %dma_wait3A_107 : memref<1x128xi32, #tpu.memory_space<vmem>> -> memref<128xi32, #tpu.memory_space<vmem>>
    %dma_wait3A_109 = arith.constant 0 : i32
    %dma_wait3A_110 = arith.constant 0 : i32
    %dma_wait3A_111 = tpu.memref_slice %arg12[%dma_wait3A_109, %dma_wait3A_110] : memref<10240x64xf32, #tpu.memory_space<vmem_shared>> -> memref<10240x64xf32, #tpu.memory_space<vmem_shared>>
    %dma_wait3A_112 = tpu.memref_slice %arg14[%dma_wait3A_101] : memref<2x!tpu.dma_semaphore, #tpu.memory_space<semaphore_mem>> -> memref<1x!tpu.dma_semaphore, #tpu.memory_space<semaphore_mem>>
    %dma_wait3A_113 = tpu.memref_squeeze %dma_wait3A_112 : memref<1x!tpu.dma_semaphore, #tpu.memory_space<semaphore_mem>> -> memref<!tpu.dma_semaphore, #tpu.memory_space<semaphore_mem>>
    tpu.wait_indirect_dma semaphore(%dma_wait3A_113 : memref<!tpu.dma_semaphore, #tpu.memory_space<semaphore_mem>>) src(%dma_wait3A_111 : memref<10240x64xf32, #tpu.memory_space<vmem_shared>>) dst(%dma_wait3A_105 : memref<128x64xf32, #tpu.memory_space<vmem>>)
    %dma_start3A_114 = arith.constant 0 : i32
    %dma_start3A_115 = arith.constant 78 : i32
    %dma_start3A_116 = arith.constant 0 : i32
    %dma_start3A_117 = arith.constant 0 : i32
    %dma_start3A_118 = arith.constant 0 : i32
    %dma_start3A_119 = tpu.memref_slice %arg11[%dma_start3A_114, %dma_start3A_117, %dma_start3A_118] : memref<2x128x64xf32, #tpu.memory_space<vmem>> -> memref<1x128x64xf32, #tpu.memory_space<vmem>>
    %dma_start3A_120 = tpu.memref_squeeze %dma_start3A_119 : memref<1x128x64xf32, #tpu.memory_space<vmem>> -> memref<128x64xf32, #tpu.memory_space<vmem>>
    %dma_start3A_121 = arith.constant 0 : i32
    %dma_start3A_122 = tpu.memref_slice %arg10[%dma_start3A_115, %dma_start3A_121] : memref<80x128xi32, #tpu.memory_space<vmem>> -> memref<1x128xi32, #tpu.memory_space<vmem>>
    %dma_start3A_123 = tpu.memref_squeeze %dma_start3A_122 : memref<1x128xi32, #tpu.memory_space<vmem>> -> memref<128xi32, #tpu.memory_space<vmem>>
    %dma_start3A_124 = arith.constant 0 : i32
    %dma_start3A_125 = arith.constant 0 : i32
    %dma_start3A_126 = tpu.memref_slice %arg13[%dma_start3A_124, %dma_start3A_125] : memref<10240x64xf32, #tpu.memory_space<vmem_shared>> -> memref<10240x64xf32, #tpu.memory_space<vmem_shared>>
    %dma_start3A_127 = tpu.memref_slice %arg15[%dma_start3A_116] : memref<2x!tpu.dma_semaphore, #tpu.memory_space<semaphore_mem>> -> memref<1x!tpu.dma_semaphore, #tpu.memory_space<semaphore_mem>>
    %dma_start3A_128 = tpu.memref_squeeze %dma_start3A_127 : memref<1x!tpu.dma_semaphore, #tpu.memory_space<semaphore_mem>> -> memref<!tpu.dma_semaphore, #tpu.memory_space<semaphore_mem>>
    tpu.enqueue_indirect_dma source(%dma_start3A_120 : memref<128x64xf32, #tpu.memory_space<vmem>>) target(%dma_start3A_126 : memref<10240x64xf32, #tpu.memory_space<vmem_shared>>) offsets(%dma_start3A_123 : memref<128xi32, #tpu.memory_space<vmem>>) semaphore(%dma_start3A_128 : memref<!tpu.dma_semaphore, #tpu.memory_space<semaphore_mem>>) {add = true}
    %dma_wait3A_129 = arith.constant 79 : i32
    %dma_wait3A_130 = arith.constant 1 : i32
    %dma_wait3A_131 = arith.constant 1 : i32
    %dma_wait3A_132 = arith.constant 0 : i32
    %dma_wait3A_133 = arith.constant 0 : i32
    %dma_wait3A_134 = tpu.memref_slice %arg11[%dma_wait3A_130, %dma_wait3A_132, %dma_wait3A_133] : memref<2x128x64xf32, #tpu.memory_space<vmem>> -> memref<1x128x64xf32, #tpu.memory_space<vmem>>
    %dma_wait3A_135 = tpu.memref_squeeze %dma_wait3A_134 : memref<1x128x64xf32, #tpu.memory_space<vmem>> -> memref<128x64xf32, #tpu.memory_space<vmem>>
    %dma_wait3A_136 = arith.constant 0 : i32
    %dma_wait3A_137 = tpu.memref_slice %arg9[%dma_wait3A_129, %dma_wait3A_136] : memref<80x128xi32, #tpu.memory_space<vmem>> -> memref<1x128xi32, #tpu.memory_space<vmem>>
    %dma_wait3A_138 = tpu.memref_squeeze %dma_wait3A_137 : memref<1x128xi32, #tpu.memory_space<vmem>> -> memref<128xi32, #tpu.memory_space<vmem>>
    %dma_wait3A_139 = arith.constant 0 : i32
    %dma_wait3A_140 = arith.constant 0 : i32
    %dma_wait3A_141 = tpu.memref_slice %arg12[%dma_wait3A_139, %dma_wait3A_140] : memref<10240x64xf32, #tpu.memory_space<vmem_shared>> -> memref<10240x64xf32, #tpu.memory_space<vmem_shared>>
    %dma_wait3A_142 = tpu.memref_slice %arg14[%dma_wait3A_131] : memref<2x!tpu.dma_semaphore, #tpu.memory_space<semaphore_mem>> -> memref<1x!tpu.dma_semaphore, #tpu.memory_space<semaphore_mem>>
    %dma_wait3A_143 = tpu.memref_squeeze %dma_wait3A_142 : memref<1x!tpu.dma_semaphore, #tpu.memory_space<semaphore_mem>> -> memref<!tpu.dma_semaphore, #tpu.memory_space<semaphore_mem>>
    tpu.wait_indirect_dma semaphore(%dma_wait3A_143 : memref<!tpu.dma_semaphore, #tpu.memory_space<semaphore_mem>>) src(%dma_wait3A_141 : memref<10240x64xf32, #tpu.memory_space<vmem_shared>>) dst(%dma_wait3A_135 : memref<128x64xf32, #tpu.memory_space<vmem>>)
    %dma_start3A_144 = arith.constant 1 : i32
    %dma_start3A_145 = arith.constant 79 : i32
    %dma_start3A_146 = arith.constant 1 : i32
    %dma_start3A_147 = arith.constant 0 : i32
    %dma_start3A_148 = arith.constant 0 : i32
    %dma_start3A_149 = tpu.memref_slice %arg11[%dma_start3A_144, %dma_start3A_147, %dma_start3A_148] : memref<2x128x64xf32, #tpu.memory_space<vmem>> -> memref<1x128x64xf32, #tpu.memory_space<vmem>>
    %dma_start3A_150 = tpu.memref_squeeze %dma_start3A_149 : memref<1x128x64xf32, #tpu.memory_space<vmem>> -> memref<128x64xf32, #tpu.memory_space<vmem>>
    %dma_start3A_151 = arith.constant 0 : i32
    %dma_start3A_152 = tpu.memref_slice %arg10[%dma_start3A_145, %dma_start3A_151] : memref<80x128xi32, #tpu.memory_space<vmem>> -> memref<1x128xi32, #tpu.memory_space<vmem>>
    %dma_start3A_153 = tpu.memref_squeeze %dma_start3A_152 : memref<1x128xi32, #tpu.memory_space<vmem>> -> memref<128xi32, #tpu.memory_space<vmem>>
    %dma_start3A_154 = arith.constant 0 : i32
    %dma_start3A_155 = arith.constant 0 : i32
    %dma_start3A_156 = tpu.memref_slice %arg13[%dma_start3A_154, %dma_start3A_155] : memref<10240x64xf32, #tpu.memory_space<vmem_shared>> -> memref<10240x64xf32, #tpu.memory_space<vmem_shared>>
    %dma_start3A_157 = tpu.memref_slice %arg15[%dma_start3A_146] : memref<2x!tpu.dma_semaphore, #tpu.memory_space<semaphore_mem>> -> memref<1x!tpu.dma_semaphore, #tpu.memory_space<semaphore_mem>>
    %dma_start3A_158 = tpu.memref_squeeze %dma_start3A_157 : memref<1x!tpu.dma_semaphore, #tpu.memory_space<semaphore_mem>> -> memref<!tpu.dma_semaphore, #tpu.memory_space<semaphore_mem>>
    tpu.enqueue_indirect_dma source(%dma_start3A_150 : memref<128x64xf32, #tpu.memory_space<vmem>>) target(%dma_start3A_156 : memref<10240x64xf32, #tpu.memory_space<vmem_shared>>) offsets(%dma_start3A_153 : memref<128xi32, #tpu.memory_space<vmem>>) semaphore(%dma_start3A_158 : memref<!tpu.dma_semaphore, #tpu.memory_space<semaphore_mem>>) {add = true}
    %dma_wait3A_159 = arith.constant 0 : i32
    %dma_wait3A_160 = arith.constant 78 : i32
    %dma_wait3A_161 = arith.constant 0 : i32
    %dma_wait3A_162 = arith.constant 0 : i32
    %dma_wait3A_163 = arith.constant 0 : i32
    %dma_wait3A_164 = tpu.memref_slice %arg11[%dma_wait3A_159, %dma_wait3A_162, %dma_wait3A_163] : memref<2x128x64xf32, #tpu.memory_space<vmem>> -> memref<1x128x64xf32, #tpu.memory_space<vmem>>
    %dma_wait3A_165 = tpu.memref_squeeze %dma_wait3A_164 : memref<1x128x64xf32, #tpu.memory_space<vmem>> -> memref<128x64xf32, #tpu.memory_space<vmem>>
    %dma_wait3A_166 = arith.constant 0 : i32
    %dma_wait3A_167 = tpu.memref_slice %arg10[%dma_wait3A_160, %dma_wait3A_166] : memref<80x128xi32, #tpu.memory_space<vmem>> -> memref<1x128xi32, #tpu.memory_space<vmem>>
    %dma_wait3A_168 = tpu.memref_squeeze %dma_wait3A_167 : memref<1x128xi32, #tpu.memory_space<vmem>> -> memref<128xi32, #tpu.memory_space<vmem>>
    %dma_wait3A_169 = arith.constant 0 : i32
    %dma_wait3A_170 = arith.constant 0 : i32
    %dma_wait3A_171 = tpu.memref_slice %arg13[%dma_wait3A_169, %dma_wait3A_170] : memref<10240x64xf32, #tpu.memory_space<vmem_shared>> -> memref<10240x64xf32, #tpu.memory_space<vmem_shared>>
    %dma_wait3A_172 = tpu.memref_slice %arg15[%dma_wait3A_161] : memref<2x!tpu.dma_semaphore, #tpu.memory_space<semaphore_mem>> -> memref<1x!tpu.dma_semaphore, #tpu.memory_space<semaphore_mem>>
    %dma_wait3A_173 = tpu.memref_squeeze %dma_wait3A_172 : memref<1x!tpu.dma_semaphore, #tpu.memory_space<semaphore_mem>> -> memref<!tpu.dma_semaphore, #tpu.memory_space<semaphore_mem>>
    tpu.wait_indirect_dma semaphore(%dma_wait3A_173 : memref<!tpu.dma_semaphore, #tpu.memory_space<semaphore_mem>>) src(%dma_wait3A_165 : memref<128x64xf32, #tpu.memory_space<vmem>>) dst(%dma_wait3A_171 : memref<10240x64xf32, #tpu.memory_space<vmem_shared>>)
    %dma_wait3A_174 = arith.constant 1 : i32
    %dma_wait3A_175 = arith.constant 79 : i32
    %dma_wait3A_176 = arith.constant 1 : i32
    %dma_wait3A_177 = arith.constant 0 : i32
    %dma_wait3A_178 = arith.constant 0 : i32
    %dma_wait3A_179 = tpu.memref_slice %arg11[%dma_wait3A_174, %dma_wait3A_177, %dma_wait3A_178] : memref<2x128x64xf32, #tpu.memory_space<vmem>> -> memref<1x128x64xf32, #tpu.memory_space<vmem>>
    %dma_wait3A_180 = tpu.memref_squeeze %dma_wait3A_179 : memref<1x128x64xf32, #tpu.memory_space<vmem>> -> memref<128x64xf32, #tpu.memory_space<vmem>>
    %dma_wait3A_181 = arith.constant 0 : i32
    %dma_wait3A_182 = tpu.memref_slice %arg10[%dma_wait3A_175, %dma_wait3A_181] : memref<80x128xi32, #tpu.memory_space<vmem>> -> memref<1x128xi32, #tpu.memory_space<vmem>>
    %dma_wait3A_183 = tpu.memref_squeeze %dma_wait3A_182 : memref<1x128xi32, #tpu.memory_space<vmem>> -> memref<128xi32, #tpu.memory_space<vmem>>
    %dma_wait3A_184 = arith.constant 0 : i32
    %dma_wait3A_185 = arith.constant 0 : i32
    %dma_wait3A_186 = tpu.memref_slice %arg13[%dma_wait3A_184, %dma_wait3A_185] : memref<10240x64xf32, #tpu.memory_space<vmem_shared>> -> memref<10240x64xf32, #tpu.memory_space<vmem_shared>>
    %dma_wait3A_187 = tpu.memref_slice %arg15[%dma_wait3A_176] : memref<2x!tpu.dma_semaphore, #tpu.memory_space<semaphore_mem>> -> memref<1x!tpu.dma_semaphore, #tpu.memory_space<semaphore_mem>>
    %dma_wait3A_188 = tpu.memref_squeeze %dma_wait3A_187 : memref<1x!tpu.dma_semaphore, #tpu.memory_space<semaphore_mem>> -> memref<!tpu.dma_semaphore, #tpu.memory_space<semaphore_mem>>
    tpu.wait_indirect_dma semaphore(%dma_wait3A_188 : memref<!tpu.dma_semaphore, #tpu.memory_space<semaphore_mem>>) src(%dma_wait3A_180 : memref<128x64xf32, #tpu.memory_space<vmem>>) dst(%dma_wait3A_186 : memref<10240x64xf32, #tpu.memory_space<vmem_shared>>)
    %mul3A_189 = arith.constant 160 : i32
    %mul3A_190 = arith.muli %arg1, %mul3A_189 : i32
    %add3A_191 = arith.constant 80 : i32
    %add3A_192 = arith.addi %mul3A_190, %add3A_191 : i32
    %dma_start3A_193 = arith.constant 0 : i32
    %dma_start3A_194 = arith.constant 0 : i32
    %dma_start3A_195 = tpu.memref_slice %arg3[%add3A_192, %dma_start3A_194] : memref<2560x128xi32, #tpu.memory_space<hbm>> -> memref<80x128xi32, #tpu.memory_space<hbm>>
    %dma_start3A_196 = tpu.memref_slice %arg14[%dma_start3A_193] : memref<2x!tpu.dma_semaphore, #tpu.memory_space<semaphore_mem>> -> memref<1x!tpu.dma_semaphore, #tpu.memory_space<semaphore_mem>>
    %dma_start3A_197 = tpu.memref_squeeze %dma_start3A_196 : memref<1x!tpu.dma_semaphore, #tpu.memory_space<semaphore_mem>> -> memref<!tpu.dma_semaphore, #tpu.memory_space<semaphore_mem>>
    %dma_start3A_198 = arith.constant 0 : i32
    %dma_start3A_199 = tpu.memref_slice %arg3[%add3A_192, %dma_start3A_198] : memref<2560x128xi32, #tpu.memory_space<hbm>> -> memref<80x128xi32, #tpu.memory_space<hbm>>
    tpu.enqueue_dma source(%dma_start3A_199 : memref<80x128xi32, #tpu.memory_space<hbm>>) target(%arg9 : memref<80x128xi32, #tpu.memory_space<vmem>>) target_semaphore(%dma_start3A_197 : memref<!tpu.dma_semaphore, #tpu.memory_space<semaphore_mem>>)
    %dma_start3A_200 = arith.constant 1 : i32
    %dma_start3A_201 = arith.constant 0 : i32
    %dma_start3A_202 = tpu.memref_slice %arg4[%add3A_192, %dma_start3A_201] : memref<2560x128xi32, #tpu.memory_space<hbm>> -> memref<80x128xi32, #tpu.memory_space<hbm>>
    %dma_start3A_203 = tpu.memref_slice %arg14[%dma_start3A_200] : memref<2x!tpu.dma_semaphore, #tpu.memory_space<semaphore_mem>> -> memref<1x!tpu.dma_semaphore, #tpu.memory_space<semaphore_mem>>
    %dma_start3A_204 = tpu.memref_squeeze %dma_start3A_203 : memref<1x!tpu.dma_semaphore, #tpu.memory_space<semaphore_mem>> -> memref<!tpu.dma_semaphore, #tpu.memory_space<semaphore_mem>>
    %dma_start3A_205 = arith.constant 0 : i32
    %dma_start3A_206 = tpu.memref_slice %arg4[%add3A_192, %dma_start3A_205] : memref<2560x128xi32, #tpu.memory_space<hbm>> -> memref<80x128xi32, #tpu.memory_space<hbm>>
    tpu.enqueue_dma source(%dma_start3A_206 : memref<80x128xi32, #tpu.memory_space<hbm>>) target(%arg10 : memref<80x128xi32, #tpu.memory_space<vmem>>) target_semaphore(%dma_start3A_204 : memref<!tpu.dma_semaphore, #tpu.memory_space<semaphore_mem>>)
    %dma_wait3A_207 = arith.constant 0 : i32
    %dma_wait3A_208 = arith.constant 0 : i32
    %dma_wait3A_209 = tpu.memref_slice %arg3[%add3A_192, %dma_wait3A_208] : memref<2560x128xi32, #tpu.memory_space<hbm>> -> memref<80x128xi32, #tpu.memory_space<hbm>>
    %dma_wait3A_210 = tpu.memref_slice %arg14[%dma_wait3A_207] : memref<2x!tpu.dma_semaphore, #tpu.memory_space<semaphore_mem>> -> memref<1x!tpu.dma_semaphore, #tpu.memory_space<semaphore_mem>>
    %dma_wait3A_211 = tpu.memref_squeeze %dma_wait3A_210 : memref<1x!tpu.dma_semaphore, #tpu.memory_space<semaphore_mem>> -> memref<!tpu.dma_semaphore, #tpu.memory_space<semaphore_mem>>
    %dma_wait3A_212 = arith.constant 0 : i32
    %dma_wait3A_213 = tpu.memref_slice %arg3[%add3A_192, %dma_wait3A_212] : memref<2560x128xi32, #tpu.memory_space<hbm>> -> memref<80x128xi32, #tpu.memory_space<hbm>>
    tpu.wait_dma2 semaphore(%dma_wait3A_211 : memref<!tpu.dma_semaphore, #tpu.memory_space<semaphore_mem>>) src(%dma_wait3A_213 : memref<80x128xi32, #tpu.memory_space<hbm>>) dst(%arg9 : memref<80x128xi32, #tpu.memory_space<vmem>>)
    %dma_wait3A_214 = arith.constant 1 : i32
    %dma_wait3A_215 = arith.constant 0 : i32
    %dma_wait3A_216 = tpu.memref_slice %arg4[%add3A_192, %dma_wait3A_215] : memref<2560x128xi32, #tpu.memory_space<hbm>> -> memref<80x128xi32, #tpu.memory_space<hbm>>
    %dma_wait3A_217 = tpu.memref_slice %arg14[%dma_wait3A_214] : memref<2x!tpu.dma_semaphore, #tpu.memory_space<semaphore_mem>> -> memref<1x!tpu.dma_semaphore, #tpu.memory_space<semaphore_mem>>
    %dma_wait3A_218 = tpu.memref_squeeze %dma_wait3A_217 : memref<1x!tpu.dma_semaphore, #tpu.memory_space<semaphore_mem>> -> memref<!tpu.dma_semaphore, #tpu.memory_space<semaphore_mem>>
    %dma_wait3A_219 = arith.constant 0 : i32
    %dma_wait3A_220 = tpu.memref_slice %arg4[%add3A_192, %dma_wait3A_219] : memref<2560x128xi32, #tpu.memory_space<hbm>> -> memref<80x128xi32, #tpu.memory_space<hbm>>
    tpu.wait_dma2 semaphore(%dma_wait3A_218 : memref<!tpu.dma_semaphore, #tpu.memory_space<semaphore_mem>>) src(%dma_wait3A_220 : memref<80x128xi32, #tpu.memory_space<hbm>>) dst(%arg10 : memref<80x128xi32, #tpu.memory_space<vmem>>)
    %dma_start3A_221 = arith.constant 0 : i32
    %dma_start3A_222 = arith.constant 0 : i32
    %dma_start3A_223 = arith.constant 0 : i32
    %dma_start3A_224 = arith.constant 0 : i32
    %dma_start3A_225 = arith.constant 0 : i32
    %dma_start3A_226 = tpu.memref_slice %arg11[%dma_start3A_222, %dma_start3A_224, %dma_start3A_225] : memref<2x128x64xf32, #tpu.memory_space<vmem>> -> memref<1x128x64xf32, #tpu.memory_space<vmem>>
    %dma_start3A_227 = tpu.memref_squeeze %dma_start3A_226 : memref<1x128x64xf32, #tpu.memory_space<vmem>> -> memref<128x64xf32, #tpu.memory_space<vmem>>
    %dma_start3A_228 = arith.constant 0 : i32
    %dma_start3A_229 = tpu.memref_slice %arg9[%dma_start3A_221, %dma_start3A_228] : memref<80x128xi32, #tpu.memory_space<vmem>> -> memref<1x128xi32, #tpu.memory_space<vmem>>
    %dma_start3A_230 = tpu.memref_squeeze %dma_start3A_229 : memref<1x128xi32, #tpu.memory_space<vmem>> -> memref<128xi32, #tpu.memory_space<vmem>>
    %dma_start3A_231 = arith.constant 0 : i32
    %dma_start3A_232 = arith.constant 0 : i32
    %dma_start3A_233 = tpu.memref_slice %arg12[%dma_start3A_231, %dma_start3A_232] : memref<10240x64xf32, #tpu.memory_space<vmem_shared>> -> memref<10240x64xf32, #tpu.memory_space<vmem_shared>>
    %dma_start3A_234 = tpu.memref_slice %arg14[%dma_start3A_223] : memref<2x!tpu.dma_semaphore, #tpu.memory_space<semaphore_mem>> -> memref<1x!tpu.dma_semaphore, #tpu.memory_space<semaphore_mem>>
    %dma_start3A_235 = tpu.memref_squeeze %dma_start3A_234 : memref<1x!tpu.dma_semaphore, #tpu.memory_space<semaphore_mem>> -> memref<!tpu.dma_semaphore, #tpu.memory_space<semaphore_mem>>
    tpu.enqueue_indirect_dma source(%dma_start3A_233 : memref<10240x64xf32, #tpu.memory_space<vmem_shared>>) target(%dma_start3A_227 : memref<128x64xf32, #tpu.memory_space<vmem>>) offsets(%dma_start3A_230 : memref<128xi32, #tpu.memory_space<vmem>>) semaphore(%dma_start3A_235 : memref<!tpu.dma_semaphore, #tpu.memory_space<semaphore_mem>>)
    %dma_start3A_236 = arith.constant 1 : i32
    %dma_start3A_237 = arith.constant 1 : i32
    %dma_start3A_238 = arith.constant 1 : i32
    %dma_start3A_239 = arith.constant 0 : i32
    %dma_start3A_240 = arith.constant 0 : i32
    %dma_start3A_241 = tpu.memref_slice %arg11[%dma_start3A_237, %dma_start3A_239, %dma_start3A_240] : memref<2x128x64xf32, #tpu.memory_space<vmem>> -> memref<1x128x64xf32, #tpu.memory_space<vmem>>
    %dma_start3A_242 = tpu.memref_squeeze %dma_start3A_241 : memref<1x128x64xf32, #tpu.memory_space<vmem>> -> memref<128x64xf32, #tpu.memory_space<vmem>>
    %dma_start3A_243 = arith.constant 0 : i32
    %dma_start3A_244 = tpu.memref_slice %arg9[%dma_start3A_236, %dma_start3A_243] : memref<80x128xi32, #tpu.memory_space<vmem>> -> memref<1x128xi32, #tpu.memory_space<vmem>>
    %dma_start3A_245 = tpu.memref_squeeze %dma_start3A_244 : memref<1x128xi32, #tpu.memory_space<vmem>> -> memref<128xi32, #tpu.memory_space<vmem>>
    %dma_start3A_246 = arith.constant 0 : i32
    %dma_start3A_247 = arith.constant 0 : i32
    %dma_start3A_248 = tpu.memref_slice %arg12[%dma_start3A_246, %dma_start3A_247] : memref<10240x64xf32, #tpu.memory_space<vmem_shared>> -> memref<10240x64xf32, #tpu.memory_space<vmem_shared>>
    %dma_start3A_249 = tpu.memref_slice %arg14[%dma_start3A_238] : memref<2x!tpu.dma_semaphore, #tpu.memory_space<semaphore_mem>> -> memref<1x!tpu.dma_semaphore, #tpu.memory_space<semaphore_mem>>
    %dma_start3A_250 = tpu.memref_squeeze %dma_start3A_249 : memref<1x!tpu.dma_semaphore, #tpu.memory_space<semaphore_mem>> -> memref<!tpu.dma_semaphore, #tpu.memory_space<semaphore_mem>>
    tpu.enqueue_indirect_dma source(%dma_start3A_248 : memref<10240x64xf32, #tpu.memory_space<vmem_shared>>) target(%dma_start3A_242 : memref<128x64xf32, #tpu.memory_space<vmem>>) offsets(%dma_start3A_245 : memref<128xi32, #tpu.memory_space<vmem>>) semaphore(%dma_start3A_250 : memref<!tpu.dma_semaphore, #tpu.memory_space<semaphore_mem>>)
    %scan3A_251 = arith.constant 0 : i32
    %scan3A_252 = arith.constant 0 : i32
    %scan3A_253 = arith.constant 39 : i32
    %scan3A_254 = arith.addi %scan3A_252, %scan3A_253 : i32
    %scan3A_255 = arith.constant 1 : i32
    scf.for %scan3A_434 = %scan3A_252 to %scan3A_254 step %scan3A_255  : i32 {
      %mul3A_435 = arith.constant 2 : i32
      %mul3A_436 = arith.muli %scan3A_434, %mul3A_435 : i32
      %add3A_437 = arith.constant 0 : i32
      %add3A_438 = arith.addi %mul3A_436, %add3A_437 : i32
      %dma_wait3A_439 = arith.constant 0 : i32
      %dma_wait3A_440 = arith.constant 0 : i32
      %dma_wait3A_441 = arith.constant 0 : i32
      %dma_wait3A_442 = arith.constant 0 : i32
      %dma_wait3A_443 = tpu.memref_slice %arg11[%dma_wait3A_439, %dma_wait3A_441, %dma_wait3A_442] : memref<2x128x64xf32, #tpu.memory_space<vmem>> -> memref<1x128x64xf32, #tpu.memory_space<vmem>>
      %dma_wait3A_444 = tpu.memref_squeeze %dma_wait3A_443 : memref<1x128x64xf32, #tpu.memory_space<vmem>> -> memref<128x64xf32, #tpu.memory_space<vmem>>
      %dma_wait3A_445 = arith.constant 0 : i32
      %dma_wait3A_446 = tpu.memref_slice %arg9[%add3A_438, %dma_wait3A_445] : memref<80x128xi32, #tpu.memory_space<vmem>> -> memref<1x128xi32, #tpu.memory_space<vmem>>
      %dma_wait3A_447 = tpu.memref_squeeze %dma_wait3A_446 : memref<1x128xi32, #tpu.memory_space<vmem>> -> memref<128xi32, #tpu.memory_space<vmem>>
      %dma_wait3A_448 = arith.constant 0 : i32
      %dma_wait3A_449 = arith.constant 0 : i32
      %dma_wait3A_450 = tpu.memref_slice %arg12[%dma_wait3A_448, %dma_wait3A_449] : memref<10240x64xf32, #tpu.memory_space<vmem_shared>> -> memref<10240x64xf32, #tpu.memory_space<vmem_shared>>
      %dma_wait3A_451 = tpu.memref_slice %arg14[%dma_wait3A_440] : memref<2x!tpu.dma_semaphore, #tpu.memory_space<semaphore_mem>> -> memref<1x!tpu.dma_semaphore, #tpu.memory_space<semaphore_mem>>
      %dma_wait3A_452 = tpu.memref_squeeze %dma_wait3A_451 : memref<1x!tpu.dma_semaphore, #tpu.memory_space<semaphore_mem>> -> memref<!tpu.dma_semaphore, #tpu.memory_space<semaphore_mem>>
      tpu.wait_indirect_dma semaphore(%dma_wait3A_452 : memref<!tpu.dma_semaphore, #tpu.memory_space<semaphore_mem>>) src(%dma_wait3A_450 : memref<10240x64xf32, #tpu.memory_space<vmem_shared>>) dst(%dma_wait3A_444 : memref<128x64xf32, #tpu.memory_space<vmem>>)
      %add3A_453 = arith.constant 0 : i32
      %add3A_454 = arith.addi %mul3A_436, %add3A_453 : i32
      %dma_start3A_455 = arith.constant 0 : i32
      %dma_start3A_456 = arith.constant 0 : i32
      %dma_start3A_457 = arith.constant 0 : i32
      %dma_start3A_458 = arith.constant 0 : i32
      %dma_start3A_459 = tpu.memref_slice %arg11[%dma_start3A_455, %dma_start3A_457, %dma_start3A_458] : memref<2x128x64xf32, #tpu.memory_space<vmem>> -> memref<1x128x64xf32, #tpu.memory_space<vmem>>
      %dma_start3A_460 = tpu.memref_squeeze %dma_start3A_459 : memref<1x128x64xf32, #tpu.memory_space<vmem>> -> memref<128x64xf32, #tpu.memory_space<vmem>>
      %dma_start3A_461 = arith.constant 0 : i32
      %dma_start3A_462 = tpu.memref_slice %arg10[%add3A_454, %dma_start3A_461] : memref<80x128xi32, #tpu.memory_space<vmem>> -> memref<1x128xi32, #tpu.memory_space<vmem>>
      %dma_start3A_463 = tpu.memref_squeeze %dma_start3A_462 : memref<1x128xi32, #tpu.memory_space<vmem>> -> memref<128xi32, #tpu.memory_space<vmem>>
      %dma_start3A_464 = arith.constant 0 : i32
      %dma_start3A_465 = arith.constant 0 : i32
      %dma_start3A_466 = tpu.memref_slice %arg13[%dma_start3A_464, %dma_start3A_465] : memref<10240x64xf32, #tpu.memory_space<vmem_shared>> -> memref<10240x64xf32, #tpu.memory_space<vmem_shared>>
      %dma_start3A_467 = tpu.memref_slice %arg15[%dma_start3A_456] : memref<2x!tpu.dma_semaphore, #tpu.memory_space<semaphore_mem>> -> memref<1x!tpu.dma_semaphore, #tpu.memory_space<semaphore_mem>>
      %dma_start3A_468 = tpu.memref_squeeze %dma_start3A_467 : memref<1x!tpu.dma_semaphore, #tpu.memory_space<semaphore_mem>> -> memref<!tpu.dma_semaphore, #tpu.memory_space<semaphore_mem>>
      tpu.enqueue_indirect_dma source(%dma_start3A_460 : memref<128x64xf32, #tpu.memory_space<vmem>>) target(%dma_start3A_466 : memref<10240x64xf32, #tpu.memory_space<vmem_shared>>) offsets(%dma_start3A_463 : memref<128xi32, #tpu.memory_space<vmem>>) semaphore(%dma_start3A_468 : memref<!tpu.dma_semaphore, #tpu.memory_space<semaphore_mem>>) {add = true}
      %add3A_469 = arith.constant 1 : i32
      %add3A_470 = arith.addi %mul3A_436, %add3A_469 : i32
      %dma_wait3A_471 = arith.constant 1 : i32
      %dma_wait3A_472 = arith.constant 1 : i32
      %dma_wait3A_473 = arith.constant 0 : i32
      %dma_wait3A_474 = arith.constant 0 : i32
      %dma_wait3A_475 = tpu.memref_slice %arg11[%dma_wait3A_471, %dma_wait3A_473, %dma_wait3A_474] : memref<2x128x64xf32, #tpu.memory_space<vmem>> -> memref<1x128x64xf32, #tpu.memory_space<vmem>>
      %dma_wait3A_476 = tpu.memref_squeeze %dma_wait3A_475 : memref<1x128x64xf32, #tpu.memory_space<vmem>> -> memref<128x64xf32, #tpu.memory_space<vmem>>
      %dma_wait3A_477 = arith.constant 0 : i32
      %dma_wait3A_478 = tpu.memref_slice %arg9[%add3A_470, %dma_wait3A_477] : memref<80x128xi32, #tpu.memory_space<vmem>> -> memref<1x128xi32, #tpu.memory_space<vmem>>
      %dma_wait3A_479 = tpu.memref_squeeze %dma_wait3A_478 : memref<1x128xi32, #tpu.memory_space<vmem>> -> memref<128xi32, #tpu.memory_space<vmem>>
      %dma_wait3A_480 = arith.constant 0 : i32
      %dma_wait3A_481 = arith.constant 0 : i32
      %dma_wait3A_482 = tpu.memref_slice %arg12[%dma_wait3A_480, %dma_wait3A_481] : memref<10240x64xf32, #tpu.memory_space<vmem_shared>> -> memref<10240x64xf32, #tpu.memory_space<vmem_shared>>
      %dma_wait3A_483 = tpu.memref_slice %arg14[%dma_wait3A_472] : memref<2x!tpu.dma_semaphore, #tpu.memory_space<semaphore_mem>> -> memref<1x!tpu.dma_semaphore, #tpu.memory_space<semaphore_mem>>
      %dma_wait3A_484 = tpu.memref_squeeze %dma_wait3A_483 : memref<1x!tpu.dma_semaphore, #tpu.memory_space<semaphore_mem>> -> memref<!tpu.dma_semaphore, #tpu.memory_space<semaphore_mem>>
      tpu.wait_indirect_dma semaphore(%dma_wait3A_484 : memref<!tpu.dma_semaphore, #tpu.memory_space<semaphore_mem>>) src(%dma_wait3A_482 : memref<10240x64xf32, #tpu.memory_space<vmem_shared>>) dst(%dma_wait3A_476 : memref<128x64xf32, #tpu.memory_space<vmem>>)
      %add3A_485 = arith.constant 1 : i32
      %add3A_486 = arith.addi %mul3A_436, %add3A_485 : i32
      %dma_start3A_487 = arith.constant 1 : i32
      %dma_start3A_488 = arith.constant 1 : i32
      %dma_start3A_489 = arith.constant 0 : i32
      %dma_start3A_490 = arith.constant 0 : i32
      %dma_start3A_491 = tpu.memref_slice %arg11[%dma_start3A_487, %dma_start3A_489, %dma_start3A_490] : memref<2x128x64xf32, #tpu.memory_space<vmem>> -> memref<1x128x64xf32, #tpu.memory_space<vmem>>
      %dma_start3A_492 = tpu.memref_squeeze %dma_start3A_491 : memref<1x128x64xf32, #tpu.memory_space<vmem>> -> memref<128x64xf32, #tpu.memory_space<vmem>>
      %dma_start3A_493 = arith.constant 0 : i32
      %dma_start3A_494 = tpu.memref_slice %arg10[%add3A_486, %dma_start3A_493] : memref<80x128xi32, #tpu.memory_space<vmem>> -> memref<1x128xi32, #tpu.memory_space<vmem>>
      %dma_start3A_495 = tpu.memref_squeeze %dma_start3A_494 : memref<1x128xi32, #tpu.memory_space<vmem>> -> memref<128xi32, #tpu.memory_space<vmem>>
      %dma_start3A_496 = arith.constant 0 : i32
      %dma_start3A_497 = arith.constant 0 : i32
      %dma_start3A_498 = tpu.memref_slice %arg13[%dma_start3A_496, %dma_start3A_497] : memref<10240x64xf32, #tpu.memory_space<vmem_shared>> -> memref<10240x64xf32, #tpu.memory_space<vmem_shared>>
      %dma_start3A_499 = tpu.memref_slice %arg15[%dma_start3A_488] : memref<2x!tpu.dma_semaphore, #tpu.memory_space<semaphore_mem>> -> memref<1x!tpu.dma_semaphore, #tpu.memory_space<semaphore_mem>>
      %dma_start3A_500 = tpu.memref_squeeze %dma_start3A_499 : memref<1x!tpu.dma_semaphore, #tpu.memory_space<semaphore_mem>> -> memref<!tpu.dma_semaphore, #tpu.memory_space<semaphore_mem>>
      tpu.enqueue_indirect_dma source(%dma_start3A_492 : memref<128x64xf32, #tpu.memory_space<vmem>>) target(%dma_start3A_498 : memref<10240x64xf32, #tpu.memory_space<vmem_shared>>) offsets(%dma_start3A_495 : memref<128xi32, #tpu.memory_space<vmem>>) semaphore(%dma_start3A_500 : memref<!tpu.dma_semaphore, #tpu.memory_space<semaphore_mem>>) {add = true}
      %add3A_501 = arith.constant 0 : i32
      %add3A_502 = arith.addi %mul3A_436, %add3A_501 : i32
      %dma_wait3A_503 = arith.constant 0 : i32
      %dma_wait3A_504 = arith.constant 0 : i32
      %dma_wait3A_505 = arith.constant 0 : i32
      %dma_wait3A_506 = arith.constant 0 : i32
      %dma_wait3A_507 = tpu.memref_slice %arg11[%dma_wait3A_503, %dma_wait3A_505, %dma_wait3A_506] : memref<2x128x64xf32, #tpu.memory_space<vmem>> -> memref<1x128x64xf32, #tpu.memory_space<vmem>>
      %dma_wait3A_508 = tpu.memref_squeeze %dma_wait3A_507 : memref<1x128x64xf32, #tpu.memory_space<vmem>> -> memref<128x64xf32, #tpu.memory_space<vmem>>
      %dma_wait3A_509 = arith.constant 0 : i32
      %dma_wait3A_510 = tpu.memref_slice %arg10[%add3A_502, %dma_wait3A_509] : memref<80x128xi32, #tpu.memory_space<vmem>> -> memref<1x128xi32, #tpu.memory_space<vmem>>
      %dma_wait3A_511 = tpu.memref_squeeze %dma_wait3A_510 : memref<1x128xi32, #tpu.memory_space<vmem>> -> memref<128xi32, #tpu.memory_space<vmem>>
      %dma_wait3A_512 = arith.constant 0 : i32
      %dma_wait3A_513 = arith.constant 0 : i32
      %dma_wait3A_514 = tpu.memref_slice %arg13[%dma_wait3A_512, %dma_wait3A_513] : memref<10240x64xf32, #tpu.memory_space<vmem_shared>> -> memref<10240x64xf32, #tpu.memory_space<vmem_shared>>
      %dma_wait3A_515 = tpu.memref_slice %arg15[%dma_wait3A_504] : memref<2x!tpu.dma_semaphore, #tpu.memory_space<semaphore_mem>> -> memref<1x!tpu.dma_semaphore, #tpu.memory_space<semaphore_mem>>
      %dma_wait3A_516 = tpu.memref_squeeze %dma_wait3A_515 : memref<1x!tpu.dma_semaphore, #tpu.memory_space<semaphore_mem>> -> memref<!tpu.dma_semaphore, #tpu.memory_space<semaphore_mem>>
      tpu.wait_indirect_dma semaphore(%dma_wait3A_516 : memref<!tpu.dma_semaphore, #tpu.memory_space<semaphore_mem>>) src(%dma_wait3A_508 : memref<128x64xf32, #tpu.memory_space<vmem>>) dst(%dma_wait3A_514 : memref<10240x64xf32, #tpu.memory_space<vmem_shared>>)
      %add3A_517 = arith.constant 2 : i32
      %add3A_518 = arith.addi %mul3A_436, %add3A_517 : i32
      %add3A_519 = arith.constant 0 : i32
      %add3A_520 = arith.addi %add3A_518, %add3A_519 : i32
      %dma_start3A_521 = arith.constant 0 : i32
      %dma_start3A_522 = arith.constant 0 : i32
      %dma_start3A_523 = arith.constant 0 : i32
      %dma_start3A_524 = arith.constant 0 : i32
      %dma_start3A_525 = tpu.memref_slice %arg11[%dma_start3A_521, %dma_start3A_523, %dma_start3A_524] : memref<2x128x64xf32, #tpu.memory_space<vmem>> -> memref<1x128x64xf32, #tpu.memory_space<vmem>>
      %dma_start3A_526 = tpu.memref_squeeze %dma_start3A_525 : memref<1x128x64xf32, #tpu.memory_space<vmem>> -> memref<128x64xf32, #tpu.memory_space<vmem>>
      %dma_start3A_527 = arith.constant 0 : i32
      %dma_start3A_528 = tpu.memref_slice %arg9[%add3A_520, %dma_start3A_527] : memref<80x128xi32, #tpu.memory_space<vmem>> -> memref<1x128xi32, #tpu.memory_space<vmem>>
      %dma_start3A_529 = tpu.memref_squeeze %dma_start3A_528 : memref<1x128xi32, #tpu.memory_space<vmem>> -> memref<128xi32, #tpu.memory_space<vmem>>
      %dma_start3A_530 = arith.constant 0 : i32
      %dma_start3A_531 = arith.constant 0 : i32
      %dma_start3A_532 = tpu.memref_slice %arg12[%dma_start3A_530, %dma_start3A_531] : memref<10240x64xf32, #tpu.memory_space<vmem_shared>> -> memref<10240x64xf32, #tpu.memory_space<vmem_shared>>
      %dma_start3A_533 = tpu.memref_slice %arg14[%dma_start3A_522] : memref<2x!tpu.dma_semaphore, #tpu.memory_space<semaphore_mem>> -> memref<1x!tpu.dma_semaphore, #tpu.memory_space<semaphore_mem>>
      %dma_start3A_534 = tpu.memref_squeeze %dma_start3A_533 : memref<1x!tpu.dma_semaphore, #tpu.memory_space<semaphore_mem>> -> memref<!tpu.dma_semaphore, #tpu.memory_space<semaphore_mem>>
      tpu.enqueue_indirect_dma source(%dma_start3A_532 : memref<10240x64xf32, #tpu.memory_space<vmem_shared>>) target(%dma_start3A_526 : memref<128x64xf32, #tpu.memory_space<vmem>>) offsets(%dma_start3A_529 : memref<128xi32, #tpu.memory_space<vmem>>) semaphore(%dma_start3A_534 : memref<!tpu.dma_semaphore, #tpu.memory_space<semaphore_mem>>)
      %add3A_535 = arith.constant 1 : i32
      %add3A_536 = arith.addi %mul3A_436, %add3A_535 : i32
      %dma_wait3A_537 = arith.constant 1 : i32
      %dma_wait3A_538 = arith.constant 1 : i32
      %dma_wait3A_539 = arith.constant 0 : i32
      %dma_wait3A_540 = arith.constant 0 : i32
      %dma_wait3A_541 = tpu.memref_slice %arg11[%dma_wait3A_537, %dma_wait3A_539, %dma_wait3A_540] : memref<2x128x64xf32, #tpu.memory_space<vmem>> -> memref<1x128x64xf32, #tpu.memory_space<vmem>>
      %dma_wait3A_542 = tpu.memref_squeeze %dma_wait3A_541 : memref<1x128x64xf32, #tpu.memory_space<vmem>> -> memref<128x64xf32, #tpu.memory_space<vmem>>
      %dma_wait3A_543 = arith.constant 0 : i32
      %dma_wait3A_544 = tpu.memref_slice %arg10[%add3A_536, %dma_wait3A_543] : memref<80x128xi32, #tpu.memory_space<vmem>> -> memref<1x128xi32, #tpu.memory_space<vmem>>
      %dma_wait3A_545 = tpu.memref_squeeze %dma_wait3A_544 : memref<1x128xi32, #tpu.memory_space<vmem>> -> memref<128xi32, #tpu.memory_space<vmem>>
      %dma_wait3A_546 = arith.constant 0 : i32
      %dma_wait3A_547 = arith.constant 0 : i32
      %dma_wait3A_548 = tpu.memref_slice %arg13[%dma_wait3A_546, %dma_wait3A_547] : memref<10240x64xf32, #tpu.memory_space<vmem_shared>> -> memref<10240x64xf32, #tpu.memory_space<vmem_shared>>
      %dma_wait3A_549 = tpu.memref_slice %arg15[%dma_wait3A_538] : memref<2x!tpu.dma_semaphore, #tpu.memory_space<semaphore_mem>> -> memref<1x!tpu.dma_semaphore, #tpu.memory_space<semaphore_mem>>
      %dma_wait3A_550 = tpu.memref_squeeze %dma_wait3A_549 : memref<1x!tpu.dma_semaphore, #tpu.memory_space<semaphore_mem>> -> memref<!tpu.dma_semaphore, #tpu.memory_space<semaphore_mem>>
      tpu.wait_indirect_dma semaphore(%dma_wait3A_550 : memref<!tpu.dma_semaphore, #tpu.memory_space<semaphore_mem>>) src(%dma_wait3A_542 : memref<128x64xf32, #tpu.memory_space<vmem>>) dst(%dma_wait3A_548 : memref<10240x64xf32, #tpu.memory_space<vmem_shared>>)
      %add3A_551 = arith.constant 2 : i32
      %add3A_552 = arith.addi %mul3A_436, %add3A_551 : i32
      %add3A_553 = arith.constant 1 : i32
      %add3A_554 = arith.addi %add3A_552, %add3A_553 : i32
      %dma_start3A_555 = arith.constant 1 : i32
      %dma_start3A_556 = arith.constant 1 : i32
      %dma_start3A_557 = arith.constant 0 : i32
      %dma_start3A_558 = arith.constant 0 : i32
      %dma_start3A_559 = tpu.memref_slice %arg11[%dma_start3A_555, %dma_start3A_557, %dma_start3A_558] : memref<2x128x64xf32, #tpu.memory_space<vmem>> -> memref<1x128x64xf32, #tpu.memory_space<vmem>>
      %dma_start3A_560 = tpu.memref_squeeze %dma_start3A_559 : memref<1x128x64xf32, #tpu.memory_space<vmem>> -> memref<128x64xf32, #tpu.memory_space<vmem>>
      %dma_start3A_561 = arith.constant 0 : i32
      %dma_start3A_562 = tpu.memref_slice %arg9[%add3A_554, %dma_start3A_561] : memref<80x128xi32, #tpu.memory_space<vmem>> -> memref<1x128xi32, #tpu.memory_space<vmem>>
      %dma_start3A_563 = tpu.memref_squeeze %dma_start3A_562 : memref<1x128xi32, #tpu.memory_space<vmem>> -> memref<128xi32, #tpu.memory_space<vmem>>
      %dma_start3A_564 = arith.constant 0 : i32
      %dma_start3A_565 = arith.constant 0 : i32
      %dma_start3A_566 = tpu.memref_slice %arg12[%dma_start3A_564, %dma_start3A_565] : memref<10240x64xf32, #tpu.memory_space<vmem_shared>> -> memref<10240x64xf32, #tpu.memory_space<vmem_shared>>
      %dma_start3A_567 = tpu.memref_slice %arg14[%dma_start3A_556] : memref<2x!tpu.dma_semaphore, #tpu.memory_space<semaphore_mem>> -> memref<1x!tpu.dma_semaphore, #tpu.memory_space<semaphore_mem>>
      %dma_start3A_568 = tpu.memref_squeeze %dma_start3A_567 : memref<1x!tpu.dma_semaphore, #tpu.memory_space<semaphore_mem>> -> memref<!tpu.dma_semaphore, #tpu.memory_space<semaphore_mem>>
      tpu.enqueue_indirect_dma source(%dma_start3A_566 : memref<10240x64xf32, #tpu.memory_space<vmem_shared>>) target(%dma_start3A_560 : memref<128x64xf32, #tpu.memory_space<vmem>>) offsets(%dma_start3A_563 : memref<128xi32, #tpu.memory_space<vmem>>) semaphore(%dma_start3A_568 : memref<!tpu.dma_semaphore, #tpu.memory_space<semaphore_mem>>)
    }
    %scan3A_256 = arith.constant 39 : i32
    %dma_wait3A_257 = arith.constant 78 : i32
    %dma_wait3A_258 = arith.constant 0 : i32
    %dma_wait3A_259 = arith.constant 0 : i32
    %dma_wait3A_260 = arith.constant 0 : i32
    %dma_wait3A_261 = arith.constant 0 : i32
    %dma_wait3A_262 = tpu.memref_slice %arg11[%dma_wait3A_258, %dma_wait3A_260, %dma_wait3A_261] : memref<2x128x64xf32, #tpu.memory_space<vmem>> -> memref<1x128x64xf32, #tpu.memory_space<vmem>>
    %dma_wait3A_263 = tpu.memref_squeeze %dma_wait3A_262 : memref<1x128x64xf32, #tpu.memory_space<vmem>> -> memref<128x64xf32, #tpu.memory_space<vmem>>
    %dma_wait3A_264 = arith.constant 0 : i32
    %dma_wait3A_265 = tpu.memref_slice %arg9[%dma_wait3A_257, %dma_wait3A_264] : memref<80x128xi32, #tpu.memory_space<vmem>> -> memref<1x128xi32, #tpu.memory_space<vmem>>
    %dma_wait3A_266 = tpu.memref_squeeze %dma_wait3A_265 : memref<1x128xi32, #tpu.memory_space<vmem>> -> memref<128xi32, #tpu.memory_space<vmem>>
    %dma_wait3A_267 = arith.constant 0 : i32
    %dma_wait3A_268 = arith.constant 0 : i32
    %dma_wait3A_269 = tpu.memref_slice %arg12[%dma_wait3A_267, %dma_wait3A_268] : memref<10240x64xf32, #tpu.memory_space<vmem_shared>> -> memref<10240x64xf32, #tpu.memory_space<vmem_shared>>
    %dma_wait3A_270 = tpu.memref_slice %arg14[%dma_wait3A_259] : memref<2x!tpu.dma_semaphore, #tpu.memory_space<semaphore_mem>> -> memref<1x!tpu.dma_semaphore, #tpu.memory_space<semaphore_mem>>
    %dma_wait3A_271 = tpu.memref_squeeze %dma_wait3A_270 : memref<1x!tpu.dma_semaphore, #tpu.memory_space<semaphore_mem>> -> memref<!tpu.dma_semaphore, #tpu.memory_space<semaphore_mem>>
    tpu.wait_indirect_dma semaphore(%dma_wait3A_271 : memref<!tpu.dma_semaphore, #tpu.memory_space<semaphore_mem>>) src(%dma_wait3A_269 : memref<10240x64xf32, #tpu.memory_space<vmem_shared>>) dst(%dma_wait3A_263 : memref<128x64xf32, #tpu.memory_space<vmem>>)
    %dma_start3A_272 = arith.constant 0 : i32
    %dma_start3A_273 = arith.constant 78 : i32
    %dma_start3A_274 = arith.constant 0 : i32
    %dma_start3A_275 = arith.constant 0 : i32
    %dma_start3A_276 = arith.constant 0 : i32
    %dma_start3A_277 = tpu.memref_slice %arg11[%dma_start3A_272, %dma_start3A_275, %dma_start3A_276] : memref<2x128x64xf32, #tpu.memory_space<vmem>> -> memref<1x128x64xf32, #tpu.memory_space<vmem>>
    %dma_start3A_278 = tpu.memref_squeeze %dma_start3A_277 : memref<1x128x64xf32, #tpu.memory_space<vmem>> -> memref<128x64xf32, #tpu.memory_space<vmem>>
    %dma_start3A_279 = arith.constant 0 : i32
    %dma_start3A_280 = tpu.memref_slice %arg10[%dma_start3A_273, %dma_start3A_279] : memref<80x128xi32, #tpu.memory_space<vmem>> -> memref<1x128xi32, #tpu.memory_space<vmem>>
    %dma_start3A_281 = tpu.memref_squeeze %dma_start3A_280 : memref<1x128xi32, #tpu.memory_space<vmem>> -> memref<128xi32, #tpu.memory_space<vmem>>
    %dma_start3A_282 = arith.constant 0 : i32
    %dma_start3A_283 = arith.constant 0 : i32
    %dma_start3A_284 = tpu.memref_slice %arg13[%dma_start3A_282, %dma_start3A_283] : memref<10240x64xf32, #tpu.memory_space<vmem_shared>> -> memref<10240x64xf32, #tpu.memory_space<vmem_shared>>
    %dma_start3A_285 = tpu.memref_slice %arg15[%dma_start3A_274] : memref<2x!tpu.dma_semaphore, #tpu.memory_space<semaphore_mem>> -> memref<1x!tpu.dma_semaphore, #tpu.memory_space<semaphore_mem>>
    %dma_start3A_286 = tpu.memref_squeeze %dma_start3A_285 : memref<1x!tpu.dma_semaphore, #tpu.memory_space<semaphore_mem>> -> memref<!tpu.dma_semaphore, #tpu.memory_space<semaphore_mem>>
    tpu.enqueue_indirect_dma source(%dma_start3A_278 : memref<128x64xf32, #tpu.memory_space<vmem>>) target(%dma_start3A_284 : memref<10240x64xf32, #tpu.memory_space<vmem_shared>>) offsets(%dma_start3A_281 : memref<128xi32, #tpu.memory_space<vmem>>) semaphore(%dma_start3A_286 : memref<!tpu.dma_semaphore, #tpu.memory_space<semaphore_mem>>) {add = true}
    %dma_wait3A_287 = arith.constant 79 : i32
    %dma_wait3A_288 = arith.constant 1 : i32
    %dma_wait3A_289 = arith.constant 1 : i32
    %dma_wait3A_290 = arith.constant 0 : i32
    %dma_wait3A_291 = arith.constant 0 : i32
    %dma_wait3A_292 = tpu.memref_slice %arg11[%dma_wait3A_288, %dma_wait3A_290, %dma_wait3A_291] : memref<2x128x64xf32, #tpu.memory_space<vmem>> -> memref<1x128x64xf32, #tpu.memory_space<vmem>>
    %dma_wait3A_293 = tpu.memref_squeeze %dma_wait3A_292 : memref<1x128x64xf32, #tpu.memory_space<vmem>> -> memref<128x64xf32, #tpu.memory_space<vmem>>
    %dma_wait3A_294 = arith.constant 0 : i32
    %dma_wait3A_295 = tpu.memref_slice %arg9[%dma_wait3A_287, %dma_wait3A_294] : memref<80x128xi32, #tpu.memory_space<vmem>> -> memref<1x128xi32, #tpu.memory_space<vmem>>
    %dma_wait3A_296 = tpu.memref_squeeze %dma_wait3A_295 : memref<1x128xi32, #tpu.memory_space<vmem>> -> memref<128xi32, #tpu.memory_space<vmem>>
    %dma_wait3A_297 = arith.constant 0 : i32
    %dma_wait3A_298 = arith.constant 0 : i32
    %dma_wait3A_299 = tpu.memref_slice %arg12[%dma_wait3A_297, %dma_wait3A_298] : memref<10240x64xf32, #tpu.memory_space<vmem_shared>> -> memref<10240x64xf32, #tpu.memory_space<vmem_shared>>
    %dma_wait3A_300 = tpu.memref_slice %arg14[%dma_wait3A_289] : memref<2x!tpu.dma_semaphore, #tpu.memory_space<semaphore_mem>> -> memref<1x!tpu.dma_semaphore, #tpu.memory_space<semaphore_mem>>
    %dma_wait3A_301 = tpu.memref_squeeze %dma_wait3A_300 : memref<1x!tpu.dma_semaphore, #tpu.memory_space<semaphore_mem>> -> memref<!tpu.dma_semaphore, #tpu.memory_space<semaphore_mem>>
    tpu.wait_indirect_dma semaphore(%dma_wait3A_301 : memref<!tpu.dma_semaphore, #tpu.memory_space<semaphore_mem>>) src(%dma_wait3A_299 : memref<10240x64xf32, #tpu.memory_space<vmem_shared>>) dst(%dma_wait3A_293 : memref<128x64xf32, #tpu.memory_space<vmem>>)
    %dma_start3A_302 = arith.constant 1 : i32
    %dma_start3A_303 = arith.constant 79 : i32
    %dma_start3A_304 = arith.constant 1 : i32
    %dma_start3A_305 = arith.constant 0 : i32
    %dma_start3A_306 = arith.constant 0 : i32
    %dma_start3A_307 = tpu.memref_slice %arg11[%dma_start3A_302, %dma_start3A_305, %dma_start3A_306] : memref<2x128x64xf32, #tpu.memory_space<vmem>> -> memref<1x128x64xf32, #tpu.memory_space<vmem>>
    %dma_start3A_308 = tpu.memref_squeeze %dma_start3A_307 : memref<1x128x64xf32, #tpu.memory_space<vmem>> -> memref<128x64xf32, #tpu.memory_space<vmem>>
    %dma_start3A_309 = arith.constant 0 : i32
    %dma_start3A_310 = tpu.memref_slice %arg10[%dma_start3A_303, %dma_start3A_309] : memref<80x128xi32, #tpu.memory_space<vmem>> -> memref<1x128xi32, #tpu.memory_space<vmem>>
    %dma_start3A_311 = tpu.memref_squeeze %dma_start3A_310 : memref<1x128xi32, #tpu.memory_space<vmem>> -> memref<128xi32, #tpu.memory_space<vmem>>
    %dma_start3A_312 = arith.constant 0 : i32
    %dma_start3A_313 = arith.constant 0 : i32
    %dma_start3A_314 = tpu.memref_slice %arg13[%dma_start3A_312, %dma_start3A_313] : memref<10240x64xf32, #tpu.memory_space<vmem_shared>> -> memref<10240x64xf32, #tpu.memory_space<vmem_shared>>
    %dma_start3A_315 = tpu.memref_slice %arg15[%dma_start3A_304] : memref<2x!tpu.dma_semaphore, #tpu.memory_space<semaphore_mem>> -> memref<1x!tpu.dma_semaphore, #tpu.memory_space<semaphore_mem>>
    %dma_start3A_316 = tpu.memref_squeeze %dma_start3A_315 : memref<1x!tpu.dma_semaphore, #tpu.memory_space<semaphore_mem>> -> memref<!tpu.dma_semaphore, #tpu.memory_space<semaphore_mem>>
    tpu.enqueue_indirect_dma source(%dma_start3A_308 : memref<128x64xf32, #tpu.memory_space<vmem>>) target(%dma_start3A_314 : memref<10240x64xf32, #tpu.memory_space<vmem_shared>>) offsets(%dma_start3A_311 : memref<128xi32, #tpu.memory_space<vmem>>) semaphore(%dma_start3A_316 : memref<!tpu.dma_semaphore, #tpu.memory_space<semaphore_mem>>) {add = true}
    %dma_wait3A_317 = arith.constant 0 : i32
    %dma_wait3A_318 = arith.constant 78 : i32
    %dma_wait3A_319 = arith.constant 0 : i32
    %dma_wait3A_320 = arith.constant 0 : i32
    %dma_wait3A_321 = arith.constant 0 : i32
    %dma_wait3A_322 = tpu.memref_slice %arg11[%dma_wait3A_317, %dma_wait3A_320, %dma_wait3A_321] : memref<2x128x64xf32, #tpu.memory_space<vmem>> -> memref<1x128x64xf32, #tpu.memory_space<vmem>>
    %dma_wait3A_323 = tpu.memref_squeeze %dma_wait3A_322 : memref<1x128x64xf32, #tpu.memory_space<vmem>> -> memref<128x64xf32, #tpu.memory_space<vmem>>
    %dma_wait3A_324 = arith.constant 0 : i32
    %dma_wait3A_325 = tpu.memref_slice %arg10[%dma_wait3A_318, %dma_wait3A_324] : memref<80x128xi32, #tpu.memory_space<vmem>> -> memref<1x128xi32, #tpu.memory_space<vmem>>
    %dma_wait3A_326 = tpu.memref_squeeze %dma_wait3A_325 : memref<1x128xi32, #tpu.memory_space<vmem>> -> memref<128xi32, #tpu.memory_space<vmem>>
    %dma_wait3A_327 = arith.constant 0 : i32
    %dma_wait3A_328 = arith.constant 0 : i32
    %dma_wait3A_329 = tpu.memref_slice %arg13[%dma_wait3A_327, %dma_wait3A_328] : memref<10240x64xf32, #tpu.memory_space<vmem_shared>> -> memref<10240x64xf32, #tpu.memory_space<vmem_shared>>
    %dma_wait3A_330 = tpu.memref_slice %arg15[%dma_wait3A_319] : memref<2x!tpu.dma_semaphore, #tpu.memory_space<semaphore_mem>> -> memref<1x!tpu.dma_semaphore, #tpu.memory_space<semaphore_mem>>
    %dma_wait3A_331 = tpu.memref_squeeze %dma_wait3A_330 : memref<1x!tpu.dma_semaphore, #tpu.memory_space<semaphore_mem>> -> memref<!tpu.dma_semaphore, #tpu.memory_space<semaphore_mem>>
    tpu.wait_indirect_dma semaphore(%dma_wait3A_331 : memref<!tpu.dma_semaphore, #tpu.memory_space<semaphore_mem>>) src(%dma_wait3A_323 : memref<128x64xf32, #tpu.memory_space<vmem>>) dst(%dma_wait3A_329 : memref<10240x64xf32, #tpu.memory_space<vmem_shared>>)
    %dma_wait3A_332 = arith.constant 1 : i32
    %dma_wait3A_333 = arith.constant 79 : i32
    %dma_wait3A_334 = arith.constant 1 : i32
    %dma_wait3A_335 = arith.constant 0 : i32
    %dma_wait3A_336 = arith.constant 0 : i32
    %dma_wait3A_337 = tpu.memref_slice %arg11[%dma_wait3A_332, %dma_wait3A_335, %dma_wait3A_336] : memref<2x128x64xf32, #tpu.memory_space<vmem>> -> memref<1x128x64xf32, #tpu.memory_space<vmem>>
    %dma_wait3A_338 = tpu.memref_squeeze %dma_wait3A_337 : memref<1x128x64xf32, #tpu.memory_space<vmem>> -> memref<128x64xf32, #tpu.memory_space<vmem>>
    %dma_wait3A_339 = arith.constant 0 : i32
    %dma_wait3A_340 = tpu.memref_slice %arg10[%dma_wait3A_333, %dma_wait3A_339] : memref<80x128xi32, #tpu.memory_space<vmem>> -> memref<1x128xi32, #tpu.memory_space<vmem>>
    %dma_wait3A_341 = tpu.memref_squeeze %dma_wait3A_340 : memref<1x128xi32, #tpu.memory_space<vmem>> -> memref<128xi32, #tpu.memory_space<vmem>>
    %dma_wait3A_342 = arith.constant 0 : i32
    %dma_wait3A_343 = arith.constant 0 : i32
    %dma_wait3A_344 = tpu.memref_slice %arg13[%dma_wait3A_342, %dma_wait3A_343] : memref<10240x64xf32, #tpu.memory_space<vmem_shared>> -> memref<10240x64xf32, #tpu.memory_space<vmem_shared>>
    %dma_wait3A_345 = tpu.memref_slice %arg15[%dma_wait3A_334] : memref<2x!tpu.dma_semaphore, #tpu.memory_space<semaphore_mem>> -> memref<1x!tpu.dma_semaphore, #tpu.memory_space<semaphore_mem>>
    %dma_wait3A_346 = tpu.memref_squeeze %dma_wait3A_345 : memref<1x!tpu.dma_semaphore, #tpu.memory_space<semaphore_mem>> -> memref<!tpu.dma_semaphore, #tpu.memory_space<semaphore_mem>>
    tpu.wait_indirect_dma semaphore(%dma_wait3A_346 : memref<!tpu.dma_semaphore, #tpu.memory_space<semaphore_mem>>) src(%dma_wait3A_338 : memref<128x64xf32, #tpu.memory_space<vmem>>) dst(%dma_wait3A_344 : memref<10240x64xf32, #tpu.memory_space<vmem_shared>>)
    %barrier3A_347 = arith.constant 0 : index
    tpu.barrier barrier_id(%barrier3A_347)
    %mul3A_348 = arith.constant 64 : i32
    %mul3A_349 = arith.muli %arg1, %mul3A_348 : i32
    %dma_start3A_350 = arith.constant 0 : i32
    %dma_start3A_351 = arith.constant 0 : i32
    %dma_start3A_352 = tpu.memref_slice %arg6[%dma_start3A_350, %mul3A_349] : memref<2x1024xi32, #tpu.memory_space<hbm>> -> memref<1x64xi32, #tpu.memory_space<hbm>>
    %dma_start3A_353 = tpu.memref_squeeze %dma_start3A_352 : memref<1x64xi32, #tpu.memory_space<hbm>> -> memref<64xi32, #tpu.memory_space<hbm>>
    %dma_start3A_354 = tpu.memref_slice %arg14[%dma_start3A_351] : memref<2x!tpu.dma_semaphore, #tpu.memory_space<semaphore_mem>> -> memref<1x!tpu.dma_semaphore, #tpu.memory_space<semaphore_mem>>
    %dma_start3A_355 = tpu.memref_squeeze %dma_start3A_354 : memref<1x!tpu.dma_semaphore, #tpu.memory_space<semaphore_mem>> -> memref<!tpu.dma_semaphore, #tpu.memory_space<semaphore_mem>>
    %dma_start3A_356 = tpu.memref_slice %arg6[%dma_start3A_350, %mul3A_349] : memref<2x1024xi32, #tpu.memory_space<hbm>> -> memref<1x64xi32, #tpu.memory_space<hbm>>
    %dma_start3A_357 = tpu.memref_squeeze %dma_start3A_356 : memref<1x64xi32, #tpu.memory_space<hbm>> -> memref<64xi32, #tpu.memory_space<hbm>>
    tpu.enqueue_dma source(%dma_start3A_357 : memref<64xi32, #tpu.memory_space<hbm>>) target(%arg17 : memref<64xi32, #tpu.memory_space<vmem>>) target_semaphore(%dma_start3A_355 : memref<!tpu.dma_semaphore, #tpu.memory_space<semaphore_mem>>)
    %dma_start3A_358 = arith.constant 1 : i32
    %dma_start3A_359 = tpu.memref_slice %arg6[%arg0, %mul3A_349] : memref<2x1024xi32, #tpu.memory_space<hbm>> -> memref<1x64xi32, #tpu.memory_space<hbm>>
    %dma_start3A_360 = tpu.memref_squeeze %dma_start3A_359 : memref<1x64xi32, #tpu.memory_space<hbm>> -> memref<64xi32, #tpu.memory_space<hbm>>
    %dma_start3A_361 = tpu.memref_slice %arg14[%dma_start3A_358] : memref<2x!tpu.dma_semaphore, #tpu.memory_space<semaphore_mem>> -> memref<1x!tpu.dma_semaphore, #tpu.memory_space<semaphore_mem>>
    %dma_start3A_362 = tpu.memref_squeeze %dma_start3A_361 : memref<1x!tpu.dma_semaphore, #tpu.memory_space<semaphore_mem>> -> memref<!tpu.dma_semaphore, #tpu.memory_space<semaphore_mem>>
    %dma_start3A_363 = tpu.memref_slice %arg6[%arg0, %mul3A_349] : memref<2x1024xi32, #tpu.memory_space<hbm>> -> memref<1x64xi32, #tpu.memory_space<hbm>>
    %dma_start3A_364 = tpu.memref_squeeze %dma_start3A_363 : memref<1x64xi32, #tpu.memory_space<hbm>> -> memref<64xi32, #tpu.memory_space<hbm>>
    tpu.enqueue_dma source(%dma_start3A_364 : memref<64xi32, #tpu.memory_space<hbm>>) target(%arg18 : memref<64xi32, #tpu.memory_space<vmem>>) target_semaphore(%dma_start3A_362 : memref<!tpu.dma_semaphore, #tpu.memory_space<semaphore_mem>>)
    %dma_wait3A_365 = arith.constant 0 : i32
    %dma_wait3A_366 = arith.constant 0 : i32
    %dma_wait3A_367 = tpu.memref_slice %arg6[%dma_wait3A_365, %mul3A_349] : memref<2x1024xi32, #tpu.memory_space<hbm>> -> memref<1x64xi32, #tpu.memory_space<hbm>>
    %dma_wait3A_368 = tpu.memref_squeeze %dma_wait3A_367 : memref<1x64xi32, #tpu.memory_space<hbm>> -> memref<64xi32, #tpu.memory_space<hbm>>
    %dma_wait3A_369 = tpu.memref_slice %arg14[%dma_wait3A_366] : memref<2x!tpu.dma_semaphore, #tpu.memory_space<semaphore_mem>> -> memref<1x!tpu.dma_semaphore, #tpu.memory_space<semaphore_mem>>
    %dma_wait3A_370 = tpu.memref_squeeze %dma_wait3A_369 : memref<1x!tpu.dma_semaphore, #tpu.memory_space<semaphore_mem>> -> memref<!tpu.dma_semaphore, #tpu.memory_space<semaphore_mem>>
    %dma_wait3A_371 = tpu.memref_slice %arg6[%dma_wait3A_365, %mul3A_349] : memref<2x1024xi32, #tpu.memory_space<hbm>> -> memref<1x64xi32, #tpu.memory_space<hbm>>
    %dma_wait3A_372 = tpu.memref_squeeze %dma_wait3A_371 : memref<1x64xi32, #tpu.memory_space<hbm>> -> memref<64xi32, #tpu.memory_space<hbm>>
    tpu.wait_dma2 semaphore(%dma_wait3A_370 : memref<!tpu.dma_semaphore, #tpu.memory_space<semaphore_mem>>) src(%dma_wait3A_372 : memref<64xi32, #tpu.memory_space<hbm>>) dst(%arg17 : memref<64xi32, #tpu.memory_space<vmem>>)
    %dma_wait3A_373 = arith.constant 1 : i32
    %dma_wait3A_374 = tpu.memref_slice %arg6[%arg0, %mul3A_349] : memref<2x1024xi32, #tpu.memory_space<hbm>> -> memref<1x64xi32, #tpu.memory_space<hbm>>
    %dma_wait3A_375 = tpu.memref_squeeze %dma_wait3A_374 : memref<1x64xi32, #tpu.memory_space<hbm>> -> memref<64xi32, #tpu.memory_space<hbm>>
    %dma_wait3A_376 = tpu.memref_slice %arg14[%dma_wait3A_373] : memref<2x!tpu.dma_semaphore, #tpu.memory_space<semaphore_mem>> -> memref<1x!tpu.dma_semaphore, #tpu.memory_space<semaphore_mem>>
    %dma_wait3A_377 = tpu.memref_squeeze %dma_wait3A_376 : memref<1x!tpu.dma_semaphore, #tpu.memory_space<semaphore_mem>> -> memref<!tpu.dma_semaphore, #tpu.memory_space<semaphore_mem>>
    %dma_wait3A_378 = tpu.memref_slice %arg6[%arg0, %mul3A_349] : memref<2x1024xi32, #tpu.memory_space<hbm>> -> memref<1x64xi32, #tpu.memory_space<hbm>>
    %dma_wait3A_379 = tpu.memref_squeeze %dma_wait3A_378 : memref<1x64xi32, #tpu.memory_space<hbm>> -> memref<64xi32, #tpu.memory_space<hbm>>
    tpu.wait_dma2 semaphore(%dma_wait3A_377 : memref<!tpu.dma_semaphore, #tpu.memory_space<semaphore_mem>>) src(%dma_wait3A_379 : memref<64xi32, #tpu.memory_space<hbm>>) dst(%arg18 : memref<64xi32, #tpu.memory_space<vmem>>)
    %dma_start3A_380 = arith.constant 0 : i32
    %dma_start3A_381 = arith.constant 0 : i32
    %dma_start3A_382 = tpu.memref_slice %arg13[%dma_start3A_380, %dma_start3A_381] : memref<10240x64xf32, #tpu.memory_space<vmem_shared>> -> memref<10240x64xf32, #tpu.memory_space<vmem_shared>>
    tpu.enqueue_indirect_dma source(%dma_start3A_382 : memref<10240x64xf32, #tpu.memory_space<vmem_shared>>) target(%arg19 : memref<64x64xf32, #tpu.memory_space<vmem>>) offsets(%arg17 : memref<64xi32, #tpu.memory_space<vmem>>) semaphore(%arg16 : memref<!tpu.dma_semaphore, #tpu.memory_space<semaphore_mem>>)
    %dma_start3A_383 = arith.constant 0 : i32
    %dma_start3A_384 = arith.constant 0 : i32
    %dma_start3A_385 = arith.constant 0 : i32
    %dma_start3A_386 = tpu.memref_slice %arg5[%dma_start3A_384, %dma_start3A_385] : memref<20480x8xf32, #tpu.memory_space<hbm>> -> memref<20480x8xf32, #tpu.memory_space<hbm>>
    %dma_start3A_387 = tpu.memref_slice %arg15[%dma_start3A_383] : memref<2x!tpu.dma_semaphore, #tpu.memory_space<semaphore_mem>> -> memref<1x!tpu.dma_semaphore, #tpu.memory_space<semaphore_mem>>
    %dma_start3A_388 = tpu.memref_squeeze %dma_start3A_387 : memref<1x!tpu.dma_semaphore, #tpu.memory_space<semaphore_mem>> -> memref<!tpu.dma_semaphore, #tpu.memory_space<semaphore_mem>>
    tpu.enqueue_indirect_dma source(%dma_start3A_386 : memref<20480x8xf32, #tpu.memory_space<hbm>>) target(%arg20 : memref<64x8xf32, #tpu.memory_space<vmem>>) offsets(%arg18 : memref<64xi32, #tpu.memory_space<vmem>>) semaphore(%dma_start3A_388 : memref<!tpu.dma_semaphore, #tpu.memory_space<semaphore_mem>>)
    %dma_wait3A_389 = arith.constant 0 : i32
    %dma_wait3A_390 = arith.constant 0 : i32
    %dma_wait3A_391 = tpu.memref_slice %arg13[%dma_wait3A_389, %dma_wait3A_390] : memref<10240x64xf32, #tpu.memory_space<vmem_shared>> -> memref<10240x64xf32, #tpu.memory_space<vmem_shared>>
    tpu.wait_indirect_dma semaphore(%arg16 : memref<!tpu.dma_semaphore, #tpu.memory_space<semaphore_mem>>) src(%dma_wait3A_391 : memref<10240x64xf32, #tpu.memory_space<vmem_shared>>) dst(%arg19 : memref<64x64xf32, #tpu.memory_space<vmem>>)
    %dma_start3A_392 = arith.constant 0 : i32
    %dma_start3A_393 = arith.constant 0 : i32
    %dma_start3A_394 = tpu.memref_slice %arg7[%arg0, %mul3A_349, %dma_start3A_393] : memref<2x1024x64xf32, #tpu.memory_space<hbm>> -> memref<1x64x64xf32, #tpu.memory_space<hbm>>
    %dma_start3A_395 = tpu.memref_squeeze %dma_start3A_394 : memref<1x64x64xf32, #tpu.memory_space<hbm>> -> memref<64x64xf32, #tpu.memory_space<hbm>>
    %dma_start3A_396 = tpu.memref_slice %arg14[%dma_start3A_392] : memref<2x!tpu.dma_semaphore, #tpu.memory_space<semaphore_mem>> -> memref<1x!tpu.dma_semaphore, #tpu.memory_space<semaphore_mem>>
    %dma_start3A_397 = tpu.memref_squeeze %dma_start3A_396 : memref<1x!tpu.dma_semaphore, #tpu.memory_space<semaphore_mem>> -> memref<!tpu.dma_semaphore, #tpu.memory_space<semaphore_mem>>
    %dma_start3A_398 = arith.constant 0 : i32
    %dma_start3A_399 = tpu.memref_slice %arg7[%arg0, %mul3A_349, %dma_start3A_398] : memref<2x1024x64xf32, #tpu.memory_space<hbm>> -> memref<1x64x64xf32, #tpu.memory_space<hbm>>
    %dma_start3A_400 = tpu.memref_squeeze %dma_start3A_399 : memref<1x64x64xf32, #tpu.memory_space<hbm>> -> memref<64x64xf32, #tpu.memory_space<hbm>>
    tpu.enqueue_dma source(%arg19 : memref<64x64xf32, #tpu.memory_space<vmem>>) target(%dma_start3A_400 : memref<64x64xf32, #tpu.memory_space<hbm>>) target_semaphore(%dma_start3A_397 : memref<!tpu.dma_semaphore, #tpu.memory_space<semaphore_mem>>)
    %dma_wait3A_401 = arith.constant 0 : i32
    %dma_wait3A_402 = arith.constant 0 : i32
    %dma_wait3A_403 = arith.constant 0 : i32
    %dma_wait3A_404 = tpu.memref_slice %arg5[%dma_wait3A_402, %dma_wait3A_403] : memref<20480x8xf32, #tpu.memory_space<hbm>> -> memref<20480x8xf32, #tpu.memory_space<hbm>>
    %dma_wait3A_405 = tpu.memref_slice %arg15[%dma_wait3A_401] : memref<2x!tpu.dma_semaphore, #tpu.memory_space<semaphore_mem>> -> memref<1x!tpu.dma_semaphore, #tpu.memory_space<semaphore_mem>>
    %dma_wait3A_406 = tpu.memref_squeeze %dma_wait3A_405 : memref<1x!tpu.dma_semaphore, #tpu.memory_space<semaphore_mem>> -> memref<!tpu.dma_semaphore, #tpu.memory_space<semaphore_mem>>
    tpu.wait_indirect_dma semaphore(%dma_wait3A_406 : memref<!tpu.dma_semaphore, #tpu.memory_space<semaphore_mem>>) src(%dma_wait3A_404 : memref<20480x8xf32, #tpu.memory_space<hbm>>) dst(%arg20 : memref<64x8xf32, #tpu.memory_space<vmem>>)
    %dma_start3A_407 = arith.constant 1 : i32
    %dma_start3A_408 = arith.constant 0 : i32
    %dma_start3A_409 = tpu.memref_slice %arg8[%arg0, %mul3A_349, %dma_start3A_408] : memref<2x1024x8xf32, #tpu.memory_space<hbm>> -> memref<1x64x8xf32, #tpu.memory_space<hbm>>
    %dma_start3A_410 = tpu.memref_squeeze %dma_start3A_409 : memref<1x64x8xf32, #tpu.memory_space<hbm>> -> memref<64x8xf32, #tpu.memory_space<hbm>>
    %dma_start3A_411 = tpu.memref_slice %arg14[%dma_start3A_407] : memref<2x!tpu.dma_semaphore, #tpu.memory_space<semaphore_mem>> -> memref<1x!tpu.dma_semaphore, #tpu.memory_space<semaphore_mem>>
    %dma_start3A_412 = tpu.memref_squeeze %dma_start3A_411 : memref<1x!tpu.dma_semaphore, #tpu.memory_space<semaphore_mem>> -> memref<!tpu.dma_semaphore, #tpu.memory_space<semaphore_mem>>
    %dma_start3A_413 = arith.constant 0 : i32
    %dma_start3A_414 = tpu.memref_slice %arg8[%arg0, %mul3A_349, %dma_start3A_413] : memref<2x1024x8xf32, #tpu.memory_space<hbm>> -> memref<1x64x8xf32, #tpu.memory_space<hbm>>
    %dma_start3A_415 = tpu.memref_squeeze %dma_start3A_414 : memref<1x64x8xf32, #tpu.memory_space<hbm>> -> memref<64x8xf32, #tpu.memory_space<hbm>>
    tpu.enqueue_dma source(%arg20 : memref<64x8xf32, #tpu.memory_space<vmem>>) target(%dma_start3A_415 : memref<64x8xf32, #tpu.memory_space<hbm>>) target_semaphore(%dma_start3A_412 : memref<!tpu.dma_semaphore, #tpu.memory_space<semaphore_mem>>)
    %dma_wait3A_416 = arith.constant 0 : i32
    %dma_wait3A_417 = arith.constant 0 : i32
    %dma_wait3A_418 = tpu.memref_slice %arg7[%arg0, %mul3A_349, %dma_wait3A_417] : memref<2x1024x64xf32, #tpu.memory_space<hbm>> -> memref<1x64x64xf32, #tpu.memory_space<hbm>>
    %dma_wait3A_419 = tpu.memref_squeeze %dma_wait3A_418 : memref<1x64x64xf32, #tpu.memory_space<hbm>> -> memref<64x64xf32, #tpu.memory_space<hbm>>
    %dma_wait3A_420 = tpu.memref_slice %arg14[%dma_wait3A_416] : memref<2x!tpu.dma_semaphore, #tpu.memory_space<semaphore_mem>> -> memref<1x!tpu.dma_semaphore, #tpu.memory_space<semaphore_mem>>
    %dma_wait3A_421 = tpu.memref_squeeze %dma_wait3A_420 : memref<1x!tpu.dma_semaphore, #tpu.memory_space<semaphore_mem>> -> memref<!tpu.dma_semaphore, #tpu.memory_space<semaphore_mem>>
    %dma_wait3A_422 = arith.constant 0 : i32
    %dma_wait3A_423 = tpu.memref_slice %arg7[%arg0, %mul3A_349, %dma_wait3A_422] : memref<2x1024x64xf32, #tpu.memory_space<hbm>> -> memref<1x64x64xf32, #tpu.memory_space<hbm>>
    %dma_wait3A_424 = tpu.memref_squeeze %dma_wait3A_423 : memref<1x64x64xf32, #tpu.memory_space<hbm>> -> memref<64x64xf32, #tpu.memory_space<hbm>>
    tpu.wait_dma2 semaphore(%dma_wait3A_421 : memref<!tpu.dma_semaphore, #tpu.memory_space<semaphore_mem>>) src(%arg19 : memref<64x64xf32, #tpu.memory_space<vmem>>) dst(%dma_wait3A_424 : memref<64x64xf32, #tpu.memory_space<hbm>>)
    %dma_wait3A_425 = arith.constant 1 : i32
    %dma_wait3A_426 = arith.constant 0 : i32
    %dma_wait3A_427 = tpu.memref_slice %arg8[%arg0, %mul3A_349, %dma_wait3A_426] : memref<2x1024x8xf32, #tpu.memory_space<hbm>> -> memref<1x64x8xf32, #tpu.memory_space<hbm>>
    %dma_wait3A_428 = tpu.memref_squeeze %dma_wait3A_427 : memref<1x64x8xf32, #tpu.memory_space<hbm>> -> memref<64x8xf32, #tpu.memory_space<hbm>>
    %dma_wait3A_429 = tpu.memref_slice %arg14[%dma_wait3A_425] : memref<2x!tpu.dma_semaphore, #tpu.memory_space<semaphore_mem>> -> memref<1x!tpu.dma_semaphore, #tpu.memory_space<semaphore_mem>>
    %dma_wait3A_430 = tpu.memref_squeeze %dma_wait3A_429 : memref<1x!tpu.dma_semaphore, #tpu.memory_space<semaphore_mem>> -> memref<!tpu.dma_semaphore, #tpu.memory_space<semaphore_mem>>
    %dma_wait3A_431 = arith.constant 0 : i32
    %dma_wait3A_432 = tpu.memref_slice %arg8[%arg0, %mul3A_349, %dma_wait3A_431] : memref<2x1024x8xf32, #tpu.memory_space<hbm>> -> memref<1x64x8xf32, #tpu.memory_space<hbm>>
    %dma_wait3A_433 = tpu.memref_squeeze %dma_wait3A_432 : memref<1x64x8xf32, #tpu.memory_space<hbm>> -> memref<64x8xf32, #tpu.memory_space<hbm>>
    tpu.wait_dma2 semaphore(%dma_wait3A_430 : memref<!tpu.dma_semaphore, #tpu.memory_space<semaphore_mem>>) src(%arg20 : memref<64x8xf32, #tpu.memory_space<vmem>>) dst(%dma_wait3A_433 : memref<64x8xf32, #tpu.memory_space<hbm>>)
    return
  }
}

#map = affine_map<(d0, d1) -> (0, 0, 0)>
#map1 = affine_map<(d0, d1) -> (0, 0)>
module attributes {stable_mosaic.version = 14 : i64} {
  func.func @_deg_sc(%arg0: i32, %arg1: i32, %arg2: memref<2x1280x128xi32, #tpu.memory_space<hbm>>, %arg3: memref<10240x8xf32, #tpu.memory_space<hbm>>, %arg4: memref<128x8xf32, #tpu.memory_space<hbm>>, %arg5: memref<2x10240x8xf32, #tpu.memory_space<hbm>>, %arg6: memref<80x128xi32, #tpu.memory_space<vmem>>, %arg7: memref<128x8xf32, #tpu.memory_space<vmem>>, %arg8: memref<10240x8xf32, #tpu.memory_space<vmem_shared>>, %arg9: memref<!tpu.dma_semaphore, #tpu.memory_space<semaphore_mem>>) attributes {dimension_semantics = [#tpu.dimension_semantics<core_parallel>, #tpu.dimension_semantics<subcore_parallel>], iteration_bounds = array<i64: 2, 16>, scalar_prefetch = 0 : i64, scratch_operands = 4 : i64, tpu.core_type = #tpu.core_type<sc_vector_subcore>, window_params = [{transform_indices = #map}, {transform_indices = #map1}, {transform_indices = #map1}, {transform_indices = #map}]} {
    %mul3A = arith.constant 640 : i32
    %mul3A_0 = arith.muli %arg1, %mul3A : i32
    %dma_start3A = arith.constant 0 : i32
    %dma_start3A_1 = tpu.memref_slice %arg8[%mul3A_0, %dma_start3A] : memref<10240x8xf32, #tpu.memory_space<vmem_shared>> -> memref<640x8xf32, #tpu.memory_space<vmem_shared>>
    %dma_start3A_2 = arith.constant 0 : i32
    %dma_start3A_3 = tpu.memref_slice %arg3[%mul3A_0, %dma_start3A_2] : memref<10240x8xf32, #tpu.memory_space<hbm>> -> memref<640x8xf32, #tpu.memory_space<hbm>>
    tpu.enqueue_dma source(%dma_start3A_3 : memref<640x8xf32, #tpu.memory_space<hbm>>) target(%dma_start3A_1 : memref<640x8xf32, #tpu.memory_space<vmem_shared>>) target_semaphore(%arg9 : memref<!tpu.dma_semaphore, #tpu.memory_space<semaphore_mem>>)
    tpu.enqueue_dma source(%arg4 : memref<128x8xf32, #tpu.memory_space<hbm>>) target(%arg7 : memref<128x8xf32, #tpu.memory_space<vmem>>) target_semaphore(%arg9 : memref<!tpu.dma_semaphore, #tpu.memory_space<semaphore_mem>>)
    %mul3A_4 = arith.constant 80 : i32
    %mul3A_5 = arith.muli %arg1, %mul3A_4 : i32
    %dma_start3A_6 = arith.constant 0 : i32
    %dma_start3A_7 = tpu.memref_slice %arg2[%arg0, %mul3A_5, %dma_start3A_6] : memref<2x1280x128xi32, #tpu.memory_space<hbm>> -> memref<1x80x128xi32, #tpu.memory_space<hbm>>
    %dma_start3A_8 = tpu.memref_squeeze %dma_start3A_7 : memref<1x80x128xi32, #tpu.memory_space<hbm>> -> memref<80x128xi32, #tpu.memory_space<hbm>>
    %dma_start3A_9 = arith.constant 0 : i32
    %dma_start3A_10 = tpu.memref_slice %arg2[%arg0, %mul3A_5, %dma_start3A_9] : memref<2x1280x128xi32, #tpu.memory_space<hbm>> -> memref<1x80x128xi32, #tpu.memory_space<hbm>>
    %dma_start3A_11 = tpu.memref_squeeze %dma_start3A_10 : memref<1x80x128xi32, #tpu.memory_space<hbm>> -> memref<80x128xi32, #tpu.memory_space<hbm>>
    tpu.enqueue_dma source(%dma_start3A_11 : memref<80x128xi32, #tpu.memory_space<hbm>>) target(%arg6 : memref<80x128xi32, #tpu.memory_space<vmem>>) target_semaphore(%arg9 : memref<!tpu.dma_semaphore, #tpu.memory_space<semaphore_mem>>)
    %dma_wait3A = arith.constant 0 : i32
    %dma_wait3A_12 = tpu.memref_slice %arg8[%mul3A_0, %dma_wait3A] : memref<10240x8xf32, #tpu.memory_space<vmem_shared>> -> memref<640x8xf32, #tpu.memory_space<vmem_shared>>
    %dma_wait3A_13 = arith.constant 0 : i32
    %dma_wait3A_14 = tpu.memref_slice %arg3[%mul3A_0, %dma_wait3A_13] : memref<10240x8xf32, #tpu.memory_space<hbm>> -> memref<640x8xf32, #tpu.memory_space<hbm>>
    tpu.wait_dma2 semaphore(%arg9 : memref<!tpu.dma_semaphore, #tpu.memory_space<semaphore_mem>>) src(%dma_wait3A_14 : memref<640x8xf32, #tpu.memory_space<hbm>>) dst(%dma_wait3A_12 : memref<640x8xf32, #tpu.memory_space<vmem_shared>>)
    tpu.wait_dma2 semaphore(%arg9 : memref<!tpu.dma_semaphore, #tpu.memory_space<semaphore_mem>>) src(%arg4 : memref<128x8xf32, #tpu.memory_space<hbm>>) dst(%arg7 : memref<128x8xf32, #tpu.memory_space<vmem>>)
    %dma_wait3A_15 = arith.constant 0 : i32
    %dma_wait3A_16 = tpu.memref_slice %arg2[%arg0, %mul3A_5, %dma_wait3A_15] : memref<2x1280x128xi32, #tpu.memory_space<hbm>> -> memref<1x80x128xi32, #tpu.memory_space<hbm>>
    %dma_wait3A_17 = tpu.memref_squeeze %dma_wait3A_16 : memref<1x80x128xi32, #tpu.memory_space<hbm>> -> memref<80x128xi32, #tpu.memory_space<hbm>>
    %dma_wait3A_18 = arith.constant 0 : i32
    %dma_wait3A_19 = tpu.memref_slice %arg2[%arg0, %mul3A_5, %dma_wait3A_18] : memref<2x1280x128xi32, #tpu.memory_space<hbm>> -> memref<1x80x128xi32, #tpu.memory_space<hbm>>
    %dma_wait3A_20 = tpu.memref_squeeze %dma_wait3A_19 : memref<1x80x128xi32, #tpu.memory_space<hbm>> -> memref<80x128xi32, #tpu.memory_space<hbm>>
    tpu.wait_dma2 semaphore(%arg9 : memref<!tpu.dma_semaphore, #tpu.memory_space<semaphore_mem>>) src(%dma_wait3A_20 : memref<80x128xi32, #tpu.memory_space<hbm>>) dst(%arg6 : memref<80x128xi32, #tpu.memory_space<vmem>>)
    %barrier3A = arith.constant 0 : index
    tpu.barrier barrier_id(%barrier3A)
    %scan3A = arith.constant 0 : i32
    %scan3A_21 = arith.constant 0 : i32
    %scan3A_22 = arith.constant 80 : i32
    %scan3A_23 = arith.addi %scan3A_21, %scan3A_22 : i32
    %scan3A_24 = arith.constant 1 : i32
    scf.for %scan3A_33 = %scan3A_21 to %scan3A_23 step %scan3A_24  : i32 {
      %dma_start3A_34 = arith.constant 0 : i32
      %dma_start3A_35 = tpu.memref_slice %arg6[%scan3A_33, %dma_start3A_34] : memref<80x128xi32, #tpu.memory_space<vmem>> -> memref<1x128xi32, #tpu.memory_space<vmem>>
      %dma_start3A_36 = tpu.memref_squeeze %dma_start3A_35 : memref<1x128xi32, #tpu.memory_space<vmem>> -> memref<128xi32, #tpu.memory_space<vmem>>
      %dma_start3A_37 = arith.constant 0 : i32
      %dma_start3A_38 = arith.constant 0 : i32
      %dma_start3A_39 = tpu.memref_slice %arg8[%dma_start3A_37, %dma_start3A_38] : memref<10240x8xf32, #tpu.memory_space<vmem_shared>> -> memref<10240x8xf32, #tpu.memory_space<vmem_shared>>
      tpu.enqueue_indirect_dma source(%arg7 : memref<128x8xf32, #tpu.memory_space<vmem>>) target(%dma_start3A_39 : memref<10240x8xf32, #tpu.memory_space<vmem_shared>>) offsets(%dma_start3A_36 : memref<128xi32, #tpu.memory_space<vmem>>) semaphore(%arg9 : memref<!tpu.dma_semaphore, #tpu.memory_space<semaphore_mem>>) {add = true}
    }
    %scan3A_25 = arith.constant 80 : i32
    %scan3A_26 = arith.constant 0 : i32
    %scan3A_27 = arith.constant 0 : i32
    %scan3A_28 = arith.constant 80 : i32
    %scan3A_29 = arith.addi %scan3A_27, %scan3A_28 : i32
    %scan3A_30 = arith.constant 1 : i32
    scf.for %scan3A_33 = %scan3A_27 to %scan3A_29 step %scan3A_30  : i32 {
      %dma_wait3A_34 = arith.constant 0 : i32
      %dma_wait3A_35 = tpu.memref_slice %arg6[%scan3A_33, %dma_wait3A_34] : memref<80x128xi32, #tpu.memory_space<vmem>> -> memref<1x128xi32, #tpu.memory_space<vmem>>
      %dma_wait3A_36 = tpu.memref_squeeze %dma_wait3A_35 : memref<1x128xi32, #tpu.memory_space<vmem>> -> memref<128xi32, #tpu.memory_space<vmem>>
      %dma_wait3A_37 = arith.constant 0 : i32
      %dma_wait3A_38 = arith.constant 0 : i32
      %dma_wait3A_39 = tpu.memref_slice %arg8[%dma_wait3A_37, %dma_wait3A_38] : memref<10240x8xf32, #tpu.memory_space<vmem_shared>> -> memref<10240x8xf32, #tpu.memory_space<vmem_shared>>
      tpu.wait_indirect_dma semaphore(%arg9 : memref<!tpu.dma_semaphore, #tpu.memory_space<semaphore_mem>>) src(%arg7 : memref<128x8xf32, #tpu.memory_space<vmem>>) dst(%dma_wait3A_39 : memref<10240x8xf32, #tpu.memory_space<vmem_shared>>)
    }
    %scan3A_31 = arith.constant 80 : i32
    %barrier3A_32 = arith.constant 0 : index
    tpu.barrier barrier_id(%barrier3A_32)
    "tpu.region"() ({
      %run_scoped3A = tpu.sem_alloc : memref<!tpu.dma_semaphore, #tpu.memory_space<semaphore_mem>>
      %dma_start3A_33 = arith.constant 0 : i32
      %dma_start3A_34 = tpu.memref_slice %arg5[%arg0, %mul3A_0, %dma_start3A_33] : memref<2x10240x8xf32, #tpu.memory_space<hbm>> -> memref<1x640x8xf32, #tpu.memory_space<hbm>>
      %dma_start3A_35 = tpu.memref_squeeze %dma_start3A_34 : memref<1x640x8xf32, #tpu.memory_space<hbm>> -> memref<640x8xf32, #tpu.memory_space<hbm>>
      %dma_start3A_36 = arith.constant 0 : i32
      %dma_start3A_37 = tpu.memref_slice %arg8[%mul3A_0, %dma_start3A_36] : memref<10240x8xf32, #tpu.memory_space<vmem_shared>> -> memref<640x8xf32, #tpu.memory_space<vmem_shared>>
      tpu.enqueue_dma source(%dma_start3A_37 : memref<640x8xf32, #tpu.memory_space<vmem_shared>>) target(%dma_start3A_35 : memref<640x8xf32, #tpu.memory_space<hbm>>) target_semaphore(%run_scoped3A : memref<!tpu.dma_semaphore, #tpu.memory_space<semaphore_mem>>)
      %dma_wait3A_38 = arith.constant 0 : i32
      %dma_wait3A_39 = tpu.memref_slice %arg5[%arg0, %mul3A_0, %dma_wait3A_38] : memref<2x10240x8xf32, #tpu.memory_space<hbm>> -> memref<1x640x8xf32, #tpu.memory_space<hbm>>
      %dma_wait3A_40 = tpu.memref_squeeze %dma_wait3A_39 : memref<1x640x8xf32, #tpu.memory_space<hbm>> -> memref<640x8xf32, #tpu.memory_space<hbm>>
      %dma_wait3A_41 = arith.constant 0 : i32
      %dma_wait3A_42 = tpu.memref_slice %arg8[%mul3A_0, %dma_wait3A_41] : memref<10240x8xf32, #tpu.memory_space<vmem_shared>> -> memref<640x8xf32, #tpu.memory_space<vmem_shared>>
      tpu.wait_dma2 semaphore(%run_scoped3A : memref<!tpu.dma_semaphore, #tpu.memory_space<semaphore_mem>>) src(%dma_wait3A_42 : memref<640x8xf32, #tpu.memory_space<vmem_shared>>) dst(%dma_wait3A_40 : memref<640x8xf32, #tpu.memory_space<hbm>>)
      tpu.yield
    }) : () -> ()
    return
  }
}

#map = affine_map<(d0, d1) -> (0, 0)>
#map1 = affine_map<(d0, d1) -> (0, 0, 0)>
module attributes {stable_mosaic.version = 14 : i64} {
  func.func @_agg_full_sc(%arg0: i32, %arg1: i32, %arg2: memref<20480x64xf32, #tpu.memory_space<hbm>>, %arg3: memref<2560x128xi32, #tpu.memory_space<hbm>>, %arg4: memref<2560x128xi32, #tpu.memory_space<hbm>>, %arg5: memref<2x10240x64xf32, #tpu.memory_space<hbm>>, %arg6: memref<80x128xi32, #tpu.memory_space<vmem>>, %arg7: memref<80x128xi32, #tpu.memory_space<vmem>>, %arg8: memref<2x128x64xf32, #tpu.memory_space<vmem>>, %arg9: memref<10240x64xf32, #tpu.memory_space<vmem_shared>>, %arg10: memref<10240x64xf32, #tpu.memory_space<vmem_shared>>, %arg11: memref<2x!tpu.dma_semaphore, #tpu.memory_space<semaphore_mem>>, %arg12: memref<2x!tpu.dma_semaphore, #tpu.memory_space<semaphore_mem>>) attributes {dimension_semantics = [#tpu.dimension_semantics<core_parallel>, #tpu.dimension_semantics<subcore_parallel>], iteration_bounds = array<i64: 2, 16>, scalar_prefetch = 0 : i64, scratch_operands = 7 : i64, tpu.core_type = #tpu.core_type<sc_vector_subcore>, window_params = [{transform_indices = #map}, {transform_indices = #map}, {transform_indices = #map}, {transform_indices = #map1}]} {
    %mul3A = arith.constant 640 : i32
    %mul3A_0 = arith.muli %arg1, %mul3A : i32
    %mul3A_1 = arith.constant 10240 : i32
    %mul3A_2 = arith.muli %arg0, %mul3A_1 : i32
    %add3A = arith.addi %mul3A_2, %mul3A_0 : i32
    %dma_start3A = arith.constant 0 : i32
    %dma_start3A_3 = tpu.memref_slice %arg11[%dma_start3A] : memref<2x!tpu.dma_semaphore, #tpu.memory_space<semaphore_mem>> -> memref<1x!tpu.dma_semaphore, #tpu.memory_space<semaphore_mem>>
    %dma_start3A_4 = tpu.memref_squeeze %dma_start3A_3 : memref<1x!tpu.dma_semaphore, #tpu.memory_space<semaphore_mem>> -> memref<!tpu.dma_semaphore, #tpu.memory_space<semaphore_mem>>
    %dma_start3A_5 = arith.constant 0 : i32
    %dma_start3A_6 = tpu.memref_slice %arg9[%mul3A_0, %dma_start3A_5] : memref<10240x64xf32, #tpu.memory_space<vmem_shared>> -> memref<640x64xf32, #tpu.memory_space<vmem_shared>>
    %dma_start3A_7 = arith.constant 0 : i32
    %dma_start3A_8 = tpu.memref_slice %arg2[%add3A, %dma_start3A_7] : memref<20480x64xf32, #tpu.memory_space<hbm>> -> memref<640x64xf32, #tpu.memory_space<hbm>>
    tpu.enqueue_dma source(%dma_start3A_8 : memref<640x64xf32, #tpu.memory_space<hbm>>) target(%dma_start3A_6 : memref<640x64xf32, #tpu.memory_space<vmem_shared>>) target_semaphore(%dma_start3A_4 : memref<!tpu.dma_semaphore, #tpu.memory_space<semaphore_mem>>)
    %mul3A_9 = arith.constant 10240 : i32
    %mul3A_10 = arith.muli %arg0, %mul3A_9 : i32
    %add3A_11 = arith.addi %mul3A_10, %mul3A_0 : i32
    %dma_start3A_12 = arith.constant 1 : i32
    %dma_start3A_13 = tpu.memref_slice %arg11[%dma_start3A_12] : memref<2x!tpu.dma_semaphore, #tpu.memory_space<semaphore_mem>> -> memref<1x!tpu.dma_semaphore, #tpu.memory_space<semaphore_mem>>
    %dma_start3A_14 = tpu.memref_squeeze %dma_start3A_13 : memref<1x!tpu.dma_semaphore, #tpu.memory_space<semaphore_mem>> -> memref<!tpu.dma_semaphore, #tpu.memory_space<semaphore_mem>>
    %dma_start3A_15 = arith.constant 0 : i32
    %dma_start3A_16 = tpu.memref_slice %arg10[%mul3A_0, %dma_start3A_15] : memref<10240x64xf32, #tpu.memory_space<vmem_shared>> -> memref<640x64xf32, #tpu.memory_space<vmem_shared>>
    %dma_start3A_17 = arith.constant 0 : i32
    %dma_start3A_18 = tpu.memref_slice %arg2[%add3A_11, %dma_start3A_17] : memref<20480x64xf32, #tpu.memory_space<hbm>> -> memref<640x64xf32, #tpu.memory_space<hbm>>
    tpu.enqueue_dma source(%dma_start3A_18 : memref<640x64xf32, #tpu.memory_space<hbm>>) target(%dma_start3A_16 : memref<640x64xf32, #tpu.memory_space<vmem_shared>>) target_semaphore(%dma_start3A_14 : memref<!tpu.dma_semaphore, #tpu.memory_space<semaphore_mem>>)
    %mul3A_19 = arith.constant 160 : i32
    %mul3A_20 = arith.muli %arg1, %mul3A_19 : i32
    %dma_start3A_21 = arith.constant 0 : i32
    %dma_start3A_22 = arith.constant 0 : i32
    %dma_start3A_23 = tpu.memref_slice %arg3[%mul3A_20, %dma_start3A_22] : memref<2560x128xi32, #tpu.memory_space<hbm>> -> memref<80x128xi32, #tpu.memory_space<hbm>>
    %dma_start3A_24 = tpu.memref_slice %arg12[%dma_start3A_21] : memref<2x!tpu.dma_semaphore, #tpu.memory_space<semaphore_mem>> -> memref<1x!tpu.dma_semaphore, #tpu.memory_space<semaphore_mem>>
    %dma_start3A_25 = tpu.memref_squeeze %dma_start3A_24 : memref<1x!tpu.dma_semaphore, #tpu.memory_space<semaphore_mem>> -> memref<!tpu.dma_semaphore, #tpu.memory_space<semaphore_mem>>
    %dma_start3A_26 = arith.constant 0 : i32
    %dma_start3A_27 = tpu.memref_slice %arg3[%mul3A_20, %dma_start3A_26] : memref<2560x128xi32, #tpu.memory_space<hbm>> -> memref<80x128xi32, #tpu.memory_space<hbm>>
    tpu.enqueue_dma source(%dma_start3A_27 : memref<80x128xi32, #tpu.memory_space<hbm>>) target(%arg6 : memref<80x128xi32, #tpu.memory_space<vmem>>) target_semaphore(%dma_start3A_25 : memref<!tpu.dma_semaphore, #tpu.memory_space<semaphore_mem>>)
    %mul3A_28 = arith.constant 160 : i32
    %mul3A_29 = arith.muli %arg1, %mul3A_28 : i32
    %dma_start3A_30 = arith.constant 1 : i32
    %dma_start3A_31 = arith.constant 0 : i32
    %dma_start3A_32 = tpu.memref_slice %arg4[%mul3A_29, %dma_start3A_31] : memref<2560x128xi32, #tpu.memory_space<hbm>> -> memref<80x128xi32, #tpu.memory_space<hbm>>
    %dma_start3A_33 = tpu.memref_slice %arg12[%dma_start3A_30] : memref<2x!tpu.dma_semaphore, #tpu.memory_space<semaphore_mem>> -> memref<1x!tpu.dma_semaphore, #tpu.memory_space<semaphore_mem>>
    %dma_start3A_34 = tpu.memref_squeeze %dma_start3A_33 : memref<1x!tpu.dma_semaphore, #tpu.memory_space<semaphore_mem>> -> memref<!tpu.dma_semaphore, #tpu.memory_space<semaphore_mem>>
    %dma_start3A_35 = arith.constant 0 : i32
    %dma_start3A_36 = tpu.memref_slice %arg4[%mul3A_29, %dma_start3A_35] : memref<2560x128xi32, #tpu.memory_space<hbm>> -> memref<80x128xi32, #tpu.memory_space<hbm>>
    tpu.enqueue_dma source(%dma_start3A_36 : memref<80x128xi32, #tpu.memory_space<hbm>>) target(%arg7 : memref<80x128xi32, #tpu.memory_space<vmem>>) target_semaphore(%dma_start3A_34 : memref<!tpu.dma_semaphore, #tpu.memory_space<semaphore_mem>>)
    %dma_wait3A = arith.constant 0 : i32
    %dma_wait3A_37 = tpu.memref_slice %arg11[%dma_wait3A] : memref<2x!tpu.dma_semaphore, #tpu.memory_space<semaphore_mem>> -> memref<1x!tpu.dma_semaphore, #tpu.memory_space<semaphore_mem>>
    %dma_wait3A_38 = tpu.memref_squeeze %dma_wait3A_37 : memref<1x!tpu.dma_semaphore, #tpu.memory_space<semaphore_mem>> -> memref<!tpu.dma_semaphore, #tpu.memory_space<semaphore_mem>>
    %dma_wait3A_39 = arith.constant 0 : i32
    %dma_wait3A_40 = tpu.memref_slice %arg9[%mul3A_0, %dma_wait3A_39] : memref<10240x64xf32, #tpu.memory_space<vmem_shared>> -> memref<640x64xf32, #tpu.memory_space<vmem_shared>>
    %dma_wait3A_41 = arith.constant 0 : i32
    %dma_wait3A_42 = tpu.memref_slice %arg2[%add3A, %dma_wait3A_41] : memref<20480x64xf32, #tpu.memory_space<hbm>> -> memref<640x64xf32, #tpu.memory_space<hbm>>
    tpu.wait_dma2 semaphore(%dma_wait3A_38 : memref<!tpu.dma_semaphore, #tpu.memory_space<semaphore_mem>>) src(%dma_wait3A_42 : memref<640x64xf32, #tpu.memory_space<hbm>>) dst(%dma_wait3A_40 : memref<640x64xf32, #tpu.memory_space<vmem_shared>>)
    %dma_wait3A_43 = arith.constant 1 : i32
    %dma_wait3A_44 = tpu.memref_slice %arg11[%dma_wait3A_43] : memref<2x!tpu.dma_semaphore, #tpu.memory_space<semaphore_mem>> -> memref<1x!tpu.dma_semaphore, #tpu.memory_space<semaphore_mem>>
    %dma_wait3A_45 = tpu.memref_squeeze %dma_wait3A_44 : memref<1x!tpu.dma_semaphore, #tpu.memory_space<semaphore_mem>> -> memref<!tpu.dma_semaphore, #tpu.memory_space<semaphore_mem>>
    %dma_wait3A_46 = arith.constant 0 : i32
    %dma_wait3A_47 = tpu.memref_slice %arg10[%mul3A_0, %dma_wait3A_46] : memref<10240x64xf32, #tpu.memory_space<vmem_shared>> -> memref<640x64xf32, #tpu.memory_space<vmem_shared>>
    %dma_wait3A_48 = arith.constant 0 : i32
    %dma_wait3A_49 = tpu.memref_slice %arg2[%add3A_11, %dma_wait3A_48] : memref<20480x64xf32, #tpu.memory_space<hbm>> -> memref<640x64xf32, #tpu.memory_space<hbm>>
    tpu.wait_dma2 semaphore(%dma_wait3A_45 : memref<!tpu.dma_semaphore, #tpu.memory_space<semaphore_mem>>) src(%dma_wait3A_49 : memref<640x64xf32, #tpu.memory_space<hbm>>) dst(%dma_wait3A_47 : memref<640x64xf32, #tpu.memory_space<vmem_shared>>)
    %dma_wait3A_50 = arith.constant 0 : i32
    %dma_wait3A_51 = arith.constant 0 : i32
    %dma_wait3A_52 = tpu.memref_slice %arg3[%mul3A_20, %dma_wait3A_51] : memref<2560x128xi32, #tpu.memory_space<hbm>> -> memref<80x128xi32, #tpu.memory_space<hbm>>
    %dma_wait3A_53 = tpu.memref_slice %arg12[%dma_wait3A_50] : memref<2x!tpu.dma_semaphore, #tpu.memory_space<semaphore_mem>> -> memref<1x!tpu.dma_semaphore, #tpu.memory_space<semaphore_mem>>
    %dma_wait3A_54 = tpu.memref_squeeze %dma_wait3A_53 : memref<1x!tpu.dma_semaphore, #tpu.memory_space<semaphore_mem>> -> memref<!tpu.dma_semaphore, #tpu.memory_space<semaphore_mem>>
    %dma_wait3A_55 = arith.constant 0 : i32
    %dma_wait3A_56 = tpu.memref_slice %arg3[%mul3A_20, %dma_wait3A_55] : memref<2560x128xi32, #tpu.memory_space<hbm>> -> memref<80x128xi32, #tpu.memory_space<hbm>>
    tpu.wait_dma2 semaphore(%dma_wait3A_54 : memref<!tpu.dma_semaphore, #tpu.memory_space<semaphore_mem>>) src(%dma_wait3A_56 : memref<80x128xi32, #tpu.memory_space<hbm>>) dst(%arg6 : memref<80x128xi32, #tpu.memory_space<vmem>>)
    %dma_wait3A_57 = arith.constant 1 : i32
    %dma_wait3A_58 = arith.constant 0 : i32
    %dma_wait3A_59 = tpu.memref_slice %arg4[%mul3A_29, %dma_wait3A_58] : memref<2560x128xi32, #tpu.memory_space<hbm>> -> memref<80x128xi32, #tpu.memory_space<hbm>>
    %dma_wait3A_60 = tpu.memref_slice %arg12[%dma_wait3A_57] : memref<2x!tpu.dma_semaphore, #tpu.memory_space<semaphore_mem>> -> memref<1x!tpu.dma_semaphore, #tpu.memory_space<semaphore_mem>>
    %dma_wait3A_61 = tpu.memref_squeeze %dma_wait3A_60 : memref<1x!tpu.dma_semaphore, #tpu.memory_space<semaphore_mem>> -> memref<!tpu.dma_semaphore, #tpu.memory_space<semaphore_mem>>
    %dma_wait3A_62 = arith.constant 0 : i32
    %dma_wait3A_63 = tpu.memref_slice %arg4[%mul3A_29, %dma_wait3A_62] : memref<2560x128xi32, #tpu.memory_space<hbm>> -> memref<80x128xi32, #tpu.memory_space<hbm>>
    tpu.wait_dma2 semaphore(%dma_wait3A_61 : memref<!tpu.dma_semaphore, #tpu.memory_space<semaphore_mem>>) src(%dma_wait3A_63 : memref<80x128xi32, #tpu.memory_space<hbm>>) dst(%arg7 : memref<80x128xi32, #tpu.memory_space<vmem>>)
    %barrier3A = arith.constant 0 : index
    tpu.barrier barrier_id(%barrier3A)
    %dma_start3A_64 = arith.constant 0 : i32
    %dma_start3A_65 = arith.constant 0 : i32
    %dma_start3A_66 = arith.constant 0 : i32
    %dma_start3A_67 = arith.constant 0 : i32
    %dma_start3A_68 = arith.constant 0 : i32
    %dma_start3A_69 = tpu.memref_slice %arg8[%dma_start3A_65, %dma_start3A_67, %dma_start3A_68] : memref<2x128x64xf32, #tpu.memory_space<vmem>> -> memref<1x128x64xf32, #tpu.memory_space<vmem>>
    %dma_start3A_70 = tpu.memref_squeeze %dma_start3A_69 : memref<1x128x64xf32, #tpu.memory_space<vmem>> -> memref<128x64xf32, #tpu.memory_space<vmem>>
    %dma_start3A_71 = arith.constant 0 : i32
    %dma_start3A_72 = tpu.memref_slice %arg6[%dma_start3A_64, %dma_start3A_71] : memref<80x128xi32, #tpu.memory_space<vmem>> -> memref<1x128xi32, #tpu.memory_space<vmem>>
    %dma_start3A_73 = tpu.memref_squeeze %dma_start3A_72 : memref<1x128xi32, #tpu.memory_space<vmem>> -> memref<128xi32, #tpu.memory_space<vmem>>
    %dma_start3A_74 = arith.constant 0 : i32
    %dma_start3A_75 = arith.constant 0 : i32
    %dma_start3A_76 = tpu.memref_slice %arg9[%dma_start3A_74, %dma_start3A_75] : memref<10240x64xf32, #tpu.memory_space<vmem_shared>> -> memref<10240x64xf32, #tpu.memory_space<vmem_shared>>
    %dma_start3A_77 = tpu.memref_slice %arg11[%dma_start3A_66] : memref<2x!tpu.dma_semaphore, #tpu.memory_space<semaphore_mem>> -> memref<1x!tpu.dma_semaphore, #tpu.memory_space<semaphore_mem>>
    %dma_start3A_78 = tpu.memref_squeeze %dma_start3A_77 : memref<1x!tpu.dma_semaphore, #tpu.memory_space<semaphore_mem>> -> memref<!tpu.dma_semaphore, #tpu.memory_space<semaphore_mem>>
    tpu.enqueue_indirect_dma source(%dma_start3A_76 : memref<10240x64xf32, #tpu.memory_space<vmem_shared>>) target(%dma_start3A_70 : memref<128x64xf32, #tpu.memory_space<vmem>>) offsets(%dma_start3A_73 : memref<128xi32, #tpu.memory_space<vmem>>) semaphore(%dma_start3A_78 : memref<!tpu.dma_semaphore, #tpu.memory_space<semaphore_mem>>)
    %dma_start3A_79 = arith.constant 1 : i32
    %dma_start3A_80 = arith.constant 1 : i32
    %dma_start3A_81 = arith.constant 1 : i32
    %dma_start3A_82 = arith.constant 0 : i32
    %dma_start3A_83 = arith.constant 0 : i32
    %dma_start3A_84 = tpu.memref_slice %arg8[%dma_start3A_80, %dma_start3A_82, %dma_start3A_83] : memref<2x128x64xf32, #tpu.memory_space<vmem>> -> memref<1x128x64xf32, #tpu.memory_space<vmem>>
    %dma_start3A_85 = tpu.memref_squeeze %dma_start3A_84 : memref<1x128x64xf32, #tpu.memory_space<vmem>> -> memref<128x64xf32, #tpu.memory_space<vmem>>
    %dma_start3A_86 = arith.constant 0 : i32
    %dma_start3A_87 = tpu.memref_slice %arg6[%dma_start3A_79, %dma_start3A_86] : memref<80x128xi32, #tpu.memory_space<vmem>> -> memref<1x128xi32, #tpu.memory_space<vmem>>
    %dma_start3A_88 = tpu.memref_squeeze %dma_start3A_87 : memref<1x128xi32, #tpu.memory_space<vmem>> -> memref<128xi32, #tpu.memory_space<vmem>>
    %dma_start3A_89 = arith.constant 0 : i32
    %dma_start3A_90 = arith.constant 0 : i32
    %dma_start3A_91 = tpu.memref_slice %arg9[%dma_start3A_89, %dma_start3A_90] : memref<10240x64xf32, #tpu.memory_space<vmem_shared>> -> memref<10240x64xf32, #tpu.memory_space<vmem_shared>>
    %dma_start3A_92 = tpu.memref_slice %arg11[%dma_start3A_81] : memref<2x!tpu.dma_semaphore, #tpu.memory_space<semaphore_mem>> -> memref<1x!tpu.dma_semaphore, #tpu.memory_space<semaphore_mem>>
    %dma_start3A_93 = tpu.memref_squeeze %dma_start3A_92 : memref<1x!tpu.dma_semaphore, #tpu.memory_space<semaphore_mem>> -> memref<!tpu.dma_semaphore, #tpu.memory_space<semaphore_mem>>
    tpu.enqueue_indirect_dma source(%dma_start3A_91 : memref<10240x64xf32, #tpu.memory_space<vmem_shared>>) target(%dma_start3A_85 : memref<128x64xf32, #tpu.memory_space<vmem>>) offsets(%dma_start3A_88 : memref<128xi32, #tpu.memory_space<vmem>>) semaphore(%dma_start3A_93 : memref<!tpu.dma_semaphore, #tpu.memory_space<semaphore_mem>>)
    %scan3A = arith.constant 0 : i32
    %scan3A_94 = arith.constant 0 : i32
    %scan3A_95 = arith.constant 39 : i32
    %scan3A_96 = arith.addi %scan3A_94, %scan3A_95 : i32
    %scan3A_97 = arith.constant 1 : i32
    scf.for %scan3A_350 = %scan3A_94 to %scan3A_96 step %scan3A_97  : i32 {
      %mul3A_351 = arith.constant 2 : i32
      %mul3A_352 = arith.muli %scan3A_350, %mul3A_351 : i32
      %add3A_353 = arith.constant 0 : i32
      %add3A_354 = arith.addi %mul3A_352, %add3A_353 : i32
      %dma_wait3A_355 = arith.constant 0 : i32
      %dma_wait3A_356 = arith.constant 0 : i32
      %dma_wait3A_357 = arith.constant 0 : i32
      %dma_wait3A_358 = arith.constant 0 : i32
      %dma_wait3A_359 = tpu.memref_slice %arg8[%dma_wait3A_355, %dma_wait3A_357, %dma_wait3A_358] : memref<2x128x64xf32, #tpu.memory_space<vmem>> -> memref<1x128x64xf32, #tpu.memory_space<vmem>>
      %dma_wait3A_360 = tpu.memref_squeeze %dma_wait3A_359 : memref<1x128x64xf32, #tpu.memory_space<vmem>> -> memref<128x64xf32, #tpu.memory_space<vmem>>
      %dma_wait3A_361 = arith.constant 0 : i32
      %dma_wait3A_362 = tpu.memref_slice %arg6[%add3A_354, %dma_wait3A_361] : memref<80x128xi32, #tpu.memory_space<vmem>> -> memref<1x128xi32, #tpu.memory_space<vmem>>
      %dma_wait3A_363 = tpu.memref_squeeze %dma_wait3A_362 : memref<1x128xi32, #tpu.memory_space<vmem>> -> memref<128xi32, #tpu.memory_space<vmem>>
      %dma_wait3A_364 = arith.constant 0 : i32
      %dma_wait3A_365 = arith.constant 0 : i32
      %dma_wait3A_366 = tpu.memref_slice %arg9[%dma_wait3A_364, %dma_wait3A_365] : memref<10240x64xf32, #tpu.memory_space<vmem_shared>> -> memref<10240x64xf32, #tpu.memory_space<vmem_shared>>
      %dma_wait3A_367 = tpu.memref_slice %arg11[%dma_wait3A_356] : memref<2x!tpu.dma_semaphore, #tpu.memory_space<semaphore_mem>> -> memref<1x!tpu.dma_semaphore, #tpu.memory_space<semaphore_mem>>
      %dma_wait3A_368 = tpu.memref_squeeze %dma_wait3A_367 : memref<1x!tpu.dma_semaphore, #tpu.memory_space<semaphore_mem>> -> memref<!tpu.dma_semaphore, #tpu.memory_space<semaphore_mem>>
      tpu.wait_indirect_dma semaphore(%dma_wait3A_368 : memref<!tpu.dma_semaphore, #tpu.memory_space<semaphore_mem>>) src(%dma_wait3A_366 : memref<10240x64xf32, #tpu.memory_space<vmem_shared>>) dst(%dma_wait3A_360 : memref<128x64xf32, #tpu.memory_space<vmem>>)
      %add3A_369 = arith.constant 0 : i32
      %add3A_370 = arith.addi %mul3A_352, %add3A_369 : i32
      %dma_start3A_371 = arith.constant 0 : i32
      %dma_start3A_372 = arith.constant 0 : i32
      %dma_start3A_373 = arith.constant 0 : i32
      %dma_start3A_374 = arith.constant 0 : i32
      %dma_start3A_375 = tpu.memref_slice %arg8[%dma_start3A_371, %dma_start3A_373, %dma_start3A_374] : memref<2x128x64xf32, #tpu.memory_space<vmem>> -> memref<1x128x64xf32, #tpu.memory_space<vmem>>
      %dma_start3A_376 = tpu.memref_squeeze %dma_start3A_375 : memref<1x128x64xf32, #tpu.memory_space<vmem>> -> memref<128x64xf32, #tpu.memory_space<vmem>>
      %dma_start3A_377 = arith.constant 0 : i32
      %dma_start3A_378 = tpu.memref_slice %arg7[%add3A_370, %dma_start3A_377] : memref<80x128xi32, #tpu.memory_space<vmem>> -> memref<1x128xi32, #tpu.memory_space<vmem>>
      %dma_start3A_379 = tpu.memref_squeeze %dma_start3A_378 : memref<1x128xi32, #tpu.memory_space<vmem>> -> memref<128xi32, #tpu.memory_space<vmem>>
      %dma_start3A_380 = arith.constant 0 : i32
      %dma_start3A_381 = arith.constant 0 : i32
      %dma_start3A_382 = tpu.memref_slice %arg10[%dma_start3A_380, %dma_start3A_381] : memref<10240x64xf32, #tpu.memory_space<vmem_shared>> -> memref<10240x64xf32, #tpu.memory_space<vmem_shared>>
      %dma_start3A_383 = tpu.memref_slice %arg12[%dma_start3A_372] : memref<2x!tpu.dma_semaphore, #tpu.memory_space<semaphore_mem>> -> memref<1x!tpu.dma_semaphore, #tpu.memory_space<semaphore_mem>>
      %dma_start3A_384 = tpu.memref_squeeze %dma_start3A_383 : memref<1x!tpu.dma_semaphore, #tpu.memory_space<semaphore_mem>> -> memref<!tpu.dma_semaphore, #tpu.memory_space<semaphore_mem>>
      tpu.enqueue_indirect_dma source(%dma_start3A_376 : memref<128x64xf32, #tpu.memory_space<vmem>>) target(%dma_start3A_382 : memref<10240x64xf32, #tpu.memory_space<vmem_shared>>) offsets(%dma_start3A_379 : memref<128xi32, #tpu.memory_space<vmem>>) semaphore(%dma_start3A_384 : memref<!tpu.dma_semaphore, #tpu.memory_space<semaphore_mem>>) {add = true}
      %add3A_385 = arith.constant 1 : i32
      %add3A_386 = arith.addi %mul3A_352, %add3A_385 : i32
      %dma_wait3A_387 = arith.constant 1 : i32
      %dma_wait3A_388 = arith.constant 1 : i32
      %dma_wait3A_389 = arith.constant 0 : i32
      %dma_wait3A_390 = arith.constant 0 : i32
      %dma_wait3A_391 = tpu.memref_slice %arg8[%dma_wait3A_387, %dma_wait3A_389, %dma_wait3A_390] : memref<2x128x64xf32, #tpu.memory_space<vmem>> -> memref<1x128x64xf32, #tpu.memory_space<vmem>>
      %dma_wait3A_392 = tpu.memref_squeeze %dma_wait3A_391 : memref<1x128x64xf32, #tpu.memory_space<vmem>> -> memref<128x64xf32, #tpu.memory_space<vmem>>
      %dma_wait3A_393 = arith.constant 0 : i32
      %dma_wait3A_394 = tpu.memref_slice %arg6[%add3A_386, %dma_wait3A_393] : memref<80x128xi32, #tpu.memory_space<vmem>> -> memref<1x128xi32, #tpu.memory_space<vmem>>
      %dma_wait3A_395 = tpu.memref_squeeze %dma_wait3A_394 : memref<1x128xi32, #tpu.memory_space<vmem>> -> memref<128xi32, #tpu.memory_space<vmem>>
      %dma_wait3A_396 = arith.constant 0 : i32
      %dma_wait3A_397 = arith.constant 0 : i32
      %dma_wait3A_398 = tpu.memref_slice %arg9[%dma_wait3A_396, %dma_wait3A_397] : memref<10240x64xf32, #tpu.memory_space<vmem_shared>> -> memref<10240x64xf32, #tpu.memory_space<vmem_shared>>
      %dma_wait3A_399 = tpu.memref_slice %arg11[%dma_wait3A_388] : memref<2x!tpu.dma_semaphore, #tpu.memory_space<semaphore_mem>> -> memref<1x!tpu.dma_semaphore, #tpu.memory_space<semaphore_mem>>
      %dma_wait3A_400 = tpu.memref_squeeze %dma_wait3A_399 : memref<1x!tpu.dma_semaphore, #tpu.memory_space<semaphore_mem>> -> memref<!tpu.dma_semaphore, #tpu.memory_space<semaphore_mem>>
      tpu.wait_indirect_dma semaphore(%dma_wait3A_400 : memref<!tpu.dma_semaphore, #tpu.memory_space<semaphore_mem>>) src(%dma_wait3A_398 : memref<10240x64xf32, #tpu.memory_space<vmem_shared>>) dst(%dma_wait3A_392 : memref<128x64xf32, #tpu.memory_space<vmem>>)
      %add3A_401 = arith.constant 1 : i32
      %add3A_402 = arith.addi %mul3A_352, %add3A_401 : i32
      %dma_start3A_403 = arith.constant 1 : i32
      %dma_start3A_404 = arith.constant 1 : i32
      %dma_start3A_405 = arith.constant 0 : i32
      %dma_start3A_406 = arith.constant 0 : i32
      %dma_start3A_407 = tpu.memref_slice %arg8[%dma_start3A_403, %dma_start3A_405, %dma_start3A_406] : memref<2x128x64xf32, #tpu.memory_space<vmem>> -> memref<1x128x64xf32, #tpu.memory_space<vmem>>
      %dma_start3A_408 = tpu.memref_squeeze %dma_start3A_407 : memref<1x128x64xf32, #tpu.memory_space<vmem>> -> memref<128x64xf32, #tpu.memory_space<vmem>>
      %dma_start3A_409 = arith.constant 0 : i32
      %dma_start3A_410 = tpu.memref_slice %arg7[%add3A_402, %dma_start3A_409] : memref<80x128xi32, #tpu.memory_space<vmem>> -> memref<1x128xi32, #tpu.memory_space<vmem>>
      %dma_start3A_411 = tpu.memref_squeeze %dma_start3A_410 : memref<1x128xi32, #tpu.memory_space<vmem>> -> memref<128xi32, #tpu.memory_space<vmem>>
      %dma_start3A_412 = arith.constant 0 : i32
      %dma_start3A_413 = arith.constant 0 : i32
      %dma_start3A_414 = tpu.memref_slice %arg10[%dma_start3A_412, %dma_start3A_413] : memref<10240x64xf32, #tpu.memory_space<vmem_shared>> -> memref<10240x64xf32, #tpu.memory_space<vmem_shared>>
      %dma_start3A_415 = tpu.memref_slice %arg12[%dma_start3A_404] : memref<2x!tpu.dma_semaphore, #tpu.memory_space<semaphore_mem>> -> memref<1x!tpu.dma_semaphore, #tpu.memory_space<semaphore_mem>>
      %dma_start3A_416 = tpu.memref_squeeze %dma_start3A_415 : memref<1x!tpu.dma_semaphore, #tpu.memory_space<semaphore_mem>> -> memref<!tpu.dma_semaphore, #tpu.memory_space<semaphore_mem>>
      tpu.enqueue_indirect_dma source(%dma_start3A_408 : memref<128x64xf32, #tpu.memory_space<vmem>>) target(%dma_start3A_414 : memref<10240x64xf32, #tpu.memory_space<vmem_shared>>) offsets(%dma_start3A_411 : memref<128xi32, #tpu.memory_space<vmem>>) semaphore(%dma_start3A_416 : memref<!tpu.dma_semaphore, #tpu.memory_space<semaphore_mem>>) {add = true}
      %add3A_417 = arith.constant 0 : i32
      %add3A_418 = arith.addi %mul3A_352, %add3A_417 : i32
      %dma_wait3A_419 = arith.constant 0 : i32
      %dma_wait3A_420 = arith.constant 0 : i32
      %dma_wait3A_421 = arith.constant 0 : i32
      %dma_wait3A_422 = arith.constant 0 : i32
      %dma_wait3A_423 = tpu.memref_slice %arg8[%dma_wait3A_419, %dma_wait3A_421, %dma_wait3A_422] : memref<2x128x64xf32, #tpu.memory_space<vmem>> -> memref<1x128x64xf32, #tpu.memory_space<vmem>>
      %dma_wait3A_424 = tpu.memref_squeeze %dma_wait3A_423 : memref<1x128x64xf32, #tpu.memory_space<vmem>> -> memref<128x64xf32, #tpu.memory_space<vmem>>
      %dma_wait3A_425 = arith.constant 0 : i32
      %dma_wait3A_426 = tpu.memref_slice %arg7[%add3A_418, %dma_wait3A_425] : memref<80x128xi32, #tpu.memory_space<vmem>> -> memref<1x128xi32, #tpu.memory_space<vmem>>
      %dma_wait3A_427 = tpu.memref_squeeze %dma_wait3A_426 : memref<1x128xi32, #tpu.memory_space<vmem>> -> memref<128xi32, #tpu.memory_space<vmem>>
      %dma_wait3A_428 = arith.constant 0 : i32
      %dma_wait3A_429 = arith.constant 0 : i32
      %dma_wait3A_430 = tpu.memref_slice %arg10[%dma_wait3A_428, %dma_wait3A_429] : memref<10240x64xf32, #tpu.memory_space<vmem_shared>> -> memref<10240x64xf32, #tpu.memory_space<vmem_shared>>
      %dma_wait3A_431 = tpu.memref_slice %arg12[%dma_wait3A_420] : memref<2x!tpu.dma_semaphore, #tpu.memory_space<semaphore_mem>> -> memref<1x!tpu.dma_semaphore, #tpu.memory_space<semaphore_mem>>
      %dma_wait3A_432 = tpu.memref_squeeze %dma_wait3A_431 : memref<1x!tpu.dma_semaphore, #tpu.memory_space<semaphore_mem>> -> memref<!tpu.dma_semaphore, #tpu.memory_space<semaphore_mem>>
      tpu.wait_indirect_dma semaphore(%dma_wait3A_432 : memref<!tpu.dma_semaphore, #tpu.memory_space<semaphore_mem>>) src(%dma_wait3A_424 : memref<128x64xf32, #tpu.memory_space<vmem>>) dst(%dma_wait3A_430 : memref<10240x64xf32, #tpu.memory_space<vmem_shared>>)
      %add3A_433 = arith.constant 2 : i32
      %add3A_434 = arith.addi %mul3A_352, %add3A_433 : i32
      %add3A_435 = arith.constant 0 : i32
      %add3A_436 = arith.addi %add3A_434, %add3A_435 : i32
      %dma_start3A_437 = arith.constant 0 : i32
      %dma_start3A_438 = arith.constant 0 : i32
      %dma_start3A_439 = arith.constant 0 : i32
      %dma_start3A_440 = arith.constant 0 : i32
      %dma_start3A_441 = tpu.memref_slice %arg8[%dma_start3A_437, %dma_start3A_439, %dma_start3A_440] : memref<2x128x64xf32, #tpu.memory_space<vmem>> -> memref<1x128x64xf32, #tpu.memory_space<vmem>>
      %dma_start3A_442 = tpu.memref_squeeze %dma_start3A_441 : memref<1x128x64xf32, #tpu.memory_space<vmem>> -> memref<128x64xf32, #tpu.memory_space<vmem>>
      %dma_start3A_443 = arith.constant 0 : i32
      %dma_start3A_444 = tpu.memref_slice %arg6[%add3A_436, %dma_start3A_443] : memref<80x128xi32, #tpu.memory_space<vmem>> -> memref<1x128xi32, #tpu.memory_space<vmem>>
      %dma_start3A_445 = tpu.memref_squeeze %dma_start3A_444 : memref<1x128xi32, #tpu.memory_space<vmem>> -> memref<128xi32, #tpu.memory_space<vmem>>
      %dma_start3A_446 = arith.constant 0 : i32
      %dma_start3A_447 = arith.constant 0 : i32
      %dma_start3A_448 = tpu.memref_slice %arg9[%dma_start3A_446, %dma_start3A_447] : memref<10240x64xf32, #tpu.memory_space<vmem_shared>> -> memref<10240x64xf32, #tpu.memory_space<vmem_shared>>
      %dma_start3A_449 = tpu.memref_slice %arg11[%dma_start3A_438] : memref<2x!tpu.dma_semaphore, #tpu.memory_space<semaphore_mem>> -> memref<1x!tpu.dma_semaphore, #tpu.memory_space<semaphore_mem>>
      %dma_start3A_450 = tpu.memref_squeeze %dma_start3A_449 : memref<1x!tpu.dma_semaphore, #tpu.memory_space<semaphore_mem>> -> memref<!tpu.dma_semaphore, #tpu.memory_space<semaphore_mem>>
      tpu.enqueue_indirect_dma source(%dma_start3A_448 : memref<10240x64xf32, #tpu.memory_space<vmem_shared>>) target(%dma_start3A_442 : memref<128x64xf32, #tpu.memory_space<vmem>>) offsets(%dma_start3A_445 : memref<128xi32, #tpu.memory_space<vmem>>) semaphore(%dma_start3A_450 : memref<!tpu.dma_semaphore, #tpu.memory_space<semaphore_mem>>)
      %add3A_451 = arith.constant 1 : i32
      %add3A_452 = arith.addi %mul3A_352, %add3A_451 : i32
      %dma_wait3A_453 = arith.constant 1 : i32
      %dma_wait3A_454 = arith.constant 1 : i32
      %dma_wait3A_455 = arith.constant 0 : i32
      %dma_wait3A_456 = arith.constant 0 : i32
      %dma_wait3A_457 = tpu.memref_slice %arg8[%dma_wait3A_453, %dma_wait3A_455, %dma_wait3A_456] : memref<2x128x64xf32, #tpu.memory_space<vmem>> -> memref<1x128x64xf32, #tpu.memory_space<vmem>>
      %dma_wait3A_458 = tpu.memref_squeeze %dma_wait3A_457 : memref<1x128x64xf32, #tpu.memory_space<vmem>> -> memref<128x64xf32, #tpu.memory_space<vmem>>
      %dma_wait3A_459 = arith.constant 0 : i32
      %dma_wait3A_460 = tpu.memref_slice %arg7[%add3A_452, %dma_wait3A_459] : memref<80x128xi32, #tpu.memory_space<vmem>> -> memref<1x128xi32, #tpu.memory_space<vmem>>
      %dma_wait3A_461 = tpu.memref_squeeze %dma_wait3A_460 : memref<1x128xi32, #tpu.memory_space<vmem>> -> memref<128xi32, #tpu.memory_space<vmem>>
      %dma_wait3A_462 = arith.constant 0 : i32
      %dma_wait3A_463 = arith.constant 0 : i32
      %dma_wait3A_464 = tpu.memref_slice %arg10[%dma_wait3A_462, %dma_wait3A_463] : memref<10240x64xf32, #tpu.memory_space<vmem_shared>> -> memref<10240x64xf32, #tpu.memory_space<vmem_shared>>
      %dma_wait3A_465 = tpu.memref_slice %arg12[%dma_wait3A_454] : memref<2x!tpu.dma_semaphore, #tpu.memory_space<semaphore_mem>> -> memref<1x!tpu.dma_semaphore, #tpu.memory_space<semaphore_mem>>
      %dma_wait3A_466 = tpu.memref_squeeze %dma_wait3A_465 : memref<1x!tpu.dma_semaphore, #tpu.memory_space<semaphore_mem>> -> memref<!tpu.dma_semaphore, #tpu.memory_space<semaphore_mem>>
      tpu.wait_indirect_dma semaphore(%dma_wait3A_466 : memref<!tpu.dma_semaphore, #tpu.memory_space<semaphore_mem>>) src(%dma_wait3A_458 : memref<128x64xf32, #tpu.memory_space<vmem>>) dst(%dma_wait3A_464 : memref<10240x64xf32, #tpu.memory_space<vmem_shared>>)
      %add3A_467 = arith.constant 2 : i32
      %add3A_468 = arith.addi %mul3A_352, %add3A_467 : i32
      %add3A_469 = arith.constant 1 : i32
      %add3A_470 = arith.addi %add3A_468, %add3A_469 : i32
      %dma_start3A_471 = arith.constant 1 : i32
      %dma_start3A_472 = arith.constant 1 : i32
      %dma_start3A_473 = arith.constant 0 : i32
      %dma_start3A_474 = arith.constant 0 : i32
      %dma_start3A_475 = tpu.memref_slice %arg8[%dma_start3A_471, %dma_start3A_473, %dma_start3A_474] : memref<2x128x64xf32, #tpu.memory_space<vmem>> -> memref<1x128x64xf32, #tpu.memory_space<vmem>>
      %dma_start3A_476 = tpu.memref_squeeze %dma_start3A_475 : memref<1x128x64xf32, #tpu.memory_space<vmem>> -> memref<128x64xf32, #tpu.memory_space<vmem>>
      %dma_start3A_477 = arith.constant 0 : i32
      %dma_start3A_478 = tpu.memref_slice %arg6[%add3A_470, %dma_start3A_477] : memref<80x128xi32, #tpu.memory_space<vmem>> -> memref<1x128xi32, #tpu.memory_space<vmem>>
      %dma_start3A_479 = tpu.memref_squeeze %dma_start3A_478 : memref<1x128xi32, #tpu.memory_space<vmem>> -> memref<128xi32, #tpu.memory_space<vmem>>
      %dma_start3A_480 = arith.constant 0 : i32
      %dma_start3A_481 = arith.constant 0 : i32
      %dma_start3A_482 = tpu.memref_slice %arg9[%dma_start3A_480, %dma_start3A_481] : memref<10240x64xf32, #tpu.memory_space<vmem_shared>> -> memref<10240x64xf32, #tpu.memory_space<vmem_shared>>
      %dma_start3A_483 = tpu.memref_slice %arg11[%dma_start3A_472] : memref<2x!tpu.dma_semaphore, #tpu.memory_space<semaphore_mem>> -> memref<1x!tpu.dma_semaphore, #tpu.memory_space<semaphore_mem>>
      %dma_start3A_484 = tpu.memref_squeeze %dma_start3A_483 : memref<1x!tpu.dma_semaphore, #tpu.memory_space<semaphore_mem>> -> memref<!tpu.dma_semaphore, #tpu.memory_space<semaphore_mem>>
      tpu.enqueue_indirect_dma source(%dma_start3A_482 : memref<10240x64xf32, #tpu.memory_space<vmem_shared>>) target(%dma_start3A_476 : memref<128x64xf32, #tpu.memory_space<vmem>>) offsets(%dma_start3A_479 : memref<128xi32, #tpu.memory_space<vmem>>) semaphore(%dma_start3A_484 : memref<!tpu.dma_semaphore, #tpu.memory_space<semaphore_mem>>)
    }
    %scan3A_98 = arith.constant 39 : i32
    %dma_wait3A_99 = arith.constant 78 : i32
    %dma_wait3A_100 = arith.constant 0 : i32
    %dma_wait3A_101 = arith.constant 0 : i32
    %dma_wait3A_102 = arith.constant 0 : i32
    %dma_wait3A_103 = arith.constant 0 : i32
    %dma_wait3A_104 = tpu.memref_slice %arg8[%dma_wait3A_100, %dma_wait3A_102, %dma_wait3A_103] : memref<2x128x64xf32, #tpu.memory_space<vmem>> -> memref<1x128x64xf32, #tpu.memory_space<vmem>>
    %dma_wait3A_105 = tpu.memref_squeeze %dma_wait3A_104 : memref<1x128x64xf32, #tpu.memory_space<vmem>> -> memref<128x64xf32, #tpu.memory_space<vmem>>
    %dma_wait3A_106 = arith.constant 0 : i32
    %dma_wait3A_107 = tpu.memref_slice %arg6[%dma_wait3A_99, %dma_wait3A_106] : memref<80x128xi32, #tpu.memory_space<vmem>> -> memref<1x128xi32, #tpu.memory_space<vmem>>
    %dma_wait3A_108 = tpu.memref_squeeze %dma_wait3A_107 : memref<1x128xi32, #tpu.memory_space<vmem>> -> memref<128xi32, #tpu.memory_space<vmem>>
    %dma_wait3A_109 = arith.constant 0 : i32
    %dma_wait3A_110 = arith.constant 0 : i32
    %dma_wait3A_111 = tpu.memref_slice %arg9[%dma_wait3A_109, %dma_wait3A_110] : memref<10240x64xf32, #tpu.memory_space<vmem_shared>> -> memref<10240x64xf32, #tpu.memory_space<vmem_shared>>
    %dma_wait3A_112 = tpu.memref_slice %arg11[%dma_wait3A_101] : memref<2x!tpu.dma_semaphore, #tpu.memory_space<semaphore_mem>> -> memref<1x!tpu.dma_semaphore, #tpu.memory_space<semaphore_mem>>
    %dma_wait3A_113 = tpu.memref_squeeze %dma_wait3A_112 : memref<1x!tpu.dma_semaphore, #tpu.memory_space<semaphore_mem>> -> memref<!tpu.dma_semaphore, #tpu.memory_space<semaphore_mem>>
    tpu.wait_indirect_dma semaphore(%dma_wait3A_113 : memref<!tpu.dma_semaphore, #tpu.memory_space<semaphore_mem>>) src(%dma_wait3A_111 : memref<10240x64xf32, #tpu.memory_space<vmem_shared>>) dst(%dma_wait3A_105 : memref<128x64xf32, #tpu.memory_space<vmem>>)
    %dma_start3A_114 = arith.constant 0 : i32
    %dma_start3A_115 = arith.constant 78 : i32
    %dma_start3A_116 = arith.constant 0 : i32
    %dma_start3A_117 = arith.constant 0 : i32
    %dma_start3A_118 = arith.constant 0 : i32
    %dma_start3A_119 = tpu.memref_slice %arg8[%dma_start3A_114, %dma_start3A_117, %dma_start3A_118] : memref<2x128x64xf32, #tpu.memory_space<vmem>> -> memref<1x128x64xf32, #tpu.memory_space<vmem>>
    %dma_start3A_120 = tpu.memref_squeeze %dma_start3A_119 : memref<1x128x64xf32, #tpu.memory_space<vmem>> -> memref<128x64xf32, #tpu.memory_space<vmem>>
    %dma_start3A_121 = arith.constant 0 : i32
    %dma_start3A_122 = tpu.memref_slice %arg7[%dma_start3A_115, %dma_start3A_121] : memref<80x128xi32, #tpu.memory_space<vmem>> -> memref<1x128xi32, #tpu.memory_space<vmem>>
    %dma_start3A_123 = tpu.memref_squeeze %dma_start3A_122 : memref<1x128xi32, #tpu.memory_space<vmem>> -> memref<128xi32, #tpu.memory_space<vmem>>
    %dma_start3A_124 = arith.constant 0 : i32
    %dma_start3A_125 = arith.constant 0 : i32
    %dma_start3A_126 = tpu.memref_slice %arg10[%dma_start3A_124, %dma_start3A_125] : memref<10240x64xf32, #tpu.memory_space<vmem_shared>> -> memref<10240x64xf32, #tpu.memory_space<vmem_shared>>
    %dma_start3A_127 = tpu.memref_slice %arg12[%dma_start3A_116] : memref<2x!tpu.dma_semaphore, #tpu.memory_space<semaphore_mem>> -> memref<1x!tpu.dma_semaphore, #tpu.memory_space<semaphore_mem>>
    %dma_start3A_128 = tpu.memref_squeeze %dma_start3A_127 : memref<1x!tpu.dma_semaphore, #tpu.memory_space<semaphore_mem>> -> memref<!tpu.dma_semaphore, #tpu.memory_space<semaphore_mem>>
    tpu.enqueue_indirect_dma source(%dma_start3A_120 : memref<128x64xf32, #tpu.memory_space<vmem>>) target(%dma_start3A_126 : memref<10240x64xf32, #tpu.memory_space<vmem_shared>>) offsets(%dma_start3A_123 : memref<128xi32, #tpu.memory_space<vmem>>) semaphore(%dma_start3A_128 : memref<!tpu.dma_semaphore, #tpu.memory_space<semaphore_mem>>) {add = true}
    %dma_wait3A_129 = arith.constant 79 : i32
    %dma_wait3A_130 = arith.constant 1 : i32
    %dma_wait3A_131 = arith.constant 1 : i32
    %dma_wait3A_132 = arith.constant 0 : i32
    %dma_wait3A_133 = arith.constant 0 : i32
    %dma_wait3A_134 = tpu.memref_slice %arg8[%dma_wait3A_130, %dma_wait3A_132, %dma_wait3A_133] : memref<2x128x64xf32, #tpu.memory_space<vmem>> -> memref<1x128x64xf32, #tpu.memory_space<vmem>>
    %dma_wait3A_135 = tpu.memref_squeeze %dma_wait3A_134 : memref<1x128x64xf32, #tpu.memory_space<vmem>> -> memref<128x64xf32, #tpu.memory_space<vmem>>
    %dma_wait3A_136 = arith.constant 0 : i32
    %dma_wait3A_137 = tpu.memref_slice %arg6[%dma_wait3A_129, %dma_wait3A_136] : memref<80x128xi32, #tpu.memory_space<vmem>> -> memref<1x128xi32, #tpu.memory_space<vmem>>
    %dma_wait3A_138 = tpu.memref_squeeze %dma_wait3A_137 : memref<1x128xi32, #tpu.memory_space<vmem>> -> memref<128xi32, #tpu.memory_space<vmem>>
    %dma_wait3A_139 = arith.constant 0 : i32
    %dma_wait3A_140 = arith.constant 0 : i32
    %dma_wait3A_141 = tpu.memref_slice %arg9[%dma_wait3A_139, %dma_wait3A_140] : memref<10240x64xf32, #tpu.memory_space<vmem_shared>> -> memref<10240x64xf32, #tpu.memory_space<vmem_shared>>
    %dma_wait3A_142 = tpu.memref_slice %arg11[%dma_wait3A_131] : memref<2x!tpu.dma_semaphore, #tpu.memory_space<semaphore_mem>> -> memref<1x!tpu.dma_semaphore, #tpu.memory_space<semaphore_mem>>
    %dma_wait3A_143 = tpu.memref_squeeze %dma_wait3A_142 : memref<1x!tpu.dma_semaphore, #tpu.memory_space<semaphore_mem>> -> memref<!tpu.dma_semaphore, #tpu.memory_space<semaphore_mem>>
    tpu.wait_indirect_dma semaphore(%dma_wait3A_143 : memref<!tpu.dma_semaphore, #tpu.memory_space<semaphore_mem>>) src(%dma_wait3A_141 : memref<10240x64xf32, #tpu.memory_space<vmem_shared>>) dst(%dma_wait3A_135 : memref<128x64xf32, #tpu.memory_space<vmem>>)
    %dma_start3A_144 = arith.constant 1 : i32
    %dma_start3A_145 = arith.constant 79 : i32
    %dma_start3A_146 = arith.constant 1 : i32
    %dma_start3A_147 = arith.constant 0 : i32
    %dma_start3A_148 = arith.constant 0 : i32
    %dma_start3A_149 = tpu.memref_slice %arg8[%dma_start3A_144, %dma_start3A_147, %dma_start3A_148] : memref<2x128x64xf32, #tpu.memory_space<vmem>> -> memref<1x128x64xf32, #tpu.memory_space<vmem>>
    %dma_start3A_150 = tpu.memref_squeeze %dma_start3A_149 : memref<1x128x64xf32, #tpu.memory_space<vmem>> -> memref<128x64xf32, #tpu.memory_space<vmem>>
    %dma_start3A_151 = arith.constant 0 : i32
    %dma_start3A_152 = tpu.memref_slice %arg7[%dma_start3A_145, %dma_start3A_151] : memref<80x128xi32, #tpu.memory_space<vmem>> -> memref<1x128xi32, #tpu.memory_space<vmem>>
    %dma_start3A_153 = tpu.memref_squeeze %dma_start3A_152 : memref<1x128xi32, #tpu.memory_space<vmem>> -> memref<128xi32, #tpu.memory_space<vmem>>
    %dma_start3A_154 = arith.constant 0 : i32
    %dma_start3A_155 = arith.constant 0 : i32
    %dma_start3A_156 = tpu.memref_slice %arg10[%dma_start3A_154, %dma_start3A_155] : memref<10240x64xf32, #tpu.memory_space<vmem_shared>> -> memref<10240x64xf32, #tpu.memory_space<vmem_shared>>
    %dma_start3A_157 = tpu.memref_slice %arg12[%dma_start3A_146] : memref<2x!tpu.dma_semaphore, #tpu.memory_space<semaphore_mem>> -> memref<1x!tpu.dma_semaphore, #tpu.memory_space<semaphore_mem>>
    %dma_start3A_158 = tpu.memref_squeeze %dma_start3A_157 : memref<1x!tpu.dma_semaphore, #tpu.memory_space<semaphore_mem>> -> memref<!tpu.dma_semaphore, #tpu.memory_space<semaphore_mem>>
    tpu.enqueue_indirect_dma source(%dma_start3A_150 : memref<128x64xf32, #tpu.memory_space<vmem>>) target(%dma_start3A_156 : memref<10240x64xf32, #tpu.memory_space<vmem_shared>>) offsets(%dma_start3A_153 : memref<128xi32, #tpu.memory_space<vmem>>) semaphore(%dma_start3A_158 : memref<!tpu.dma_semaphore, #tpu.memory_space<semaphore_mem>>) {add = true}
    %dma_wait3A_159 = arith.constant 0 : i32
    %dma_wait3A_160 = arith.constant 78 : i32
    %dma_wait3A_161 = arith.constant 0 : i32
    %dma_wait3A_162 = arith.constant 0 : i32
    %dma_wait3A_163 = arith.constant 0 : i32
    %dma_wait3A_164 = tpu.memref_slice %arg8[%dma_wait3A_159, %dma_wait3A_162, %dma_wait3A_163] : memref<2x128x64xf32, #tpu.memory_space<vmem>> -> memref<1x128x64xf32, #tpu.memory_space<vmem>>
    %dma_wait3A_165 = tpu.memref_squeeze %dma_wait3A_164 : memref<1x128x64xf32, #tpu.memory_space<vmem>> -> memref<128x64xf32, #tpu.memory_space<vmem>>
    %dma_wait3A_166 = arith.constant 0 : i32
    %dma_wait3A_167 = tpu.memref_slice %arg7[%dma_wait3A_160, %dma_wait3A_166] : memref<80x128xi32, #tpu.memory_space<vmem>> -> memref<1x128xi32, #tpu.memory_space<vmem>>
    %dma_wait3A_168 = tpu.memref_squeeze %dma_wait3A_167 : memref<1x128xi32, #tpu.memory_space<vmem>> -> memref<128xi32, #tpu.memory_space<vmem>>
    %dma_wait3A_169 = arith.constant 0 : i32
    %dma_wait3A_170 = arith.constant 0 : i32
    %dma_wait3A_171 = tpu.memref_slice %arg10[%dma_wait3A_169, %dma_wait3A_170] : memref<10240x64xf32, #tpu.memory_space<vmem_shared>> -> memref<10240x64xf32, #tpu.memory_space<vmem_shared>>
    %dma_wait3A_172 = tpu.memref_slice %arg12[%dma_wait3A_161] : memref<2x!tpu.dma_semaphore, #tpu.memory_space<semaphore_mem>> -> memref<1x!tpu.dma_semaphore, #tpu.memory_space<semaphore_mem>>
    %dma_wait3A_173 = tpu.memref_squeeze %dma_wait3A_172 : memref<1x!tpu.dma_semaphore, #tpu.memory_space<semaphore_mem>> -> memref<!tpu.dma_semaphore, #tpu.memory_space<semaphore_mem>>
    tpu.wait_indirect_dma semaphore(%dma_wait3A_173 : memref<!tpu.dma_semaphore, #tpu.memory_space<semaphore_mem>>) src(%dma_wait3A_165 : memref<128x64xf32, #tpu.memory_space<vmem>>) dst(%dma_wait3A_171 : memref<10240x64xf32, #tpu.memory_space<vmem_shared>>)
    %dma_wait3A_174 = arith.constant 1 : i32
    %dma_wait3A_175 = arith.constant 79 : i32
    %dma_wait3A_176 = arith.constant 1 : i32
    %dma_wait3A_177 = arith.constant 0 : i32
    %dma_wait3A_178 = arith.constant 0 : i32
    %dma_wait3A_179 = tpu.memref_slice %arg8[%dma_wait3A_174, %dma_wait3A_177, %dma_wait3A_178] : memref<2x128x64xf32, #tpu.memory_space<vmem>> -> memref<1x128x64xf32, #tpu.memory_space<vmem>>
    %dma_wait3A_180 = tpu.memref_squeeze %dma_wait3A_179 : memref<1x128x64xf32, #tpu.memory_space<vmem>> -> memref<128x64xf32, #tpu.memory_space<vmem>>
    %dma_wait3A_181 = arith.constant 0 : i32
    %dma_wait3A_182 = tpu.memref_slice %arg7[%dma_wait3A_175, %dma_wait3A_181] : memref<80x128xi32, #tpu.memory_space<vmem>> -> memref<1x128xi32, #tpu.memory_space<vmem>>
    %dma_wait3A_183 = tpu.memref_squeeze %dma_wait3A_182 : memref<1x128xi32, #tpu.memory_space<vmem>> -> memref<128xi32, #tpu.memory_space<vmem>>
    %dma_wait3A_184 = arith.constant 0 : i32
    %dma_wait3A_185 = arith.constant 0 : i32
    %dma_wait3A_186 = tpu.memref_slice %arg10[%dma_wait3A_184, %dma_wait3A_185] : memref<10240x64xf32, #tpu.memory_space<vmem_shared>> -> memref<10240x64xf32, #tpu.memory_space<vmem_shared>>
    %dma_wait3A_187 = tpu.memref_slice %arg12[%dma_wait3A_176] : memref<2x!tpu.dma_semaphore, #tpu.memory_space<semaphore_mem>> -> memref<1x!tpu.dma_semaphore, #tpu.memory_space<semaphore_mem>>
    %dma_wait3A_188 = tpu.memref_squeeze %dma_wait3A_187 : memref<1x!tpu.dma_semaphore, #tpu.memory_space<semaphore_mem>> -> memref<!tpu.dma_semaphore, #tpu.memory_space<semaphore_mem>>
    tpu.wait_indirect_dma semaphore(%dma_wait3A_188 : memref<!tpu.dma_semaphore, #tpu.memory_space<semaphore_mem>>) src(%dma_wait3A_180 : memref<128x64xf32, #tpu.memory_space<vmem>>) dst(%dma_wait3A_186 : memref<10240x64xf32, #tpu.memory_space<vmem_shared>>)
    %mul3A_189 = arith.constant 160 : i32
    %mul3A_190 = arith.muli %arg1, %mul3A_189 : i32
    %add3A_191 = arith.constant 80 : i32
    %add3A_192 = arith.addi %mul3A_190, %add3A_191 : i32
    %dma_start3A_193 = arith.constant 0 : i32
    %dma_start3A_194 = arith.constant 0 : i32
    %dma_start3A_195 = tpu.memref_slice %arg3[%add3A_192, %dma_start3A_194] : memref<2560x128xi32, #tpu.memory_space<hbm>> -> memref<80x128xi32, #tpu.memory_space<hbm>>
    %dma_start3A_196 = tpu.memref_slice %arg11[%dma_start3A_193] : memref<2x!tpu.dma_semaphore, #tpu.memory_space<semaphore_mem>> -> memref<1x!tpu.dma_semaphore, #tpu.memory_space<semaphore_mem>>
    %dma_start3A_197 = tpu.memref_squeeze %dma_start3A_196 : memref<1x!tpu.dma_semaphore, #tpu.memory_space<semaphore_mem>> -> memref<!tpu.dma_semaphore, #tpu.memory_space<semaphore_mem>>
    %dma_start3A_198 = arith.constant 0 : i32
    %dma_start3A_199 = tpu.memref_slice %arg3[%add3A_192, %dma_start3A_198] : memref<2560x128xi32, #tpu.memory_space<hbm>> -> memref<80x128xi32, #tpu.memory_space<hbm>>
    tpu.enqueue_dma source(%dma_start3A_199 : memref<80x128xi32, #tpu.memory_space<hbm>>) target(%arg6 : memref<80x128xi32, #tpu.memory_space<vmem>>) target_semaphore(%dma_start3A_197 : memref<!tpu.dma_semaphore, #tpu.memory_space<semaphore_mem>>)
    %dma_start3A_200 = arith.constant 1 : i32
    %dma_start3A_201 = arith.constant 0 : i32
    %dma_start3A_202 = tpu.memref_slice %arg4[%add3A_192, %dma_start3A_201] : memref<2560x128xi32, #tpu.memory_space<hbm>> -> memref<80x128xi32, #tpu.memory_space<hbm>>
    %dma_start3A_203 = tpu.memref_slice %arg11[%dma_start3A_200] : memref<2x!tpu.dma_semaphore, #tpu.memory_space<semaphore_mem>> -> memref<1x!tpu.dma_semaphore, #tpu.memory_space<semaphore_mem>>
    %dma_start3A_204 = tpu.memref_squeeze %dma_start3A_203 : memref<1x!tpu.dma_semaphore, #tpu.memory_space<semaphore_mem>> -> memref<!tpu.dma_semaphore, #tpu.memory_space<semaphore_mem>>
    %dma_start3A_205 = arith.constant 0 : i32
    %dma_start3A_206 = tpu.memref_slice %arg4[%add3A_192, %dma_start3A_205] : memref<2560x128xi32, #tpu.memory_space<hbm>> -> memref<80x128xi32, #tpu.memory_space<hbm>>
    tpu.enqueue_dma source(%dma_start3A_206 : memref<80x128xi32, #tpu.memory_space<hbm>>) target(%arg7 : memref<80x128xi32, #tpu.memory_space<vmem>>) target_semaphore(%dma_start3A_204 : memref<!tpu.dma_semaphore, #tpu.memory_space<semaphore_mem>>)
    %dma_wait3A_207 = arith.constant 0 : i32
    %dma_wait3A_208 = arith.constant 0 : i32
    %dma_wait3A_209 = tpu.memref_slice %arg3[%add3A_192, %dma_wait3A_208] : memref<2560x128xi32, #tpu.memory_space<hbm>> -> memref<80x128xi32, #tpu.memory_space<hbm>>
    %dma_wait3A_210 = tpu.memref_slice %arg11[%dma_wait3A_207] : memref<2x!tpu.dma_semaphore, #tpu.memory_space<semaphore_mem>> -> memref<1x!tpu.dma_semaphore, #tpu.memory_space<semaphore_mem>>
    %dma_wait3A_211 = tpu.memref_squeeze %dma_wait3A_210 : memref<1x!tpu.dma_semaphore, #tpu.memory_space<semaphore_mem>> -> memref<!tpu.dma_semaphore, #tpu.memory_space<semaphore_mem>>
    %dma_wait3A_212 = arith.constant 0 : i32
    %dma_wait3A_213 = tpu.memref_slice %arg3[%add3A_192, %dma_wait3A_212] : memref<2560x128xi32, #tpu.memory_space<hbm>> -> memref<80x128xi32, #tpu.memory_space<hbm>>
    tpu.wait_dma2 semaphore(%dma_wait3A_211 : memref<!tpu.dma_semaphore, #tpu.memory_space<semaphore_mem>>) src(%dma_wait3A_213 : memref<80x128xi32, #tpu.memory_space<hbm>>) dst(%arg6 : memref<80x128xi32, #tpu.memory_space<vmem>>)
    %dma_wait3A_214 = arith.constant 1 : i32
    %dma_wait3A_215 = arith.constant 0 : i32
    %dma_wait3A_216 = tpu.memref_slice %arg4[%add3A_192, %dma_wait3A_215] : memref<2560x128xi32, #tpu.memory_space<hbm>> -> memref<80x128xi32, #tpu.memory_space<hbm>>
    %dma_wait3A_217 = tpu.memref_slice %arg11[%dma_wait3A_214] : memref<2x!tpu.dma_semaphore, #tpu.memory_space<semaphore_mem>> -> memref<1x!tpu.dma_semaphore, #tpu.memory_space<semaphore_mem>>
    %dma_wait3A_218 = tpu.memref_squeeze %dma_wait3A_217 : memref<1x!tpu.dma_semaphore, #tpu.memory_space<semaphore_mem>> -> memref<!tpu.dma_semaphore, #tpu.memory_space<semaphore_mem>>
    %dma_wait3A_219 = arith.constant 0 : i32
    %dma_wait3A_220 = tpu.memref_slice %arg4[%add3A_192, %dma_wait3A_219] : memref<2560x128xi32, #tpu.memory_space<hbm>> -> memref<80x128xi32, #tpu.memory_space<hbm>>
    tpu.wait_dma2 semaphore(%dma_wait3A_218 : memref<!tpu.dma_semaphore, #tpu.memory_space<semaphore_mem>>) src(%dma_wait3A_220 : memref<80x128xi32, #tpu.memory_space<hbm>>) dst(%arg7 : memref<80x128xi32, #tpu.memory_space<vmem>>)
    %dma_start3A_221 = arith.constant 0 : i32
    %dma_start3A_222 = arith.constant 0 : i32
    %dma_start3A_223 = arith.constant 0 : i32
    %dma_start3A_224 = arith.constant 0 : i32
    %dma_start3A_225 = arith.constant 0 : i32
    %dma_start3A_226 = tpu.memref_slice %arg8[%dma_start3A_222, %dma_start3A_224, %dma_start3A_225] : memref<2x128x64xf32, #tpu.memory_space<vmem>> -> memref<1x128x64xf32, #tpu.memory_space<vmem>>
    %dma_start3A_227 = tpu.memref_squeeze %dma_start3A_226 : memref<1x128x64xf32, #tpu.memory_space<vmem>> -> memref<128x64xf32, #tpu.memory_space<vmem>>
    %dma_start3A_228 = arith.constant 0 : i32
    %dma_start3A_229 = tpu.memref_slice %arg6[%dma_start3A_221, %dma_start3A_228] : memref<80x128xi32, #tpu.memory_space<vmem>> -> memref<1x128xi32, #tpu.memory_space<vmem>>
    %dma_start3A_230 = tpu.memref_squeeze %dma_start3A_229 : memref<1x128xi32, #tpu.memory_space<vmem>> -> memref<128xi32, #tpu.memory_space<vmem>>
    %dma_start3A_231 = arith.constant 0 : i32
    %dma_start3A_232 = arith.constant 0 : i32
    %dma_start3A_233 = tpu.memref_slice %arg9[%dma_start3A_231, %dma_start3A_232] : memref<10240x64xf32, #tpu.memory_space<vmem_shared>> -> memref<10240x64xf32, #tpu.memory_space<vmem_shared>>
    %dma_start3A_234 = tpu.memref_slice %arg11[%dma_start3A_223] : memref<2x!tpu.dma_semaphore, #tpu.memory_space<semaphore_mem>> -> memref<1x!tpu.dma_semaphore, #tpu.memory_space<semaphore_mem>>
    %dma_start3A_235 = tpu.memref_squeeze %dma_start3A_234 : memref<1x!tpu.dma_semaphore, #tpu.memory_space<semaphore_mem>> -> memref<!tpu.dma_semaphore, #tpu.memory_space<semaphore_mem>>
    tpu.enqueue_indirect_dma source(%dma_start3A_233 : memref<10240x64xf32, #tpu.memory_space<vmem_shared>>) target(%dma_start3A_227 : memref<128x64xf32, #tpu.memory_space<vmem>>) offsets(%dma_start3A_230 : memref<128xi32, #tpu.memory_space<vmem>>) semaphore(%dma_start3A_235 : memref<!tpu.dma_semaphore, #tpu.memory_space<semaphore_mem>>)
    %dma_start3A_236 = arith.constant 1 : i32
    %dma_start3A_237 = arith.constant 1 : i32
    %dma_start3A_238 = arith.constant 1 : i32
    %dma_start3A_239 = arith.constant 0 : i32
    %dma_start3A_240 = arith.constant 0 : i32
    %dma_start3A_241 = tpu.memref_slice %arg8[%dma_start3A_237, %dma_start3A_239, %dma_start3A_240] : memref<2x128x64xf32, #tpu.memory_space<vmem>> -> memref<1x128x64xf32, #tpu.memory_space<vmem>>
    %dma_start3A_242 = tpu.memref_squeeze %dma_start3A_241 : memref<1x128x64xf32, #tpu.memory_space<vmem>> -> memref<128x64xf32, #tpu.memory_space<vmem>>
    %dma_start3A_243 = arith.constant 0 : i32
    %dma_start3A_244 = tpu.memref_slice %arg6[%dma_start3A_236, %dma_start3A_243] : memref<80x128xi32, #tpu.memory_space<vmem>> -> memref<1x128xi32, #tpu.memory_space<vmem>>
    %dma_start3A_245 = tpu.memref_squeeze %dma_start3A_244 : memref<1x128xi32, #tpu.memory_space<vmem>> -> memref<128xi32, #tpu.memory_space<vmem>>
    %dma_start3A_246 = arith.constant 0 : i32
    %dma_start3A_247 = arith.constant 0 : i32
    %dma_start3A_248 = tpu.memref_slice %arg9[%dma_start3A_246, %dma_start3A_247] : memref<10240x64xf32, #tpu.memory_space<vmem_shared>> -> memref<10240x64xf32, #tpu.memory_space<vmem_shared>>
    %dma_start3A_249 = tpu.memref_slice %arg11[%dma_start3A_238] : memref<2x!tpu.dma_semaphore, #tpu.memory_space<semaphore_mem>> -> memref<1x!tpu.dma_semaphore, #tpu.memory_space<semaphore_mem>>
    %dma_start3A_250 = tpu.memref_squeeze %dma_start3A_249 : memref<1x!tpu.dma_semaphore, #tpu.memory_space<semaphore_mem>> -> memref<!tpu.dma_semaphore, #tpu.memory_space<semaphore_mem>>
    tpu.enqueue_indirect_dma source(%dma_start3A_248 : memref<10240x64xf32, #tpu.memory_space<vmem_shared>>) target(%dma_start3A_242 : memref<128x64xf32, #tpu.memory_space<vmem>>) offsets(%dma_start3A_245 : memref<128xi32, #tpu.memory_space<vmem>>) semaphore(%dma_start3A_250 : memref<!tpu.dma_semaphore, #tpu.memory_space<semaphore_mem>>)
    %scan3A_251 = arith.constant 0 : i32
    %scan3A_252 = arith.constant 0 : i32
    %scan3A_253 = arith.constant 39 : i32
    %scan3A_254 = arith.addi %scan3A_252, %scan3A_253 : i32
    %scan3A_255 = arith.constant 1 : i32
    scf.for %scan3A_350 = %scan3A_252 to %scan3A_254 step %scan3A_255  : i32 {
      %mul3A_351 = arith.constant 2 : i32
      %mul3A_352 = arith.muli %scan3A_350, %mul3A_351 : i32
      %add3A_353 = arith.constant 0 : i32
      %add3A_354 = arith.addi %mul3A_352, %add3A_353 : i32
      %dma_wait3A_355 = arith.constant 0 : i32
      %dma_wait3A_356 = arith.constant 0 : i32
      %dma_wait3A_357 = arith.constant 0 : i32
      %dma_wait3A_358 = arith.constant 0 : i32
      %dma_wait3A_359 = tpu.memref_slice %arg8[%dma_wait3A_355, %dma_wait3A_357, %dma_wait3A_358] : memref<2x128x64xf32, #tpu.memory_space<vmem>> -> memref<1x128x64xf32, #tpu.memory_space<vmem>>
      %dma_wait3A_360 = tpu.memref_squeeze %dma_wait3A_359 : memref<1x128x64xf32, #tpu.memory_space<vmem>> -> memref<128x64xf32, #tpu.memory_space<vmem>>
      %dma_wait3A_361 = arith.constant 0 : i32
      %dma_wait3A_362 = tpu.memref_slice %arg6[%add3A_354, %dma_wait3A_361] : memref<80x128xi32, #tpu.memory_space<vmem>> -> memref<1x128xi32, #tpu.memory_space<vmem>>
      %dma_wait3A_363 = tpu.memref_squeeze %dma_wait3A_362 : memref<1x128xi32, #tpu.memory_space<vmem>> -> memref<128xi32, #tpu.memory_space<vmem>>
      %dma_wait3A_364 = arith.constant 0 : i32
      %dma_wait3A_365 = arith.constant 0 : i32
      %dma_wait3A_366 = tpu.memref_slice %arg9[%dma_wait3A_364, %dma_wait3A_365] : memref<10240x64xf32, #tpu.memory_space<vmem_shared>> -> memref<10240x64xf32, #tpu.memory_space<vmem_shared>>
      %dma_wait3A_367 = tpu.memref_slice %arg11[%dma_wait3A_356] : memref<2x!tpu.dma_semaphore, #tpu.memory_space<semaphore_mem>> -> memref<1x!tpu.dma_semaphore, #tpu.memory_space<semaphore_mem>>
      %dma_wait3A_368 = tpu.memref_squeeze %dma_wait3A_367 : memref<1x!tpu.dma_semaphore, #tpu.memory_space<semaphore_mem>> -> memref<!tpu.dma_semaphore, #tpu.memory_space<semaphore_mem>>
      tpu.wait_indirect_dma semaphore(%dma_wait3A_368 : memref<!tpu.dma_semaphore, #tpu.memory_space<semaphore_mem>>) src(%dma_wait3A_366 : memref<10240x64xf32, #tpu.memory_space<vmem_shared>>) dst(%dma_wait3A_360 : memref<128x64xf32, #tpu.memory_space<vmem>>)
      %add3A_369 = arith.constant 0 : i32
      %add3A_370 = arith.addi %mul3A_352, %add3A_369 : i32
      %dma_start3A_371 = arith.constant 0 : i32
      %dma_start3A_372 = arith.constant 0 : i32
      %dma_start3A_373 = arith.constant 0 : i32
      %dma_start3A_374 = arith.constant 0 : i32
      %dma_start3A_375 = tpu.memref_slice %arg8[%dma_start3A_371, %dma_start3A_373, %dma_start3A_374] : memref<2x128x64xf32, #tpu.memory_space<vmem>> -> memref<1x128x64xf32, #tpu.memory_space<vmem>>
      %dma_start3A_376 = tpu.memref_squeeze %dma_start3A_375 : memref<1x128x64xf32, #tpu.memory_space<vmem>> -> memref<128x64xf32, #tpu.memory_space<vmem>>
      %dma_start3A_377 = arith.constant 0 : i32
      %dma_start3A_378 = tpu.memref_slice %arg7[%add3A_370, %dma_start3A_377] : memref<80x128xi32, #tpu.memory_space<vmem>> -> memref<1x128xi32, #tpu.memory_space<vmem>>
      %dma_start3A_379 = tpu.memref_squeeze %dma_start3A_378 : memref<1x128xi32, #tpu.memory_space<vmem>> -> memref<128xi32, #tpu.memory_space<vmem>>
      %dma_start3A_380 = arith.constant 0 : i32
      %dma_start3A_381 = arith.constant 0 : i32
      %dma_start3A_382 = tpu.memref_slice %arg10[%dma_start3A_380, %dma_start3A_381] : memref<10240x64xf32, #tpu.memory_space<vmem_shared>> -> memref<10240x64xf32, #tpu.memory_space<vmem_shared>>
      %dma_start3A_383 = tpu.memref_slice %arg12[%dma_start3A_372] : memref<2x!tpu.dma_semaphore, #tpu.memory_space<semaphore_mem>> -> memref<1x!tpu.dma_semaphore, #tpu.memory_space<semaphore_mem>>
      %dma_start3A_384 = tpu.memref_squeeze %dma_start3A_383 : memref<1x!tpu.dma_semaphore, #tpu.memory_space<semaphore_mem>> -> memref<!tpu.dma_semaphore, #tpu.memory_space<semaphore_mem>>
      tpu.enqueue_indirect_dma source(%dma_start3A_376 : memref<128x64xf32, #tpu.memory_space<vmem>>) target(%dma_start3A_382 : memref<10240x64xf32, #tpu.memory_space<vmem_shared>>) offsets(%dma_start3A_379 : memref<128xi32, #tpu.memory_space<vmem>>) semaphore(%dma_start3A_384 : memref<!tpu.dma_semaphore, #tpu.memory_space<semaphore_mem>>) {add = true}
      %add3A_385 = arith.constant 1 : i32
      %add3A_386 = arith.addi %mul3A_352, %add3A_385 : i32
      %dma_wait3A_387 = arith.constant 1 : i32
      %dma_wait3A_388 = arith.constant 1 : i32
      %dma_wait3A_389 = arith.constant 0 : i32
      %dma_wait3A_390 = arith.constant 0 : i32
      %dma_wait3A_391 = tpu.memref_slice %arg8[%dma_wait3A_387, %dma_wait3A_389, %dma_wait3A_390] : memref<2x128x64xf32, #tpu.memory_space<vmem>> -> memref<1x128x64xf32, #tpu.memory_space<vmem>>
      %dma_wait3A_392 = tpu.memref_squeeze %dma_wait3A_391 : memref<1x128x64xf32, #tpu.memory_space<vmem>> -> memref<128x64xf32, #tpu.memory_space<vmem>>
      %dma_wait3A_393 = arith.constant 0 : i32
      %dma_wait3A_394 = tpu.memref_slice %arg6[%add3A_386, %dma_wait3A_393] : memref<80x128xi32, #tpu.memory_space<vmem>> -> memref<1x128xi32, #tpu.memory_space<vmem>>
      %dma_wait3A_395 = tpu.memref_squeeze %dma_wait3A_394 : memref<1x128xi32, #tpu.memory_space<vmem>> -> memref<128xi32, #tpu.memory_space<vmem>>
      %dma_wait3A_396 = arith.constant 0 : i32
      %dma_wait3A_397 = arith.constant 0 : i32
      %dma_wait3A_398 = tpu.memref_slice %arg9[%dma_wait3A_396, %dma_wait3A_397] : memref<10240x64xf32, #tpu.memory_space<vmem_shared>> -> memref<10240x64xf32, #tpu.memory_space<vmem_shared>>
      %dma_wait3A_399 = tpu.memref_slice %arg11[%dma_wait3A_388] : memref<2x!tpu.dma_semaphore, #tpu.memory_space<semaphore_mem>> -> memref<1x!tpu.dma_semaphore, #tpu.memory_space<semaphore_mem>>
      %dma_wait3A_400 = tpu.memref_squeeze %dma_wait3A_399 : memref<1x!tpu.dma_semaphore, #tpu.memory_space<semaphore_mem>> -> memref<!tpu.dma_semaphore, #tpu.memory_space<semaphore_mem>>
      tpu.wait_indirect_dma semaphore(%dma_wait3A_400 : memref<!tpu.dma_semaphore, #tpu.memory_space<semaphore_mem>>) src(%dma_wait3A_398 : memref<10240x64xf32, #tpu.memory_space<vmem_shared>>) dst(%dma_wait3A_392 : memref<128x64xf32, #tpu.memory_space<vmem>>)
      %add3A_401 = arith.constant 1 : i32
      %add3A_402 = arith.addi %mul3A_352, %add3A_401 : i32
      %dma_start3A_403 = arith.constant 1 : i32
      %dma_start3A_404 = arith.constant 1 : i32
      %dma_start3A_405 = arith.constant 0 : i32
      %dma_start3A_406 = arith.constant 0 : i32
      %dma_start3A_407 = tpu.memref_slice %arg8[%dma_start3A_403, %dma_start3A_405, %dma_start3A_406] : memref<2x128x64xf32, #tpu.memory_space<vmem>> -> memref<1x128x64xf32, #tpu.memory_space<vmem>>
      %dma_start3A_408 = tpu.memref_squeeze %dma_start3A_407 : memref<1x128x64xf32, #tpu.memory_space<vmem>> -> memref<128x64xf32, #tpu.memory_space<vmem>>
      %dma_start3A_409 = arith.constant 0 : i32
      %dma_start3A_410 = tpu.memref_slice %arg7[%add3A_402, %dma_start3A_409] : memref<80x128xi32, #tpu.memory_space<vmem>> -> memref<1x128xi32, #tpu.memory_space<vmem>>
      %dma_start3A_411 = tpu.memref_squeeze %dma_start3A_410 : memref<1x128xi32, #tpu.memory_space<vmem>> -> memref<128xi32, #tpu.memory_space<vmem>>
      %dma_start3A_412 = arith.constant 0 : i32
      %dma_start3A_413 = arith.constant 0 : i32
      %dma_start3A_414 = tpu.memref_slice %arg10[%dma_start3A_412, %dma_start3A_413] : memref<10240x64xf32, #tpu.memory_space<vmem_shared>> -> memref<10240x64xf32, #tpu.memory_space<vmem_shared>>
      %dma_start3A_415 = tpu.memref_slice %arg12[%dma_start3A_404] : memref<2x!tpu.dma_semaphore, #tpu.memory_space<semaphore_mem>> -> memref<1x!tpu.dma_semaphore, #tpu.memory_space<semaphore_mem>>
      %dma_start3A_416 = tpu.memref_squeeze %dma_start3A_415 : memref<1x!tpu.dma_semaphore, #tpu.memory_space<semaphore_mem>> -> memref<!tpu.dma_semaphore, #tpu.memory_space<semaphore_mem>>
      tpu.enqueue_indirect_dma source(%dma_start3A_408 : memref<128x64xf32, #tpu.memory_space<vmem>>) target(%dma_start3A_414 : memref<10240x64xf32, #tpu.memory_space<vmem_shared>>) offsets(%dma_start3A_411 : memref<128xi32, #tpu.memory_space<vmem>>) semaphore(%dma_start3A_416 : memref<!tpu.dma_semaphore, #tpu.memory_space<semaphore_mem>>) {add = true}
      %add3A_417 = arith.constant 0 : i32
      %add3A_418 = arith.addi %mul3A_352, %add3A_417 : i32
      %dma_wait3A_419 = arith.constant 0 : i32
      %dma_wait3A_420 = arith.constant 0 : i32
      %dma_wait3A_421 = arith.constant 0 : i32
      %dma_wait3A_422 = arith.constant 0 : i32
      %dma_wait3A_423 = tpu.memref_slice %arg8[%dma_wait3A_419, %dma_wait3A_421, %dma_wait3A_422] : memref<2x128x64xf32, #tpu.memory_space<vmem>> -> memref<1x128x64xf32, #tpu.memory_space<vmem>>
      %dma_wait3A_424 = tpu.memref_squeeze %dma_wait3A_423 : memref<1x128x64xf32, #tpu.memory_space<vmem>> -> memref<128x64xf32, #tpu.memory_space<vmem>>
      %dma_wait3A_425 = arith.constant 0 : i32
      %dma_wait3A_426 = tpu.memref_slice %arg7[%add3A_418, %dma_wait3A_425] : memref<80x128xi32, #tpu.memory_space<vmem>> -> memref<1x128xi32, #tpu.memory_space<vmem>>
      %dma_wait3A_427 = tpu.memref_squeeze %dma_wait3A_426 : memref<1x128xi32, #tpu.memory_space<vmem>> -> memref<128xi32, #tpu.memory_space<vmem>>
      %dma_wait3A_428 = arith.constant 0 : i32
      %dma_wait3A_429 = arith.constant 0 : i32
      %dma_wait3A_430 = tpu.memref_slice %arg10[%dma_wait3A_428, %dma_wait3A_429] : memref<10240x64xf32, #tpu.memory_space<vmem_shared>> -> memref<10240x64xf32, #tpu.memory_space<vmem_shared>>
      %dma_wait3A_431 = tpu.memref_slice %arg12[%dma_wait3A_420] : memref<2x!tpu.dma_semaphore, #tpu.memory_space<semaphore_mem>> -> memref<1x!tpu.dma_semaphore, #tpu.memory_space<semaphore_mem>>
      %dma_wait3A_432 = tpu.memref_squeeze %dma_wait3A_431 : memref<1x!tpu.dma_semaphore, #tpu.memory_space<semaphore_mem>> -> memref<!tpu.dma_semaphore, #tpu.memory_space<semaphore_mem>>
      tpu.wait_indirect_dma semaphore(%dma_wait3A_432 : memref<!tpu.dma_semaphore, #tpu.memory_space<semaphore_mem>>) src(%dma_wait3A_424 : memref<128x64xf32, #tpu.memory_space<vmem>>) dst(%dma_wait3A_430 : memref<10240x64xf32, #tpu.memory_space<vmem_shared>>)
      %add3A_433 = arith.constant 2 : i32
      %add3A_434 = arith.addi %mul3A_352, %add3A_433 : i32
      %add3A_435 = arith.constant 0 : i32
      %add3A_436 = arith.addi %add3A_434, %add3A_435 : i32
      %dma_start3A_437 = arith.constant 0 : i32
      %dma_start3A_438 = arith.constant 0 : i32
      %dma_start3A_439 = arith.constant 0 : i32
      %dma_start3A_440 = arith.constant 0 : i32
      %dma_start3A_441 = tpu.memref_slice %arg8[%dma_start3A_437, %dma_start3A_439, %dma_start3A_440] : memref<2x128x64xf32, #tpu.memory_space<vmem>> -> memref<1x128x64xf32, #tpu.memory_space<vmem>>
      %dma_start3A_442 = tpu.memref_squeeze %dma_start3A_441 : memref<1x128x64xf32, #tpu.memory_space<vmem>> -> memref<128x64xf32, #tpu.memory_space<vmem>>
      %dma_start3A_443 = arith.constant 0 : i32
      %dma_start3A_444 = tpu.memref_slice %arg6[%add3A_436, %dma_start3A_443] : memref<80x128xi32, #tpu.memory_space<vmem>> -> memref<1x128xi32, #tpu.memory_space<vmem>>
      %dma_start3A_445 = tpu.memref_squeeze %dma_start3A_444 : memref<1x128xi32, #tpu.memory_space<vmem>> -> memref<128xi32, #tpu.memory_space<vmem>>
      %dma_start3A_446 = arith.constant 0 : i32
      %dma_start3A_447 = arith.constant 0 : i32
      %dma_start3A_448 = tpu.memref_slice %arg9[%dma_start3A_446, %dma_start3A_447] : memref<10240x64xf32, #tpu.memory_space<vmem_shared>> -> memref<10240x64xf32, #tpu.memory_space<vmem_shared>>
      %dma_start3A_449 = tpu.memref_slice %arg11[%dma_start3A_438] : memref<2x!tpu.dma_semaphore, #tpu.memory_space<semaphore_mem>> -> memref<1x!tpu.dma_semaphore, #tpu.memory_space<semaphore_mem>>
      %dma_start3A_450 = tpu.memref_squeeze %dma_start3A_449 : memref<1x!tpu.dma_semaphore, #tpu.memory_space<semaphore_mem>> -> memref<!tpu.dma_semaphore, #tpu.memory_space<semaphore_mem>>
      tpu.enqueue_indirect_dma source(%dma_start3A_448 : memref<10240x64xf32, #tpu.memory_space<vmem_shared>>) target(%dma_start3A_442 : memref<128x64xf32, #tpu.memory_space<vmem>>) offsets(%dma_start3A_445 : memref<128xi32, #tpu.memory_space<vmem>>) semaphore(%dma_start3A_450 : memref<!tpu.dma_semaphore, #tpu.memory_space<semaphore_mem>>)
      %add3A_451 = arith.constant 1 : i32
      %add3A_452 = arith.addi %mul3A_352, %add3A_451 : i32
      %dma_wait3A_453 = arith.constant 1 : i32
      %dma_wait3A_454 = arith.constant 1 : i32
      %dma_wait3A_455 = arith.constant 0 : i32
      %dma_wait3A_456 = arith.constant 0 : i32
      %dma_wait3A_457 = tpu.memref_slice %arg8[%dma_wait3A_453, %dma_wait3A_455, %dma_wait3A_456] : memref<2x128x64xf32, #tpu.memory_space<vmem>> -> memref<1x128x64xf32, #tpu.memory_space<vmem>>
      %dma_wait3A_458 = tpu.memref_squeeze %dma_wait3A_457 : memref<1x128x64xf32, #tpu.memory_space<vmem>> -> memref<128x64xf32, #tpu.memory_space<vmem>>
      %dma_wait3A_459 = arith.constant 0 : i32
      %dma_wait3A_460 = tpu.memref_slice %arg7[%add3A_452, %dma_wait3A_459] : memref<80x128xi32, #tpu.memory_space<vmem>> -> memref<1x128xi32, #tpu.memory_space<vmem>>
      %dma_wait3A_461 = tpu.memref_squeeze %dma_wait3A_460 : memref<1x128xi32, #tpu.memory_space<vmem>> -> memref<128xi32, #tpu.memory_space<vmem>>
      %dma_wait3A_462 = arith.constant 0 : i32
      %dma_wait3A_463 = arith.constant 0 : i32
      %dma_wait3A_464 = tpu.memref_slice %arg10[%dma_wait3A_462, %dma_wait3A_463] : memref<10240x64xf32, #tpu.memory_space<vmem_shared>> -> memref<10240x64xf32, #tpu.memory_space<vmem_shared>>
      %dma_wait3A_465 = tpu.memref_slice %arg12[%dma_wait3A_454] : memref<2x!tpu.dma_semaphore, #tpu.memory_space<semaphore_mem>> -> memref<1x!tpu.dma_semaphore, #tpu.memory_space<semaphore_mem>>
      %dma_wait3A_466 = tpu.memref_squeeze %dma_wait3A_465 : memref<1x!tpu.dma_semaphore, #tpu.memory_space<semaphore_mem>> -> memref<!tpu.dma_semaphore, #tpu.memory_space<semaphore_mem>>
      tpu.wait_indirect_dma semaphore(%dma_wait3A_466 : memref<!tpu.dma_semaphore, #tpu.memory_space<semaphore_mem>>) src(%dma_wait3A_458 : memref<128x64xf32, #tpu.memory_space<vmem>>) dst(%dma_wait3A_464 : memref<10240x64xf32, #tpu.memory_space<vmem_shared>>)
      %add3A_467 = arith.constant 2 : i32
      %add3A_468 = arith.addi %mul3A_352, %add3A_467 : i32
      %add3A_469 = arith.constant 1 : i32
      %add3A_470 = arith.addi %add3A_468, %add3A_469 : i32
      %dma_start3A_471 = arith.constant 1 : i32
      %dma_start3A_472 = arith.constant 1 : i32
      %dma_start3A_473 = arith.constant 0 : i32
      %dma_start3A_474 = arith.constant 0 : i32
      %dma_start3A_475 = tpu.memref_slice %arg8[%dma_start3A_471, %dma_start3A_473, %dma_start3A_474] : memref<2x128x64xf32, #tpu.memory_space<vmem>> -> memref<1x128x64xf32, #tpu.memory_space<vmem>>
      %dma_start3A_476 = tpu.memref_squeeze %dma_start3A_475 : memref<1x128x64xf32, #tpu.memory_space<vmem>> -> memref<128x64xf32, #tpu.memory_space<vmem>>
      %dma_start3A_477 = arith.constant 0 : i32
      %dma_start3A_478 = tpu.memref_slice %arg6[%add3A_470, %dma_start3A_477] : memref<80x128xi32, #tpu.memory_space<vmem>> -> memref<1x128xi32, #tpu.memory_space<vmem>>
      %dma_start3A_479 = tpu.memref_squeeze %dma_start3A_478 : memref<1x128xi32, #tpu.memory_space<vmem>> -> memref<128xi32, #tpu.memory_space<vmem>>
      %dma_start3A_480 = arith.constant 0 : i32
      %dma_start3A_481 = arith.constant 0 : i32
      %dma_start3A_482 = tpu.memref_slice %arg9[%dma_start3A_480, %dma_start3A_481] : memref<10240x64xf32, #tpu.memory_space<vmem_shared>> -> memref<10240x64xf32, #tpu.memory_space<vmem_shared>>
      %dma_start3A_483 = tpu.memref_slice %arg11[%dma_start3A_472] : memref<2x!tpu.dma_semaphore, #tpu.memory_space<semaphore_mem>> -> memref<1x!tpu.dma_semaphore, #tpu.memory_space<semaphore_mem>>
      %dma_start3A_484 = tpu.memref_squeeze %dma_start3A_483 : memref<1x!tpu.dma_semaphore, #tpu.memory_space<semaphore_mem>> -> memref<!tpu.dma_semaphore, #tpu.memory_space<semaphore_mem>>
      tpu.enqueue_indirect_dma source(%dma_start3A_482 : memref<10240x64xf32, #tpu.memory_space<vmem_shared>>) target(%dma_start3A_476 : memref<128x64xf32, #tpu.memory_space<vmem>>) offsets(%dma_start3A_479 : memref<128xi32, #tpu.memory_space<vmem>>) semaphore(%dma_start3A_484 : memref<!tpu.dma_semaphore, #tpu.memory_space<semaphore_mem>>)
    }
    %scan3A_256 = arith.constant 39 : i32
    %dma_wait3A_257 = arith.constant 78 : i32
    %dma_wait3A_258 = arith.constant 0 : i32
    %dma_wait3A_259 = arith.constant 0 : i32
    %dma_wait3A_260 = arith.constant 0 : i32
    %dma_wait3A_261 = arith.constant 0 : i32
    %dma_wait3A_262 = tpu.memref_slice %arg8[%dma_wait3A_258, %dma_wait3A_260, %dma_wait3A_261] : memref<2x128x64xf32, #tpu.memory_space<vmem>> -> memref<1x128x64xf32, #tpu.memory_space<vmem>>
    %dma_wait3A_263 = tpu.memref_squeeze %dma_wait3A_262 : memref<1x128x64xf32, #tpu.memory_space<vmem>> -> memref<128x64xf32, #tpu.memory_space<vmem>>
    %dma_wait3A_264 = arith.constant 0 : i32
    %dma_wait3A_265 = tpu.memref_slice %arg6[%dma_wait3A_257, %dma_wait3A_264] : memref<80x128xi32, #tpu.memory_space<vmem>> -> memref<1x128xi32, #tpu.memory_space<vmem>>
    %dma_wait3A_266 = tpu.memref_squeeze %dma_wait3A_265 : memref<1x128xi32, #tpu.memory_space<vmem>> -> memref<128xi32, #tpu.memory_space<vmem>>
    %dma_wait3A_267 = arith.constant 0 : i32
    %dma_wait3A_268 = arith.constant 0 : i32
    %dma_wait3A_269 = tpu.memref_slice %arg9[%dma_wait3A_267, %dma_wait3A_268] : memref<10240x64xf32, #tpu.memory_space<vmem_shared>> -> memref<10240x64xf32, #tpu.memory_space<vmem_shared>>
    %dma_wait3A_270 = tpu.memref_slice %arg11[%dma_wait3A_259] : memref<2x!tpu.dma_semaphore, #tpu.memory_space<semaphore_mem>> -> memref<1x!tpu.dma_semaphore, #tpu.memory_space<semaphore_mem>>
    %dma_wait3A_271 = tpu.memref_squeeze %dma_wait3A_270 : memref<1x!tpu.dma_semaphore, #tpu.memory_space<semaphore_mem>> -> memref<!tpu.dma_semaphore, #tpu.memory_space<semaphore_mem>>
    tpu.wait_indirect_dma semaphore(%dma_wait3A_271 : memref<!tpu.dma_semaphore, #tpu.memory_space<semaphore_mem>>) src(%dma_wait3A_269 : memref<10240x64xf32, #tpu.memory_space<vmem_shared>>) dst(%dma_wait3A_263 : memref<128x64xf32, #tpu.memory_space<vmem>>)
    %dma_start3A_272 = arith.constant 0 : i32
    %dma_start3A_273 = arith.constant 78 : i32
    %dma_start3A_274 = arith.constant 0 : i32
    %dma_start3A_275 = arith.constant 0 : i32
    %dma_start3A_276 = arith.constant 0 : i32
    %dma_start3A_277 = tpu.memref_slice %arg8[%dma_start3A_272, %dma_start3A_275, %dma_start3A_276] : memref<2x128x64xf32, #tpu.memory_space<vmem>> -> memref<1x128x64xf32, #tpu.memory_space<vmem>>
    %dma_start3A_278 = tpu.memref_squeeze %dma_start3A_277 : memref<1x128x64xf32, #tpu.memory_space<vmem>> -> memref<128x64xf32, #tpu.memory_space<vmem>>
    %dma_start3A_279 = arith.constant 0 : i32
    %dma_start3A_280 = tpu.memref_slice %arg7[%dma_start3A_273, %dma_start3A_279] : memref<80x128xi32, #tpu.memory_space<vmem>> -> memref<1x128xi32, #tpu.memory_space<vmem>>
    %dma_start3A_281 = tpu.memref_squeeze %dma_start3A_280 : memref<1x128xi32, #tpu.memory_space<vmem>> -> memref<128xi32, #tpu.memory_space<vmem>>
    %dma_start3A_282 = arith.constant 0 : i32
    %dma_start3A_283 = arith.constant 0 : i32
    %dma_start3A_284 = tpu.memref_slice %arg10[%dma_start3A_282, %dma_start3A_283] : memref<10240x64xf32, #tpu.memory_space<vmem_shared>> -> memref<10240x64xf32, #tpu.memory_space<vmem_shared>>
    %dma_start3A_285 = tpu.memref_slice %arg12[%dma_start3A_274] : memref<2x!tpu.dma_semaphore, #tpu.memory_space<semaphore_mem>> -> memref<1x!tpu.dma_semaphore, #tpu.memory_space<semaphore_mem>>
    %dma_start3A_286 = tpu.memref_squeeze %dma_start3A_285 : memref<1x!tpu.dma_semaphore, #tpu.memory_space<semaphore_mem>> -> memref<!tpu.dma_semaphore, #tpu.memory_space<semaphore_mem>>
    tpu.enqueue_indirect_dma source(%dma_start3A_278 : memref<128x64xf32, #tpu.memory_space<vmem>>) target(%dma_start3A_284 : memref<10240x64xf32, #tpu.memory_space<vmem_shared>>) offsets(%dma_start3A_281 : memref<128xi32, #tpu.memory_space<vmem>>) semaphore(%dma_start3A_286 : memref<!tpu.dma_semaphore, #tpu.memory_space<semaphore_mem>>) {add = true}
    %dma_wait3A_287 = arith.constant 79 : i32
    %dma_wait3A_288 = arith.constant 1 : i32
    %dma_wait3A_289 = arith.constant 1 : i32
    %dma_wait3A_290 = arith.constant 0 : i32
    %dma_wait3A_291 = arith.constant 0 : i32
    %dma_wait3A_292 = tpu.memref_slice %arg8[%dma_wait3A_288, %dma_wait3A_290, %dma_wait3A_291] : memref<2x128x64xf32, #tpu.memory_space<vmem>> -> memref<1x128x64xf32, #tpu.memory_space<vmem>>
    %dma_wait3A_293 = tpu.memref_squeeze %dma_wait3A_292 : memref<1x128x64xf32, #tpu.memory_space<vmem>> -> memref<128x64xf32, #tpu.memory_space<vmem>>
    %dma_wait3A_294 = arith.constant 0 : i32
    %dma_wait3A_295 = tpu.memref_slice %arg6[%dma_wait3A_287, %dma_wait3A_294] : memref<80x128xi32, #tpu.memory_space<vmem>> -> memref<1x128xi32, #tpu.memory_space<vmem>>
    %dma_wait3A_296 = tpu.memref_squeeze %dma_wait3A_295 : memref<1x128xi32, #tpu.memory_space<vmem>> -> memref<128xi32, #tpu.memory_space<vmem>>
    %dma_wait3A_297 = arith.constant 0 : i32
    %dma_wait3A_298 = arith.constant 0 : i32
    %dma_wait3A_299 = tpu.memref_slice %arg9[%dma_wait3A_297, %dma_wait3A_298] : memref<10240x64xf32, #tpu.memory_space<vmem_shared>> -> memref<10240x64xf32, #tpu.memory_space<vmem_shared>>
    %dma_wait3A_300 = tpu.memref_slice %arg11[%dma_wait3A_289] : memref<2x!tpu.dma_semaphore, #tpu.memory_space<semaphore_mem>> -> memref<1x!tpu.dma_semaphore, #tpu.memory_space<semaphore_mem>>
    %dma_wait3A_301 = tpu.memref_squeeze %dma_wait3A_300 : memref<1x!tpu.dma_semaphore, #tpu.memory_space<semaphore_mem>> -> memref<!tpu.dma_semaphore, #tpu.memory_space<semaphore_mem>>
    tpu.wait_indirect_dma semaphore(%dma_wait3A_301 : memref<!tpu.dma_semaphore, #tpu.memory_space<semaphore_mem>>) src(%dma_wait3A_299 : memref<10240x64xf32, #tpu.memory_space<vmem_shared>>) dst(%dma_wait3A_293 : memref<128x64xf32, #tpu.memory_space<vmem>>)
    %dma_start3A_302 = arith.constant 1 : i32
    %dma_start3A_303 = arith.constant 79 : i32
    %dma_start3A_304 = arith.constant 1 : i32
    %dma_start3A_305 = arith.constant 0 : i32
    %dma_start3A_306 = arith.constant 0 : i32
    %dma_start3A_307 = tpu.memref_slice %arg8[%dma_start3A_302, %dma_start3A_305, %dma_start3A_306] : memref<2x128x64xf32, #tpu.memory_space<vmem>> -> memref<1x128x64xf32, #tpu.memory_space<vmem>>
    %dma_start3A_308 = tpu.memref_squeeze %dma_start3A_307 : memref<1x128x64xf32, #tpu.memory_space<vmem>> -> memref<128x64xf32, #tpu.memory_space<vmem>>
    %dma_start3A_309 = arith.constant 0 : i32
    %dma_start3A_310 = tpu.memref_slice %arg7[%dma_start3A_303, %dma_start3A_309] : memref<80x128xi32, #tpu.memory_space<vmem>> -> memref<1x128xi32, #tpu.memory_space<vmem>>
    %dma_start3A_311 = tpu.memref_squeeze %dma_start3A_310 : memref<1x128xi32, #tpu.memory_space<vmem>> -> memref<128xi32, #tpu.memory_space<vmem>>
    %dma_start3A_312 = arith.constant 0 : i32
    %dma_start3A_313 = arith.constant 0 : i32
    %dma_start3A_314 = tpu.memref_slice %arg10[%dma_start3A_312, %dma_start3A_313] : memref<10240x64xf32, #tpu.memory_space<vmem_shared>> -> memref<10240x64xf32, #tpu.memory_space<vmem_shared>>
    %dma_start3A_315 = tpu.memref_slice %arg12[%dma_start3A_304] : memref<2x!tpu.dma_semaphore, #tpu.memory_space<semaphore_mem>> -> memref<1x!tpu.dma_semaphore, #tpu.memory_space<semaphore_mem>>
    %dma_start3A_316 = tpu.memref_squeeze %dma_start3A_315 : memref<1x!tpu.dma_semaphore, #tpu.memory_space<semaphore_mem>> -> memref<!tpu.dma_semaphore, #tpu.memory_space<semaphore_mem>>
    tpu.enqueue_indirect_dma source(%dma_start3A_308 : memref<128x64xf32, #tpu.memory_space<vmem>>) target(%dma_start3A_314 : memref<10240x64xf32, #tpu.memory_space<vmem_shared>>) offsets(%dma_start3A_311 : memref<128xi32, #tpu.memory_space<vmem>>) semaphore(%dma_start3A_316 : memref<!tpu.dma_semaphore, #tpu.memory_space<semaphore_mem>>) {add = true}
    %dma_wait3A_317 = arith.constant 0 : i32
    %dma_wait3A_318 = arith.constant 78 : i32
    %dma_wait3A_319 = arith.constant 0 : i32
    %dma_wait3A_320 = arith.constant 0 : i32
    %dma_wait3A_321 = arith.constant 0 : i32
    %dma_wait3A_322 = tpu.memref_slice %arg8[%dma_wait3A_317, %dma_wait3A_320, %dma_wait3A_321] : memref<2x128x64xf32, #tpu.memory_space<vmem>> -> memref<1x128x64xf32, #tpu.memory_space<vmem>>
    %dma_wait3A_323 = tpu.memref_squeeze %dma_wait3A_322 : memref<1x128x64xf32, #tpu.memory_space<vmem>> -> memref<128x64xf32, #tpu.memory_space<vmem>>
    %dma_wait3A_324 = arith.constant 0 : i32
    %dma_wait3A_325 = tpu.memref_slice %arg7[%dma_wait3A_318, %dma_wait3A_324] : memref<80x128xi32, #tpu.memory_space<vmem>> -> memref<1x128xi32, #tpu.memory_space<vmem>>
    %dma_wait3A_326 = tpu.memref_squeeze %dma_wait3A_325 : memref<1x128xi32, #tpu.memory_space<vmem>> -> memref<128xi32, #tpu.memory_space<vmem>>
    %dma_wait3A_327 = arith.constant 0 : i32
    %dma_wait3A_328 = arith.constant 0 : i32
    %dma_wait3A_329 = tpu.memref_slice %arg10[%dma_wait3A_327, %dma_wait3A_328] : memref<10240x64xf32, #tpu.memory_space<vmem_shared>> -> memref<10240x64xf32, #tpu.memory_space<vmem_shared>>
    %dma_wait3A_330 = tpu.memref_slice %arg12[%dma_wait3A_319] : memref<2x!tpu.dma_semaphore, #tpu.memory_space<semaphore_mem>> -> memref<1x!tpu.dma_semaphore, #tpu.memory_space<semaphore_mem>>
    %dma_wait3A_331 = tpu.memref_squeeze %dma_wait3A_330 : memref<1x!tpu.dma_semaphore, #tpu.memory_space<semaphore_mem>> -> memref<!tpu.dma_semaphore, #tpu.memory_space<semaphore_mem>>
    tpu.wait_indirect_dma semaphore(%dma_wait3A_331 : memref<!tpu.dma_semaphore, #tpu.memory_space<semaphore_mem>>) src(%dma_wait3A_323 : memref<128x64xf32, #tpu.memory_space<vmem>>) dst(%dma_wait3A_329 : memref<10240x64xf32, #tpu.memory_space<vmem_shared>>)
    %dma_wait3A_332 = arith.constant 1 : i32
    %dma_wait3A_333 = arith.constant 79 : i32
    %dma_wait3A_334 = arith.constant 1 : i32
    %dma_wait3A_335 = arith.constant 0 : i32
    %dma_wait3A_336 = arith.constant 0 : i32
    %dma_wait3A_337 = tpu.memref_slice %arg8[%dma_wait3A_332, %dma_wait3A_335, %dma_wait3A_336] : memref<2x128x64xf32, #tpu.memory_space<vmem>> -> memref<1x128x64xf32, #tpu.memory_space<vmem>>
    %dma_wait3A_338 = tpu.memref_squeeze %dma_wait3A_337 : memref<1x128x64xf32, #tpu.memory_space<vmem>> -> memref<128x64xf32, #tpu.memory_space<vmem>>
    %dma_wait3A_339 = arith.constant 0 : i32
    %dma_wait3A_340 = tpu.memref_slice %arg7[%dma_wait3A_333, %dma_wait3A_339] : memref<80x128xi32, #tpu.memory_space<vmem>> -> memref<1x128xi32, #tpu.memory_space<vmem>>
    %dma_wait3A_341 = tpu.memref_squeeze %dma_wait3A_340 : memref<1x128xi32, #tpu.memory_space<vmem>> -> memref<128xi32, #tpu.memory_space<vmem>>
    %dma_wait3A_342 = arith.constant 0 : i32
    %dma_wait3A_343 = arith.constant 0 : i32
    %dma_wait3A_344 = tpu.memref_slice %arg10[%dma_wait3A_342, %dma_wait3A_343] : memref<10240x64xf32, #tpu.memory_space<vmem_shared>> -> memref<10240x64xf32, #tpu.memory_space<vmem_shared>>
    %dma_wait3A_345 = tpu.memref_slice %arg12[%dma_wait3A_334] : memref<2x!tpu.dma_semaphore, #tpu.memory_space<semaphore_mem>> -> memref<1x!tpu.dma_semaphore, #tpu.memory_space<semaphore_mem>>
    %dma_wait3A_346 = tpu.memref_squeeze %dma_wait3A_345 : memref<1x!tpu.dma_semaphore, #tpu.memory_space<semaphore_mem>> -> memref<!tpu.dma_semaphore, #tpu.memory_space<semaphore_mem>>
    tpu.wait_indirect_dma semaphore(%dma_wait3A_346 : memref<!tpu.dma_semaphore, #tpu.memory_space<semaphore_mem>>) src(%dma_wait3A_338 : memref<128x64xf32, #tpu.memory_space<vmem>>) dst(%dma_wait3A_344 : memref<10240x64xf32, #tpu.memory_space<vmem_shared>>)
    %barrier3A_347 = arith.constant 0 : index
    tpu.barrier barrier_id(%barrier3A_347)
    %mul3A_348 = arith.constant 640 : i32
    %mul3A_349 = arith.muli %arg1, %mul3A_348 : i32
    "tpu.region"() ({
      %run_scoped3A = tpu.sem_alloc : memref<!tpu.dma_semaphore, #tpu.memory_space<semaphore_mem>>
      %dma_start3A_350 = arith.constant 0 : i32
      %dma_start3A_351 = tpu.memref_slice %arg5[%arg0, %mul3A_349, %dma_start3A_350] : memref<2x10240x64xf32, #tpu.memory_space<hbm>> -> memref<1x640x64xf32, #tpu.memory_space<hbm>>
      %dma_start3A_352 = tpu.memref_squeeze %dma_start3A_351 : memref<1x640x64xf32, #tpu.memory_space<hbm>> -> memref<640x64xf32, #tpu.memory_space<hbm>>
      %dma_start3A_353 = arith.constant 0 : i32
      %dma_start3A_354 = tpu.memref_slice %arg10[%mul3A_349, %dma_start3A_353] : memref<10240x64xf32, #tpu.memory_space<vmem_shared>> -> memref<640x64xf32, #tpu.memory_space<vmem_shared>>
      tpu.enqueue_dma source(%dma_start3A_354 : memref<640x64xf32, #tpu.memory_space<vmem_shared>>) target(%dma_start3A_352 : memref<640x64xf32, #tpu.memory_space<hbm>>) target_semaphore(%run_scoped3A : memref<!tpu.dma_semaphore, #tpu.memory_space<semaphore_mem>>)
      %dma_wait3A_355 = arith.constant 0 : i32
      %dma_wait3A_356 = tpu.memref_slice %arg5[%arg0, %mul3A_349, %dma_wait3A_355] : memref<2x10240x64xf32, #tpu.memory_space<hbm>> -> memref<1x640x64xf32, #tpu.memory_space<hbm>>
      %dma_wait3A_357 = tpu.memref_squeeze %dma_wait3A_356 : memref<1x640x64xf32, #tpu.memory_space<hbm>> -> memref<640x64xf32, #tpu.memory_space<hbm>>
      %dma_wait3A_358 = arith.constant 0 : i32
      %dma_wait3A_359 = tpu.memref_slice %arg10[%mul3A_349, %dma_wait3A_358] : memref<10240x64xf32, #tpu.memory_space<vmem_shared>> -> memref<640x64xf32, #tpu.memory_space<vmem_shared>>
      tpu.wait_dma2 semaphore(%run_scoped3A : memref<!tpu.dma_semaphore, #tpu.memory_space<semaphore_mem>>) src(%dma_wait3A_359 : memref<640x64xf32, #tpu.memory_space<vmem_shared>>) dst(%dma_wait3A_357 : memref<640x64xf32, #tpu.memory_space<hbm>>)
      tpu.yield
    }) : () -> ()
    return
  }
}

module attributes {stable_mosaic.version = 14 : i64} {
  func.func @_dense1_body(%arg0: i32, %arg1: memref<1280x128xf32, #tpu.memory_space<vmem>>, %arg2: memref<128x128xf32, #tpu.memory_space<vmem>>, %arg3: memref<2x1280x8xf32, #tpu.memory_space<vmem>>, %arg4: memref<2x1280x64xf32, #tpu.memory_space<vmem>>) attributes {dimension_semantics = [#tpu.dimension_semantics<arbitrary>], iteration_bounds = array<i64: 8>, scalar_prefetch = 0 : i64, scratch_operands = 0 : i64, tpu.core_type = #tpu.core_type<tc>, window_params = [{transform_indices = @transform_0, window_bounds = array<i64: 1280, 128>}, {pipeline_mode = #tpu.pipeline_mode<synchronous>, transform_indices = @transform_1, window_bounds = array<i64: 128, 128>}, {transform_indices = @transform_2, window_bounds = array<i64: 2, 1280, 8>}, {transform_indices = @transform_3, window_bounds = array<i64: 2, 1280, 64>}]} {
    %get3A = arith.constant 0 : index
    %get3A_0 = arith.constant 0 : index
    %get3A_1 = vector.load %arg1[%get3A, %get3A_0] : memref<1280x128xf32, #tpu.memory_space<vmem>>, vector<1280x128xf32>
    %get3A_2 = arith.constant 0 : index
    %get3A_3 = arith.constant 0 : index
    %get3A_4 = vector.load %arg2[%get3A_2, %get3A_3] : memref<128x128xf32, #tpu.memory_space<vmem>>, vector<128x128xf32>
    %dot_general3A = arith.constant dense<0.000000e+00> : vector<1280x128xf32>
    %dot_general3A_5 = tpu.matmul %get3A_1, %get3A_4, %dot_general3A {dimension_numbers = #tpu.dot_dimension_numbers<[1], [0], [0], [1], [0, 0, 1, 1], [], []>, transpose_lhs_hint = false} : vector<1280x128xf32>, vector<128x128xf32>, vector<1280x128xf32> -> vector<1280x128xf32>
    %get3A_6 = arith.constant 0 : index
    %get3A_7 = arith.constant 0 : index
    %get3A_8 = arith.constant 0 : index
    %get3A_9 = vector.load %arg3[%get3A_6, %get3A_7, %get3A_8] : memref<2x1280x8xf32, #tpu.memory_space<vmem>>, vector<1x1280x1xf32>
    %get3A_10 = vector.shape_cast %get3A_9 : vector<1x1280x1xf32> to vector<1280x1xf32>
    %get3A_11 = arith.constant 1 : index
    %get3A_12 = arith.constant 0 : index
    %get3A_13 = arith.constant 0 : index
    %get3A_14 = vector.load %arg3[%get3A_11, %get3A_12, %get3A_13] : memref<2x1280x8xf32, #tpu.memory_space<vmem>>, vector<1x1280x1xf32>
    %get3A_15 = vector.shape_cast %get3A_14 : vector<1x1280x1xf32> to vector<1280x1xf32>
    %add3A = arith.addf %get3A_10, %get3A_15 : vector<1280x1xf32>
    %add3A_16 = arith.constant 1.000000e+00 : f32
    %add3A_17 = vector.broadcast %add3A_16 : f32 to vector<1280x1xf32>
    %add3A_18 = arith.addf %add3A, %add3A_17 : vector<1280x1xf32>
    %rsqrt3A = math.rsqrt %add3A_18 : vector<1280x1xf32>
    %mul3A = vector.broadcast %rsqrt3A : vector<1280x1xf32> to vector<1280x128xf32>
    %mul3A_19 = arith.mulf %dot_general3A_5, %mul3A : vector<1280x128xf32>
    %slice3A = vector.extract_strided_slice %mul3A_19 {offsets = [0, 0], sizes = [1280, 64], strides = [1, 1]} : vector<1280x128xf32> to vector<1280x64xf32>
    %swap3A = arith.constant 0 : index
    %swap3A_20 = arith.constant 0 : index
    %swap3A_21 = arith.constant 0 : index
    %swap3A_22 = vector.load %arg4[%swap3A, %swap3A_20, %swap3A_21] : memref<2x1280x64xf32, #tpu.memory_space<vmem>>, vector<1x1280x64xf32>
    %swap3A_23 = vector.shape_cast %swap3A_22 : vector<1x1280x64xf32> to vector<1280x64xf32>
    %swap3A_24 = vector.shape_cast %slice3A : vector<1280x64xf32> to vector<1x1280x64xf32>
    tpu.vector_store %arg4[%swap3A, %swap3A_20, %swap3A_21], %swap3A_24 {strides = array<i32>} : memref<2x1280x64xf32, #tpu.memory_space<vmem>>, vector<1x1280x64xf32>,
    %slice3A_25 = vector.extract_strided_slice %mul3A_19 {offsets = [0, 64], sizes = [1280, 64], strides = [1, 1]} : vector<1280x128xf32> to vector<1280x64xf32>
    %swap3A_26 = arith.constant 1 : index
    %swap3A_27 = arith.constant 0 : index
    %swap3A_28 = arith.constant 0 : index
    %swap3A_29 = vector.load %arg4[%swap3A_26, %swap3A_27, %swap3A_28] : memref<2x1280x64xf32, #tpu.memory_space<vmem>>, vector<1x1280x64xf32>
    %swap3A_30 = vector.shape_cast %swap3A_29 : vector<1x1280x64xf32> to vector<1280x64xf32>
    %swap3A_31 = vector.shape_cast %slice3A_25 : vector<1280x64xf32> to vector<1x1280x64xf32>
    tpu.vector_store %arg4[%swap3A_26, %swap3A_27, %swap3A_28], %swap3A_31 {strides = array<i32>} : memref<2x1280x64xf32, #tpu.memory_space<vmem>>, vector<1x1280x64xf32>,
    return
  }
  func.func @transform_0(%arg0: i32) -> (i32, i32) {
    %c0_i32 = arith.constant 0 : i32
    %c0_i32_0 = arith.constant 0 : i32
    return %arg0, %c0_i32 : i32, i32
  }
  func.func @transform_1(%arg0: i32) -> (i32, i32) {
    %c0_i32 = arith.constant 0 : i32
    %c0_i32_0 = arith.constant 0 : i32
    %c0_i32_1 = arith.constant 0 : i32
    return %c0_i32, %c0_i32_0 : i32, i32
  }
  func.func @transform_2(%arg0: i32) -> (i32, i32, i32) {
    %c0_i32 = arith.constant 0 : i32
    %c0_i32_0 = arith.constant 0 : i32
    %c0_i32_1 = arith.constant 0 : i32
    return %c0_i32, %arg0, %c0_i32_0 : i32, i32, i32
  }
  func.func @transform_3(%arg0: i32) -> (i32, i32, i32) {
    %c0_i32 = arith.constant 0 : i32
    %c0_i32_0 = arith.constant 0 : i32
    %c0_i32_1 = arith.constant 0 : i32
    return %c0_i32, %arg0, %c0_i32_0 : i32, i32, i32
  }
}

module attributes {stable_mosaic.version = 14 : i64} {
  func.func @_dense2_body(%arg0: i32, %arg1: memref<2x1280x64xf32, #tpu.memory_space<vmem>>, %arg2: memref<2x1280x8xf32, #tpu.memory_space<vmem>>, %arg3: memref<128x128xf32, #tpu.memory_space<vmem>>, %arg4: memref<1x128xf32, #tpu.memory_space<vmem>>, %arg5: memref<2x1280x64xf32, #tpu.memory_space<vmem>>) attributes {dimension_semantics = [#tpu.dimension_semantics<arbitrary>], iteration_bounds = array<i64: 8>, scalar_prefetch = 0 : i64, scratch_operands = 0 : i64, tpu.core_type = #tpu.core_type<tc>, window_params = [{transform_indices = @transform_0, window_bounds = array<i64: 2, 1280, 64>}, {transform_indices = @transform_1, window_bounds = array<i64: 2, 1280, 8>}, {pipeline_mode = #tpu.pipeline_mode<synchronous>, transform_indices = @transform_2, window_bounds = array<i64: 128, 128>}, {pipeline_mode = #tpu.pipeline_mode<synchronous>, transform_indices = @transform_3, window_bounds = array<i64: 1, 128>}, {transform_indices = @transform_4, window_bounds = array<i64: 2, 1280, 64>}]} {
    %get3A = arith.constant 0 : index
    %get3A_0 = arith.constant 0 : index
    %get3A_1 = arith.constant 0 : index
    %get3A_2 = vector.load %arg2[%get3A, %get3A_0, %get3A_1] : memref<2x1280x8xf32, #tpu.memory_space<vmem>>, vector<1x1280x1xf32>
    %get3A_3 = vector.shape_cast %get3A_2 : vector<1x1280x1xf32> to vector<1280x1xf32>
    %get3A_4 = arith.constant 1 : index
    %get3A_5 = arith.constant 0 : index
    %get3A_6 = arith.constant 0 : index
    %get3A_7 = vector.load %arg2[%get3A_4, %get3A_5, %get3A_6] : memref<2x1280x8xf32, #tpu.memory_space<vmem>>, vector<1x1280x1xf32>
    %get3A_8 = vector.shape_cast %get3A_7 : vector<1x1280x1xf32> to vector<1280x1xf32>
    %add3A = arith.addf %get3A_3, %get3A_8 : vector<1280x1xf32>
    %add3A_9 = arith.constant 1.000000e+00 : f32
    %add3A_10 = vector.broadcast %add3A_9 : f32 to vector<1280x1xf32>
    %add3A_11 = arith.addf %add3A, %add3A_10 : vector<1280x1xf32>
    %rsqrt3A = math.rsqrt %add3A_11 : vector<1280x1xf32>
    %get3A_12 = arith.constant 0 : index
    %get3A_13 = arith.constant 0 : index
    %get3A_14 = arith.constant 0 : index
    %get3A_15 = vector.load %arg1[%get3A_12, %get3A_13, %get3A_14] : memref<2x1280x64xf32, #tpu.memory_space<vmem>>, vector<1x1280x64xf32>
    %get3A_16 = vector.shape_cast %get3A_15 : vector<1x1280x64xf32> to vector<1280x64xf32>
    %mul3A = vector.broadcast %rsqrt3A : vector<1280x1xf32> to vector<1280x64xf32>
    %mul3A_17 = arith.mulf %get3A_16, %mul3A : vector<1280x64xf32>
    %get3A_18 = arith.constant 0 : index
    %get3A_19 = arith.constant 0 : index
    %get3A_20 = vector.load %arg4[%get3A_18, %get3A_19] : memref<1x128xf32, #tpu.memory_space<vmem>>, vector<1x64xf32>
    %add3A_21 = vector.broadcast %get3A_20 : vector<1x64xf32> to vector<1280x64xf32>
    %add3A_22 = arith.addf %mul3A_17, %add3A_21 : vector<1280x64xf32>
    %max3A = arith.constant 0.000000e+00 : f32
    %max3A_23 = vector.broadcast %max3A : f32 to vector<1280x64xf32>
    %max3A_24 = arith.maximumf %add3A_22, %max3A_23 : vector<1280x64xf32>
    %get3A_25 = arith.constant 1 : index
    %get3A_26 = arith.constant 0 : index
    %get3A_27 = arith.constant 0 : index
    %get3A_28 = vector.load %arg1[%get3A_25, %get3A_26, %get3A_27] : memref<2x1280x64xf32, #tpu.memory_space<vmem>>, vector<1x1280x64xf32>
    %get3A_29 = vector.shape_cast %get3A_28 : vector<1x1280x64xf32> to vector<1280x64xf32>
    %mul3A_30 = vector.broadcast %rsqrt3A : vector<1280x1xf32> to vector<1280x64xf32>
    %mul3A_31 = arith.mulf %get3A_29, %mul3A_30 : vector<1280x64xf32>
    %get3A_32 = arith.constant 0 : index
    %get3A_33 = arith.constant 64 : index
    %get3A_34 = vector.load %arg4[%get3A_32, %get3A_33] : memref<1x128xf32, #tpu.memory_space<vmem>>, vector<1x64xf32>
    %add3A_35 = vector.broadcast %get3A_34 : vector<1x64xf32> to vector<1280x64xf32>
    %add3A_36 = arith.addf %mul3A_31, %add3A_35 : vector<1280x64xf32>
    %max3A_37 = arith.constant 0.000000e+00 : f32
    %max3A_38 = vector.broadcast %max3A_37 : f32 to vector<1280x64xf32>
    %max3A_39 = arith.maximumf %add3A_36, %max3A_38 : vector<1280x64xf32>
    %get3A_40 = arith.constant 0 : index
    %get3A_41 = arith.constant 0 : index
    %get3A_42 = vector.load %arg3[%get3A_40, %get3A_41] : memref<128x128xf32, #tpu.memory_space<vmem>>, vector<64x128xf32>
    %dot_general3A = arith.constant dense<0.000000e+00> : vector<1280x128xf32>
    %dot_general3A_43 = tpu.matmul %max3A_24, %get3A_42, %dot_general3A {dimension_numbers = #tpu.dot_dimension_numbers<[1], [0], [0], [1], [0, 0, 1, 1], [], []>, transpose_lhs_hint = false} : vector<1280x64xf32>, vector<64x128xf32>, vector<1280x128xf32> -> vector<1280x128xf32>
    %get3A_44 = arith.constant 64 : index
    %get3A_45 = arith.constant 0 : index
    %get3A_46 = vector.load %arg3[%get3A_44, %get3A_45] : memref<128x128xf32, #tpu.memory_space<vmem>>, vector<64x128xf32>
    %dot_general3A_47 = arith.constant dense<0.000000e+00> : vector<1280x128xf32>
    %dot_general3A_48 = tpu.matmul %max3A_39, %get3A_46, %dot_general3A_47 {dimension_numbers = #tpu.dot_dimension_numbers<[1], [0], [0], [1], [0, 0, 1, 1], [], []>, transpose_lhs_hint = false} : vector<1280x64xf32>, vector<64x128xf32>, vector<1280x128xf32> -> vector<1280x128xf32>
    %add3A_49 = arith.addf %dot_general3A_43, %dot_general3A_48 : vector<1280x128xf32>
    %mul3A_50 = vector.broadcast %rsqrt3A : vector<1280x1xf32> to vector<1280x128xf32>
    %mul3A_51 = arith.mulf %add3A_49, %mul3A_50 : vector<1280x128xf32>
    %slice3A = vector.extract_strided_slice %mul3A_51 {offsets = [0, 0], sizes = [1280, 64], strides = [1, 1]} : vector<1280x128xf32> to vector<1280x64xf32>
    %swap3A = arith.constant 0 : index
    %swap3A_52 = arith.constant 0 : index
    %swap3A_53 = arith.constant 0 : index
    %swap3A_54 = vector.load %arg5[%swap3A, %swap3A_52, %swap3A_53] : memref<2x1280x64xf32, #tpu.memory_space<vmem>>, vector<1x1280x64xf32>
    %swap3A_55 = vector.shape_cast %swap3A_54 : vector<1x1280x64xf32> to vector<1280x64xf32>
    %swap3A_56 = vector.shape_cast %slice3A : vector<1280x64xf32> to vector<1x1280x64xf32>
    tpu.vector_store %arg5[%swap3A, %swap3A_52, %swap3A_53], %swap3A_56 {strides = array<i32>} : memref<2x1280x64xf32, #tpu.memory_space<vmem>>, vector<1x1280x64xf32>,
    %slice3A_57 = vector.extract_strided_slice %mul3A_51 {offsets = [0, 64], sizes = [1280, 64], strides = [1, 1]} : vector<1280x128xf32> to vector<1280x64xf32>
    %swap3A_58 = arith.constant 1 : index
    %swap3A_59 = arith.constant 0 : index
    %swap3A_60 = arith.constant 0 : index
    %swap3A_61 = vector.load %arg5[%swap3A_58, %swap3A_59, %swap3A_60] : memref<2x1280x64xf32, #tpu.memory_space<vmem>>, vector<1x1280x64xf32>
    %swap3A_62 = vector.shape_cast %swap3A_61 : vector<1x1280x64xf32> to vector<1280x64xf32>
    %swap3A_63 = vector.shape_cast %slice3A_57 : vector<1280x64xf32> to vector<1x1280x64xf32>
    tpu.vector_store %arg5[%swap3A_58, %swap3A_59, %swap3A_60], %swap3A_63 {strides = array<i32>} : memref<2x1280x64xf32, #tpu.memory_space<vmem>>, vector<1x1280x64xf32>,
    return
  }
  func.func @transform_0(%arg0: i32) -> (i32, i32, i32) {
    %c0_i32 = arith.constant 0 : i32
    %c0_i32_0 = arith.constant 0 : i32
    %c0_i32_1 = arith.constant 0 : i32
    return %c0_i32, %arg0, %c0_i32_0 : i32, i32, i32
  }
  func.func @transform_1(%arg0: i32) -> (i32, i32, i32) {
    %c0_i32 = arith.constant 0 : i32
    %c0_i32_0 = arith.constant 0 : i32
    %c0_i32_1 = arith.constant 0 : i32
    return %c0_i32, %arg0, %c0_i32_0 : i32, i32, i32
  }
  func.func @transform_2(%arg0: i32) -> (i32, i32) {
    %c0_i32 = arith.constant 0 : i32
    %c0_i32_0 = arith.constant 0 : i32
    %c0_i32_1 = arith.constant 0 : i32
    return %c0_i32, %c0_i32_0 : i32, i32
  }
  func.func @transform_3(%arg0: i32) -> (i32, i32) {
    %c0_i32 = arith.constant 0 : i32
    %c0_i32_0 = arith.constant 0 : i32
    %c0_i32_1 = arith.constant 0 : i32
    return %c0_i32, %c0_i32_0 : i32, i32
  }
  func.func @transform_4(%arg0: i32) -> (i32, i32, i32) {
    %c0_i32 = arith.constant 0 : i32
    %c0_i32_0 = arith.constant 0 : i32
    %c0_i32_1 = arith.constant 0 : i32
    return %c0_i32, %arg0, %c0_i32_0 : i32, i32, i32
  }
}

module attributes {stable_mosaic.version = 14 : i64} {
  func.func @_head_body(%arg0: i32, %arg1: memref<2x1024x64xf32, #tpu.memory_space<vmem>>, %arg2: memref<2x1024x8xf32, #tpu.memory_space<vmem>>, %arg3: memref<1x128xf32, #tpu.memory_space<vmem>>, %arg4: memref<128x10xf32, #tpu.memory_space<vmem>>, %arg5: memref<1x10xf32, #tpu.memory_space<vmem>>, %arg6: memref<1024x10xf32, #tpu.memory_space<vmem>>, %arg7: memref<1024x10xf32, #tpu.memory_space<vmem>>, %arg8: memref<1024x128xf32, #tpu.memory_space<vmem>>) attributes {dimension_semantics = [#tpu.dimension_semantics<arbitrary>], iteration_bounds = array<i64: 1>, scalar_prefetch = 0 : i64, scratch_operands = 0 : i64, tpu.core_type = #tpu.core_type<tc>, window_params = [{pipeline_mode = #tpu.pipeline_mode<synchronous>, transform_indices = @transform_0, window_bounds = array<i64: 2, 1024, 64>}, {pipeline_mode = #tpu.pipeline_mode<synchronous>, transform_indices = @transform_1, window_bounds = array<i64: 2, 1024, 8>}, {pipeline_mode = #tpu.pipeline_mode<synchronous>, transform_indices = @transform_2, window_bounds = array<i64: 1, 128>}, {pipeline_mode = #tpu.pipeline_mode<synchronous>, transform_indices = @transform_3, window_bounds = array<i64: 128, 10>}, {pipeline_mode = #tpu.pipeline_mode<synchronous>, transform_indices = @transform_4, window_bounds = array<i64: 1, 10>}, {pipeline_mode = #tpu.pipeline_mode<synchronous>, transform_indices = @transform_5, window_bounds = array<i64: 1024, 10>}, {pipeline_mode = #tpu.pipeline_mode<synchronous>, transform_indices = @transform_6, window_bounds = array<i64: 1024, 10>}, {pipeline_mode = #tpu.pipeline_mode<synchronous>, transform_indices = @transform_7, window_bounds = array<i64: 1024, 128>}]} {
    %get3A = arith.constant 0 : index
    %get3A_0 = arith.constant 0 : index
    %get3A_1 = arith.constant 0 : index
    %get3A_2 = vector.load %arg2[%get3A, %get3A_0, %get3A_1] : memref<2x1024x8xf32, #tpu.memory_space<vmem>>, vector<1x1024x1xf32>
    %get3A_3 = vector.shape_cast %get3A_2 : vector<1x1024x1xf32> to vector<1024x1xf32>
    %get3A_4 = arith.constant 1 : index
    %get3A_5 = arith.constant 0 : index
    %get3A_6 = arith.constant 0 : index
    %get3A_7 = vector.load %arg2[%get3A_4, %get3A_5, %get3A_6] : memref<2x1024x8xf32, #tpu.memory_space<vmem>>, vector<1x1024x1xf32>
    %get3A_8 = vector.shape_cast %get3A_7 : vector<1x1024x1xf32> to vector<1024x1xf32>
    %add3A = arith.addf %get3A_3, %get3A_8 : vector<1024x1xf32>
    %add3A_9 = arith.constant 1.000000e+00 : f32
    %add3A_10 = vector.broadcast %add3A_9 : f32 to vector<1024x1xf32>
    %add3A_11 = arith.addf %add3A, %add3A_10 : vector<1024x1xf32>
    %rsqrt3A = math.rsqrt %add3A_11 : vector<1024x1xf32>
    %get3A_12 = arith.constant 0 : index
    %get3A_13 = arith.constant 0 : index
    %get3A_14 = arith.constant 0 : index
    %get3A_15 = vector.load %arg1[%get3A_12, %get3A_13, %get3A_14] : memref<2x1024x64xf32, #tpu.memory_space<vmem>>, vector<1x1024x64xf32>
    %get3A_16 = vector.shape_cast %get3A_15 : vector<1x1024x64xf32> to vector<1024x64xf32>
    %mul3A = vector.broadcast %rsqrt3A : vector<1024x1xf32> to vector<1024x64xf32>
    %mul3A_17 = arith.mulf %get3A_16, %mul3A : vector<1024x64xf32>
    %get3A_18 = arith.constant 0 : index
    %get3A_19 = arith.constant 0 : index
    %get3A_20 = vector.load %arg3[%get3A_18, %get3A_19] : memref<1x128xf32, #tpu.memory_space<vmem>>, vector<1x64xf32>
    %add3A_21 = vector.broadcast %get3A_20 : vector<1x64xf32> to vector<1024x64xf32>
    %add3A_22 = arith.addf %mul3A_17, %add3A_21 : vector<1024x64xf32>
    %max3A = arith.constant 0.000000e+00 : f32
    %max3A_23 = vector.broadcast %max3A : f32 to vector<1024x64xf32>
    %max3A_24 = arith.maximumf %add3A_22, %max3A_23 : vector<1024x64xf32>
    %get3A_25 = arith.constant 1 : index
    %get3A_26 = arith.constant 0 : index
    %get3A_27 = arith.constant 0 : index
    %get3A_28 = vector.load %arg1[%get3A_25, %get3A_26, %get3A_27] : memref<2x1024x64xf32, #tpu.memory_space<vmem>>, vector<1x1024x64xf32>
    %get3A_29 = vector.shape_cast %get3A_28 : vector<1x1024x64xf32> to vector<1024x64xf32>
    %mul3A_30 = vector.broadcast %rsqrt3A : vector<1024x1xf32> to vector<1024x64xf32>
    %mul3A_31 = arith.mulf %get3A_29, %mul3A_30 : vector<1024x64xf32>
    %get3A_32 = arith.constant 0 : index
    %get3A_33 = arith.constant 64 : index
    %get3A_34 = vector.load %arg3[%get3A_32, %get3A_33] : memref<1x128xf32, #tpu.memory_space<vmem>>, vector<1x64xf32>
    %add3A_35 = vector.broadcast %get3A_34 : vector<1x64xf32> to vector<1024x64xf32>
    %add3A_36 = arith.addf %mul3A_31, %add3A_35 : vector<1024x64xf32>
    %max3A_37 = arith.constant 0.000000e+00 : f32
    %max3A_38 = vector.broadcast %max3A_37 : f32 to vector<1024x64xf32>
    %max3A_39 = arith.maximumf %add3A_36, %max3A_38 : vector<1024x64xf32>
    %swap3A = arith.constant 0 : index
    %swap3A_40 = arith.constant 0 : index
    %swap3A_41 = vector.load %arg8[%swap3A, %swap3A_40] : memref<1024x128xf32, #tpu.memory_space<vmem>>, vector<1024x64xf32>
    tpu.vector_store %arg8[%swap3A, %swap3A_40], %max3A_24 {strides = array<i32>} : memref<1024x128xf32, #tpu.memory_space<vmem>>, vector<1024x64xf32>,
    %swap3A_42 = arith.constant 0 : index
    %swap3A_43 = arith.constant 64 : index
    %swap3A_44 = vector.load %arg8[%swap3A_42, %swap3A_43] : memref<1024x128xf32, #tpu.memory_space<vmem>>, vector<1024x64xf32>
    tpu.vector_store %arg8[%swap3A_42, %swap3A_43], %max3A_39 {strides = array<i32>} : memref<1024x128xf32, #tpu.memory_space<vmem>>, vector<1024x64xf32>,
    %get3A_45 = arith.constant 0 : index
    %get3A_46 = arith.constant 0 : index
    %get3A_47 = vector.load %arg4[%get3A_45, %get3A_46] : memref<128x10xf32, #tpu.memory_space<vmem>>, vector<64x10xf32>
    %dot_general3A = arith.constant dense<0.000000e+00> : vector<1024x10xf32>
    %dot_general3A_48 = tpu.matmul %max3A_24, %get3A_47, %dot_general3A {dimension_numbers = #tpu.dot_dimension_numbers<[1], [0], [0], [1], [0, 0, 1, 1], [], []>, transpose_lhs_hint = false} : vector<1024x64xf32>, vector<64x10xf32>, vector<1024x10xf32> -> vector<1024x10xf32>
    %get3A_49 = arith.constant 64 : index
    %get3A_50 = arith.constant 0 : index
    %get3A_51 = vector.load %arg4[%get3A_49, %get3A_50] : memref<128x10xf32, #tpu.memory_space<vmem>>, vector<64x10xf32>
    %dot_general3A_52 = arith.constant dense<0.000000e+00> : vector<1024x10xf32>
    %dot_general3A_53 = tpu.matmul %max3A_39, %get3A_51, %dot_general3A_52 {dimension_numbers = #tpu.dot_dimension_numbers<[1], [0], [0], [1], [0, 0, 1, 1], [], []>, transpose_lhs_hint = false} : vector<1024x64xf32>, vector<64x10xf32>, vector<1024x10xf32> -> vector<1024x10xf32>
    %add3A_54 = arith.addf %dot_general3A_48, %dot_general3A_53 : vector<1024x10xf32>
    %get3A_55 = arith.constant 0 : index
    %get3A_56 = arith.constant 0 : index
    %get3A_57 = vector.load %arg5[%get3A_55, %get3A_56] : memref<1x10xf32, #tpu.memory_space<vmem>>, vector<1x10xf32>
    %add3A_58 = vector.broadcast %get3A_57 : vector<1x10xf32> to vector<1024x10xf32>
    %add3A_59 = arith.addf %add3A_54, %add3A_58 : vector<1024x10xf32>
    %max3A_60 = arith.constant 0.000000e+00 : f32
    %max3A_61 = vector.broadcast %max3A_60 : f32 to vector<1024x10xf32>
    %max3A_62 = arith.maximumf %add3A_59, %max3A_61 : vector<1024x10xf32>
    %swap3A_63 = arith.constant 0 : index
    %swap3A_64 = arith.constant 0 : index
    %swap3A_65 = vector.load %arg7[%swap3A_63, %swap3A_64] : memref<1024x10xf32, #tpu.memory_space<vmem>>, vector<1024x10xf32>
    tpu.vector_store %arg7[%swap3A_63, %swap3A_64], %max3A_62 {strides = array<i32>} : memref<1024x10xf32, #tpu.memory_space<vmem>>, vector<1024x10xf32>,
    %reduce_max3A = arith.constant dense<0xFF800000> : vector<1024xf32>
    %reduce_max3A_66 = vector.multi_reduction <maximumf>, %max3A_62, %reduce_max3A [1] : vector<1024x10xf32> to vector<1024xf32>
    %broadcast_in_dim3A = vector.shape_cast %reduce_max3A_66 : vector<1024xf32> to vector<1024x1xf32>
    %sub3A = vector.broadcast %broadcast_in_dim3A : vector<1024x1xf32> to vector<1024x10xf32>
    %sub3A_67 = arith.subf %max3A_62, %sub3A : vector<1024x10xf32>
    %exp3A = math.exp %sub3A_67 : vector<1024x10xf32>
    %reduce_sum3A = arith.constant dense<0.000000e+00> : vector<1024xf32>
    %reduce_sum3A_68 = vector.multi_reduction <add>, %exp3A, %reduce_sum3A [1] : vector<1024x10xf32> to vector<1024xf32>
    %broadcast_in_dim3A_69 = vector.shape_cast %reduce_sum3A_68 : vector<1024xf32> to vector<1024x1xf32>
    %log3A = math.log %broadcast_in_dim3A_69 : vector<1024x1xf32>
    %add3A_70 = arith.addf %broadcast_in_dim3A, %log3A : vector<1024x1xf32>
    %sub3A_71 = vector.broadcast %add3A_70 : vector<1024x1xf32> to vector<1024x10xf32>
    %sub3A_72 = arith.subf %max3A_62, %sub3A_71 : vector<1024x10xf32>
    %swap3A_73 = arith.constant 0 : index
    %swap3A_74 = arith.constant 0 : index
    %swap3A_75 = vector.load %arg6[%swap3A_73, %swap3A_74] : memref<1024x10xf32, #tpu.memory_space<vmem>>, vector<1024x10xf32>
    tpu.vector_store %arg6[%swap3A_73, %swap3A_74], %sub3A_72 {strides = array<i32>} : memref<1024x10xf32, #tpu.memory_space<vmem>>, vector<1024x10xf32>,
    return
  }
  func.func @transform_0(%arg0: i32) -> (i32, i32, i32) {
    %c0_i32 = arith.constant 0 : i32
    %c0_i32_0 = arith.constant 0 : i32
    %c0_i32_1 = arith.constant 0 : i32
    %c0_i32_2 = arith.constant 0 : i32
    return %c0_i32, %c0_i32_0, %c0_i32_1 : i32, i32, i32
  }
  func.func @transform_1(%arg0: i32) -> (i32, i32, i32) {
    %c0_i32 = arith.constant 0 : i32
    %c0_i32_0 = arith.constant 0 : i32
    %c0_i32_1 = arith.constant 0 : i32
    %c0_i32_2 = arith.constant 0 : i32
    return %c0_i32, %c0_i32_0, %c0_i32_1 : i32, i32, i32
  }
  func.func @transform_2(%arg0: i32) -> (i32, i32) {
    %c0_i32 = arith.constant 0 : i32
    %c0_i32_0 = arith.constant 0 : i32
    %c0_i32_1 = arith.constant 0 : i32
    return %c0_i32, %c0_i32_0 : i32, i32
  }
  func.func @transform_3(%arg0: i32) -> (i32, i32) {
    %c0_i32 = arith.constant 0 : i32
    %c0_i32_0 = arith.constant 0 : i32
    %c0_i32_1 = arith.constant 0 : i32
    return %c0_i32, %c0_i32_0 : i32, i32
  }
  func.func @transform_4(%arg0: i32) -> (i32, i32) {
    %c0_i32 = arith.constant 0 : i32
    %c0_i32_0 = arith.constant 0 : i32
    %c0_i32_1 = arith.constant 0 : i32
    return %c0_i32, %c0_i32_0 : i32, i32
  }
  func.func @transform_5(%arg0: i32) -> (i32, i32) {
    %c0_i32 = arith.constant 0 : i32
    %c0_i32_0 = arith.constant 0 : i32
    %c0_i32_1 = arith.constant 0 : i32
    return %c0_i32, %c0_i32_0 : i32, i32
  }
  func.func @transform_6(%arg0: i32) -> (i32, i32) {
    %c0_i32 = arith.constant 0 : i32
    %c0_i32_0 = arith.constant 0 : i32
    %c0_i32_1 = arith.constant 0 : i32
    return %c0_i32, %c0_i32_0 : i32, i32
  }
  func.func @transform_7(%arg0: i32) -> (i32, i32) {
    %c0_i32 = arith.constant 0 : i32
    %c0_i32_0 = arith.constant 0 : i32
    %c0_i32_1 = arith.constant 0 : i32
    return %c0_i32, %c0_i32_0 : i32, i32
  }
}

</mosaic_0001>

<sc_bundles>
// kernel: kernel.11.cloned.1.call-start
scs
__scs_entry_jumppad:
0x0: {  	(pc) =	sbr.rel $0x88, $3  }
0x1: {  	(tag) =	ssettag $0x0;
	lr =	simm.s32 $0x1  }
0x2: {  	[smem:$0x3F98] =	sst lr;
	_ =	strace $0xD0000000  }
0x3: {  	_ = 	snop  }
0x4: {  	_ = 	snop  }
0x5: {  	_ = 	snop  }
0x6: {  	_ = 	snop  }
0x7: {  	_ = 	snop  }
__scs_overlays_trampoline_lowered:
0x8: {  	[smem:$0x3FA7] =	sst s0  }
0x9: {  	[smem:$0x3FA8] =	sst s1  }
0xa: {  	[smem:$0x3FA9] =	sst s2  }
0xb: {  	[smem:$0x3FAA] =	sst s3  }
0xc: {  	[smem:$0x3FAB] =	sst s4  }
0xd: {  	[smem:$0x3FAC] =	sst s5  }
0xe: {  	[smem:$0x3FAD] =	sst s6  }
0xf: {  	[smem:$0x3FAE] =	sst s7  }
0x10: {  	[smem:$0x3FAF] =	sst s8  }
0x11: {  	[smem:$0x3FB0] =	sst s9;
	s0 =	simm.s32 @!p0 $0x0  }
0x12: {  	s1 =	sld [smem:$0x3F96];
	s0 =	simm.s32 @p0 $0x1  }
0x13: {  	[smem:$0x3FB1] =	sst s0;
	s0 =	simm.s32 @!p1 $0x0  }
0x14: {  	s2 =	sld [smem:$0x3F95];
	s0 =	simm.s32 @p1 $0x1  }
0x15: {  	[smem:$0x3FB2] =	sst s0;
	s0 =	simm.s32 @!p2 $0x0  }
0x16: {  	s3 =	sld [smem:$0x3FDB];
	s0 =	simm.s32 @p2 $0x1  }
0x17: {  	s4 =	simm.s32 $0x1BF5;
	[smem:$0x3FB4] =	sst s0  }
0x18: {  	s0 =	sld [smem:$0x3F97];
	_ =	swait.ge [sflag:s4], $0x0  }
0x19: {  	s7 =	sld [smem:$0x3F98]  }
0x1a: {  	s8 =	sadd.s32 $0xFFFFE003, lr  }
0x1b: {  	s9 =	sadd.s32 $0xFFFFFEF7, lr;
	s5 =	simm.s32 $0xFFFFFFFF;
	p2 =	slt.u32 s8, $0xFFFFF086  }
0x1c: {  	p1 =	slt.u32 s9, $0xF7A;
	s5 =	simm.s32 @!p2 $0x0  }
0x1d: {  	s5 =	simm.s32 @p1 $0x1;
	p0 =	seq.s32 s7, s2  }
0x1e: {  	s7 =	smul.u32 @!p0 $0xF7A, s2;
	p2 =	seq.s32 @!p0 s5, $0x0  }
0x1f: {  	s9 =	smul.u32 $0xF7A, s1;
	s8 =	simm.s32 @!p0 $0x1BF5;
	p2 =	por !p2, p0  }
0x20: {  	[sflag:s8] =	ssyncset.s32 @!p0 $0xFFFFF086;
	s6 =	sadd.s32 @!p0 s3, s7;
	s7 =	simm.s32 @!p0 $0x108  }
0x21: {  	s3 =	sadd.s32 s3, s9;
	s6 =	sadd.s32 @!p0 $0x88, s6;
	s7 =	simm.s32 @p2 $0x1082  }
0x22: {  	[simem:s7], [sflag:s8] =	dma.local @!p0 [hbm:s6], $0xF7A  }
0x23: {  	s9 =	sor.u32 $0xD0000000, s2;
	s6 =	simm.s32 $0x108;
	_ =	swait.ge @!p0 [sflag:s8], $0x0  }
0x24: {  	s3 =	sadd.s32 $0x88, s3;
	s6 =	simm.s32 @!p1 $0x1082;
	[sflag:s4] =	ssyncset.s32 $0xFFFFF086  }
0x25: {  	[simem:s6], [sflag:s4] =	dma.local [hbm:s3], $0xF7A  }
0x26: {  	[smem:$0x3F98] =	sst s1;
	(tag) =	ssettag s2;
	_ =	strace s9  }
0x27: {  	s1 =	sld [smem:$0x3FA8]  }
0x28: {  	s2 =	sld [smem:$0x3FA9]  }
0x29: {  	s4 =	sld [smem:$0x3FAB]  }
0x2a: {  	p0 =	seq.s32 s5, $0x0;
	s5 =	sld [smem:$0x3FAC]  }
0x2b: {  	s6 =	sld [smem:$0x3FAD]  }
0x2c: {  	s7 =	sld [smem:$0x3FAE]  }
0x2d: {  	s3 =	simm.s32 $0x108;
	s8 =	sld [smem:$0x3FAF]  }
0x2e: {  	s3 =	simm.s32 @!p0 $0x1082;
	s9 =	sld [smem:$0x3FB0]  }
0x2f: {  	lr =	sadd.s32 s0, s3;
	s0 =	sld [smem:$0x3FA7]  }
0x30: {  	s3 =	sld [smem:$0x3FAA]  }
0x31: {  	[smem:$0x3FB3] =	sst s10  }
0x32: {  	s10 =	sld [smem:$0x3FB1];
	_ =	sdelay $0x3  }
0x33: {  	p0 =	seq.s32 s10, $0x1;
	s10 =	sld [smem:$0x3FB3];
	_ =	sdelay $0x3  }
0x34: {  	[smem:$0x3FB3] =	sst s10  }
0x35: {  	s10 =	sld [smem:$0x3FB2];
	_ =	sdelay $0x3  }
0x36: {  	p1 =	seq.s32 s10, $0x1;
	s10 =	sld [smem:$0x3FB3];
	_ =	sdelay $0x3  }
0x37: {  	[smem:$0x3FB3] =	sst s10  }
0x38: {  	s10 =	sld [smem:$0x3FB4]  }
0x39: {  	_ = 	snop;
	(pc) =	sbr.ind lr, $3  }
0x3a: {  	_ = 	snop  }
0x3b: {  	_ = 	snop  }
0x3c: {  	p2 =	seq.s32 s10, $0x1;
	s10 =	sld [smem:$0x3FB3]  }
0x3d: {  	_ =	shalt  }
0x3e: {  	_ =	shalt  }
0x3f: {  	_ =	shalt  }
0x40: {  	_ =	shalt  }
0x41: {  	_ =	shalt  }
0x42: {  	_ =	shalt  }
0x43: {  	_ =	shalt  }
0x44: {  	_ =	shalt  }
0x45: {  	_ =	shalt  }
0x46: {  	_ =	shalt  }
0x47: {  	_ =	shalt  }
0x48: {  	_ =	shalt  }
0x49: {  	_ =	shalt  }
0x4a: {  	_ =	shalt  }
0x4b: {  	_ =	shalt  }
0x4c: {  	_ =	shalt  }
0x4d: {  	_ =	shalt  }
0x4e: {  	_ =	shalt  }
0x4f: {  	_ =	shalt  }
0x50: {  	_ =	shalt  }
0x51: {  	_ =	shalt  }
0x52: {  	_ =	shalt  }
0x53: {  	_ =	shalt  }
0x54: {  	_ =	shalt  }
0x55: {  	_ =	shalt  }
0x56: {  	_ =	shalt  }
0x57: {  	_ =	shalt  }
0x58: {  	_ =	shalt  }
0x59: {  	_ =	shalt  }
0x5a: {  	_ =	shalt  }
0x5b: {  	_ =	shalt  }
0x5c: {  	_ =	shalt  }
0x5d: {  	_ =	shalt  }
0x5e: {  	_ =	shalt  }
0x5f: {  	_ =	shalt  }
0x60: {  	_ =	shalt  }
0x61: {  	_ =	shalt  }
0x62: {  	_ =	shalt  }
0x63: {  	_ =	shalt  }
0x64: {  	_ =	shalt  }
0x65: {  	_ =	shalt  }
0x66: {  	_ =	shalt  }
0x67: {  	_ =	shalt  }
0x68: {  	_ =	shalt  }
0x69: {  	_ =	shalt  }
0x6a: {  	_ =	shalt  }
0x6b: {  	_ =	shalt  }
0x6c: {  	_ =	shalt  }
0x6d: {  	_ =	shalt  }
0x6e: {  	_ =	shalt  }
0x6f: {  	_ =	shalt  }
0x70: {  	_ =	shalt  }
0x71: {  	_ =	shalt  }
0x72: {  	_ =	shalt  }
0x73: {  	_ =	shalt  }
0x74: {  	_ =	shalt  }
0x75: {  	_ =	shalt  }
0x76: {  	_ =	shalt  }
0x77: {  	_ =	shalt  }
0x78: {  	_ =	shalt  }
0x79: {  	_ =	shalt  }
0x7a: {  	_ =	shalt  }
0x7b: {  	_ =	shalt  }
0x7c: {  	_ =	shalt  }
0x7d: {  	_ =	shalt  }
0x7e: {  	_ =	shalt  }
0x7f: {  	_ =	shalt  }
0x80: {  	_ =	shalt  }
0x81: {  	_ =	shalt  }
0x82: {  	_ =	shalt  }
0x83: {  	_ =	shalt  }
0x84: {  	_ =	shalt  }
0x85: {  	_ =	shalt  }
0x86: {  	_ =	shalt  }
0x87: {  	_ =	shalt  }
.Lfunc_end0:
.L_simem_size_0:
called_computation.1_lowered:
.L_overlay_start_0:
0x88: {  	s2 =	sld [smem:$0x3FD9]  }
0x89: {  	s3 =	sld [smem:$0x3FFE];
	_ =	sdelay $0x1  }
0x8a: {  	s1 =	srdreg.scid  }
0x8b: {  	s0 =	sand.u32 $0x1, s1  }
0x8c: {  	s16 =	sshll.u32 s0, $0xA;
	s2 =	sadd.s32 s3, s2  }
0x8d: {  	s2 =	sadd.s32 s2, s16  }
0x8e: {  	[smem:$0x3FBF] =	sst s2  }
0x8f: {  	_ = 	snop  }
0x90: {  	(tm) =	ssettm $0x1  }
0x91: {  	s17 =	sld [smem:$0x3FFB];
	_ =	sdelay $0x3  }
0x92: {  	_ =	strace s17  }
0x93: {  	s2 =	sld [smem:$0x3FFC];
	_ =	sdelay $0x3  }
0x94: {  	_ =	strace s2  }
0x95: {  	s2 =	sld [smem:$0x3FFD];
	_ =	sdelay $0x3  }
0x96: {  	_ =	strace s2  }
0x97: {  	_ =	strace $0x8FFFFFFF  }
0x98: {  	s18 =	sld [smem:$0x3FDB];
	_ =	sdelay $0x1  }
0x99: {  	s19 =	simm.s32 $_scs_section_size  }
0x9a: {  	s4 =	simm.s32 $_size__tile_overlayer_lowered;
	s5 =	simm.s32 $_tile_overlayer_lowered  }
0x9b: {  	s22 =	simm.s32 $0x1BFF;
	s21 =	sshll.u32 s5, $0x1;
	s2 =	sadd.s32 s19, s18  }
0x9c: {  	s6 =	simm.s32 $0x0;
	s20 =	sshll.u32 s4, $0x1;
	s4 =	sadd.s32 s21, s2  }
0x9d: {  	[timem:s6], [sflag:s22] =	dma.local [hbm:s4], s20  }
0x9e: {  	_ =	swait.ge [sflag:s22], s20  }
0x9f: {  	s3 =	ssub.s32 $0x0, s20;
	[sflag:s22] =	ssyncset.done $0x0  }
0xa0: {  	[sflag:s22] =	ssyncadd.s32 s3;
	_ =	sdelay $0x1  }
0xa1: {  	s23 =	simm.s32 $0x1B8B  }
0xa2: {  	_ =	swait.ge [sflag:s23], $0x1  }
0xa3: {  	[sflag:s23] =	ssyncset.done $0x0  }
0xa4: {  	s25 =	simm.s32 $0x1B8E;
	s24 =	sld [smem:$0x3FFE];
	[sflag:s23] =	ssyncadd.s32 $0xFFFFFFFF  }
0xa5: {  	s26 =	simm.s32 $execute0_lowered;
	[smem:$0x3FD2] =	sst s25  }
0xa6: {  	s4 =	sshll.u32 s26, $0x1;
	_ =	strace $0x80000049;
	[dreg:$0x1] =	wrdreg $0xFFFFFFFF  }
0xa7: {  	s28 =	simm.s32 $_size_execute0_lowered;
	s2 =	sadd.s32 s2, s4;
	[dreg:$0x0] =	wrdreg $0x0  }
0xa8: {  	s4 =	sshll.u32 s28, $0x1;
	[dreg:$0x2] =	wrdreg s2  }
0xa9: {  	[dreg:$0x3] =	wrdreg s4  }
0xaa: {  	[dreg:$0x4] =	wrdreg $0xC0  }
0xab: {  	_ =	task [dreg:s6], $0x5FFFF  }
0xac: {  	[dreg:$0x1] =	wrdreg $0xFFFFFFFF  }
0xad: {  	[dreg:$0x0] =	wrdreg $0x60  }
0xae: {  	[dreg:$0x2] =	wrdreg s24  }
0xaf: {  	[dreg:$0x3] =	wrdreg $0x90000  }
0xb0: {  	[dreg:$0x4] =	wrdreg $0x130000  }
0xb1: {  	[dreg:$0x5] =	wrdreg $0x9  }
0xb2: {  	_ =	task.clear_ibuf [dreg:s6], $0x6FFFF;
	_ =	strace $0x90000049  }
0xb3: {  	s29 =	simm.s32 $0x9;
	_ =	strace $0x8000004B  }
0xb4: {  	_ =	swait.ge [sflag:s29], $0x1  }
0xb5: {  	[sflag:s29] =	ssyncadd.s32 $0xFFFFFFFF  }
0xb6: {  	_ =	strace $0x9000004B  }
0xb7: {  	_ =	sfence  }
0xb8: {  	s30 =	sld [smem:$0x0];
	_ =	sdelay $0x2  }
0xb9: {  	s31 =	sshll.u32 s1, $0xD;
	s1 =	sshrl.u32 s1, $0x2  }
0xba: {  	s3 =	sand.u32 $0x4000, s31;
	s1 =	sadd.s32 s1, s30  }
0xbb: {  	s0 =	sor.u32 s3, s0;
	s1 =	sshll.u32 s1, $0x11  }
0xbc: {  	s0 =	sor.u32 s1, s0  }
0xbd: {  	s0 =	sadd.s32 $0x8F2B, s0  }
0xbe: {  	[sflag:s0] =	ssyncadd.remote.s32 $0x1  }
0xbf: {  	_ =	sfence.sel $0xFFFF  }
0xc0: {  	[dreg:$0x0] =	wrdreg $0xFFFFFFFF;
	(pc) =	sbr.abs _section_cstart, $3  }
0xc1: {  	[dreg:$0x1] =	wrdreg $0xFFFFFFFF  }
0xc2: {  	_ =	task.clear_ibuf [dreg:s6], $0x2FFFF;
	_ =	strace $0x9FFFFFFF  }
0xc3: {  	(tm) =	ssettm $0x7FFFFFFF  }
tec
execute0_lowered:
.L_overlay_start_1:
0x0: {  	(tag) =	ssettag $0x1  }
0x1: {  	s5 =	rddreg [dreg:$0x0]  }
0x2: {  	s2 =	rddreg [dreg:$0x1]  }
0x3: {  	s0 =	srdreg.scid;
	s3 =	rddreg [dreg:$0x2];
	s4 =	simm.s32 $0x0  }
0x4: {  	s18 =	simm.s32 $0x1;
	s19 =	simm.s32 $0x2;
	s20 =	simm.s32 $0x3  }
0x5: {  	s21 =	simm.s32 $0x4;
	s22 =	simm.s32 $0x80;
	s6 =	sand.u32 $0x1, s0  }
0x6: {  	s23 =	simm.s32 $0x5000;
	s0 =	stileid.u32;
	s7 =	smul.u32 $0x14000, s6  }
0x7: {  	s24 =	simm.s32 $0x7000;
	s28 =	simm.s32 $0x5;
	s8 =	smul.u32 $0x1400, s0  }
0x8: {  	s29 =	simm.s32 $0x0;
	[smem:$0x7FF] =	sst s4;
	s9 =	smul.u32 $0xA000, s0  }
0x9: {  	s11 =	sadd.s32 $0x11000, s5;
	s12 =	sadd.s32 $0x2000, s5;
	s10 =	smul.u32 $0xA0000, s6  }
0xa: {  	_ =	strace $0x8000004A;
	s6 =	ssub.s32 $0x2, s6;
	s30 =	smul.u32 $0x5000, s0  }
0xb: {  	s31 =	smul.u32 $0xA00, s0;
	s26 =	sshrl.u32 s6, $0x1;
	s7 =	sadd.s32 s8, s7  }
0xc: {  	s25 =	sadd.s32 s9, s10;
	s14 =	ssub.s32 s6, s26;
	s15 =	sadd.s32 s9, s2  }
0xd: {  	s6 =	sshll.u32 s0, $0x6;
	s16 =	sadd.s32 s9, s3;
	s9 =	sadd.s32 s12, s31  }
0xe: {  	s26 =	simm.s32 $0x4F80;
	s7 =	sadd.s32 s7, s5;
	s8 =	sshrl.u32 s25, $0x3  }
0xf: {  	s16 =	sshrl.u32 s16, $0x3;
	s13 =	sadd.s32 s8, s5;
	s8 =	sshrl.u32 s30, $0x3  }
0x10: {  	s25 =	simm.s32 $0x4F00;
	s5 =	sadd.s32 $0x6B000, s7;
	s17 =	sadd.s32 $0x500, s8  }
0x11: {  	s7 =	sor.u32 $0x1C01, s6;
	s8 =	sadd.s32 s11, s31;
	s10 =	sadd.s32 s11, s17  }
0x12: {  	s11 =	sadd.s32 s12, s17;
	s12 =	sadd.s32 $0x93000, s13;
	s13 =	smax.u32 s14, $0x1  }
0x13: {  	s14 =	sshrl.u32 s15, $0x3;
	s15 =	sor.u32 $0x1C02, s6;
	s17 =	simm.s32 $0x2800  }
.LBB2_1:
0x14: {  	[spmem:s14], [sflag:s7] =	dma.local [hbm:s5], $0x1400  }
0x15: {  	[spmem:s16], [sflag:s15] =	dma.local [hbm:s5], $0x1400  }
0x16: {  	[tilespmem:s4], [sflag:$0x3] =	stream.linear.gather [hbm4b:s8+s4], $0x2800, $0x38;
	[tilespmem:$0x1D000] =	vst v63  }
0x17: {  	_ = 	snop  }
0x18: {  	[tilespmem:s17], [sflag:$0x4] =	stream.linear.gather [hbm4b:s9+s4], $0x2800, $0x38;
	[tilespmem:$0x1D000] =	vst v63  }
0x19: {  	_ =	swait.ge [sflag:s18], $0x1400  }
0x1a: {  	[sflag:s18] =	ssyncset.done $0x0  }
0x1b: {  	[sflag:s18] =	ssyncadd.s32 $0xFFFFEC00  }
0x1c: {  	_ =	swait.ge [sflag:s19], $0x1400  }
0x1d: {  	[sflag:s19] =	ssyncset.done $0x0  }
0x1e: {  	[sflag:s19] =	ssyncadd.s32 $0xFFFFEC00  }
0x1f: {  	_ =	swait.ge [sflag:s20], $0x2800  }
0x20: {  	[sflag:s20] =	ssyncset.done $0x0  }
0x21: {  	[sflag:s20] =	ssyncadd.s32 $0xFFFFD800  }
0x22: {  	_ =	swait.ge [sflag:s21], $0x2800  }
0x23: {  	[sflag:s21] =	ssyncset.done $0x0  }
0x24: {  	[sflag:s21] =	ssyncadd.s32 $0xFFFFD800  }
0x25: {  	[bflag:$0x0] =	sbarrier.arrive $0xFFFF  }
0x26: {  	[tilespmem:s23], [sflag:$0x1] =	stream.indirect.gather [spmem:s2], $0x40, s4, s22, $0xb8;
	[tilespmem:$0x1D000] =	vst v63  }
0x27: {  	_ = 	snop  }
0x28: {  	[tilespmem:s24], [sflag:$0x2] =	stream.indirect.gather [spmem:s2], $0x40, s22, s22, $0xb8;
	[tilespmem:$0x1D000] =	vst v63  }
0x29: {  	_ =	swait.ge [sflag:s18], $0x2000  }
0x2a: {  	[sflag:s18] =	ssyncset.done $0x0  }
0x2b: {  	s30 =	simm.s32 $0x2800;
	[sflag:s18] =	ssyncadd.s32 $0xFFFFE000  }
0x2c: {  	[spmem:s3] =	stream.indirect.scatter.add.f32 [tilespmem:s23], [sflag:$0x3], $0x40, s30, s22, $0xb8;
	[tilespmem:$0x1D000] =	vst v63  }
0x2d: {  	_ =	swait.ge [sflag:s19], $0x2000  }
0x2e: {  	[sflag:s19] =	ssyncset.done $0x0  }
0x2f: {  	s30 =	simm.s32 $0x2880;
	[sflag:s19] =	ssyncadd.s32 $0xFFFFE000  }
0x30: {  	[spmem:s3] =	stream.indirect.scatter.add.f32 [tilespmem:s24], [sflag:$0x4], $0x40, s30, s22, $0xb8;
	[tilespmem:$0x1D000] =	vst v63  }
0x31: {  	_ =	swait.ge [sflag:s20], $0x2000  }
0x32: {  	[sflag:s20] =	ssyncset.done $0x0  }
0x33: {  	s30 =	simm.s32 $0x100;
	[sflag:s20] =	ssyncadd.s32 $0xFFFFE000  }
0x34: {  	[tilespmem:s23], [sflag:$0x1] =	stream.indirect.gather [spmem:s2], $0x40, s30, s22, $0xb8;
	[tilespmem:$0x1D000] =	vst v63  }
0x35: {  	_ =	swait.ge [sflag:s21], $0x2000  }
0x36: {  	[sflag:s21] =	ssyncset.done $0x0  }
0x37: {  	s31 =	simm.s32 $0x180;
	s30 =	simm.s32 $0x400;
	[sflag:s21] =	ssyncadd.s32 $0xFFFFE000  }
.LBB2_2:
0x38: {  	[tilespmem:s24], [sflag:$0x2] =	stream.indirect.gather [spmem:s2], $0x40, s31, s22, $0xb8;
	[tilespmem:$0x1D000] =	vst v63  }
0x39: {  	s31 =	smov.u32 s30  }
0x3a: {  	p0 =	sne.s32 s30, $0x9800;
	s30 =	sadd.s32 $0x400, s30;
	_ =	swait.ge [sflag:s18], $0x2000  }
0x3b: {  	s31 =	sshra.s32 s31, $0x2;
	[sflag:s18] =	ssyncset.done $0x0  }
0x3c: {  	s1 =	sadd.s32 $0x2800, s31;
	[sflag:s18] =	ssyncadd.s32 $0xFFFFE000  }
0x3d: {  	[spmem:s3] =	stream.indirect.scatter.add.f32 [tilespmem:s23], [sflag:$0x3], $0x40, s1, s22, $0xb8;
	[tilespmem:$0x1D000] =	vst v63  }
0x3e: {  	_ =	swait.ge [sflag:s19], $0x2000  }
0x3f: {  	[sflag:s19] =	ssyncset.done $0x0  }
0x40: {  	s1 =	sadd.s32 $0x2880, s31;
	[sflag:s19] =	ssyncadd.s32 $0xFFFFE000  }
0x41: {  	[spmem:s3] =	stream.indirect.scatter.add.f32 [tilespmem:s24], [sflag:$0x4], $0x40, s1, s22, $0xb8;
	[tilespmem:$0x1D000] =	vst v63  }
0x42: {  	_ =	swait.ge [sflag:s20], $0x2000  }
0x43: {  	[sflag:s20] =	ssyncset.done $0x0  }
.Ltmp0:
0x44: {  	s1 =	sadd.s32 $0x100, s31;
	[sflag:s20] =	ssyncadd.s32 $0xFFFFE000;
	(pc) =	sbr.rel @p0 .LBB2_2-.Ltmp0, $4  }
0x45: {  	[tilespmem:s23], [sflag:$0x1] =	stream.indirect.gather [spmem:s2], $0x40, s1, s22, $0xb8;
	[tilespmem:$0x1D000] =	vst v63  }
0x46: {  	_ =	swait.ge [sflag:s21], $0x2000  }
0x47: {  	[sflag:s21] =	ssyncset.done $0x0  }
0x48: {  	s31 =	sadd.s32 $0x180, s31;
	[sflag:s21] =	ssyncadd.s32 $0xFFFFE000  }
0x49: {  	[tilespmem:s24], [sflag:$0x2] =	stream.indirect.gather [spmem:s2], $0x40, s31, s22, $0xb8;
	[tilespmem:$0x1D000] =	vst v63  }
0x4a: {  	_ =	swait.ge [sflag:s18], $0x2000  }
0x4b: {  	[sflag:s18] =	ssyncset.done $0x0  }
0x4c: {  	[sflag:s18] =	ssyncadd.s32 $0xFFFFE000  }
0x4d: {  	[spmem:s3] =	stream.indirect.scatter.add.f32 [tilespmem:s23], [sflag:$0x3], $0x40, s25, s22, $0xb8;
	[tilespmem:$0x1D000] =	vst v63  }
0x4e: {  	_ =	swait.ge [sflag:s19], $0x2000  }
0x4f: {  	[sflag:s19] =	ssyncset.done $0x0  }
0x50: {  	[sflag:s19] =	ssyncadd.s32 $0xFFFFE000  }
0x51: {  	[spmem:s3] =	stream.indirect.scatter.add.f32 [tilespmem:s24], [sflag:$0x4], $0x40, s26, s22, $0xb8;
	[tilespmem:$0x1D000] =	vst v63  }
0x52: {  	_ =	swait.ge [sflag:s20], $0x2000  }
0x53: {  	[sflag:s20] =	ssyncset.done $0x0  }
0x54: {  	[sflag:s20] =	ssyncadd.s32 $0xFFFFE000  }
0x55: {  	_ =	swait.ge [sflag:s21], $0x2000  }
0x56: {  	[sflag:s21] =	ssyncset.done $0x0  }
0x57: {  	s1 =	simm.s32 $0x0;
	[sflag:s21] =	ssyncadd.s32 $0xFFFFE000  }
0x58: {  	[tilespmem:s1], [sflag:$0x1] =	stream.linear.gather [hbm4b:s10+s1], $0x2800, $0x38;
	[tilespmem:$0x1D000] =	vst v63  }
0x59: {  	_ = 	snop  }
0x5a: {  	[tilespmem:s17], [sflag:$0x2] =	stream.linear.gather [hbm4b:s11+s1], $0x2800, $0x38;
	[tilespmem:$0x1D000] =	vst v63  }
0x5b: {  	_ =	swait.ge [sflag:s18], $0x2800  }
0x5c: {  	[sflag:s18] =	ssyncset.done $0x0  }
0x5d: {  	[sflag:s18] =	ssyncadd.s32 $0xFFFFD800  }
0x5e: {  	_ =	swait.ge [sflag:s19], $0x2800  }
0x5f: {  	[sflag:s19] =	ssyncset.done $0x0  }
0x60: {  	[sflag:s19] =	ssyncadd.s32 $0xFFFFD800  }
0x61: {  	[tilespmem:s23], [sflag:$0x1] =	stream.indirect.gather [spmem:s2], $0x40, s1, s22, $0xb8;
	[tilespmem:$0x1D000] =	vst v63  }
0x62: {  	_ = 	snop  }
0x63: {  	[tilespmem:s24], [sflag:$0x2] =	stream.indirect.gather [spmem:s2], $0x40, s22, s22, $0xb8;
	[tilespmem:$0x1D000] =	vst v63  }
0x64: {  	_ =	swait.ge [sflag:s18], $0x2000  }
0x65: {  	[sflag:s18] =	ssyncset.done $0x0  }
0x66: {  	s1 =	simm.s32 $0x2800;
	[sflag:s18] =	ssyncadd.s32 $0xFFFFE000  }
0x67: {  	[spmem:s3] =	stream.indirect.scatter.add.f32 [tilespmem:s23], [sflag:$0x3], $0x40, s1, s22, $0xb8;
	[tilespmem:$0x1D000] =	vst v63  }
0x68: {  	_ =	swait.ge [sflag:s19], $0x2000  }
0x69: {  	[sflag:s19] =	ssyncset.done $0x0  }
0x6a: {  	s1 =	simm.s32 $0x2880;
	[sflag:s19] =	ssyncadd.s32 $0xFFFFE000  }
0x6b: {  	[spmem:s3] =	stream.indirect.scatter.add.f32 [tilespmem:s24], [sflag:$0x4], $0x40, s1, s22, $0xb8;
	[tilespmem:$0x1D000] =	vst v63  }
0x6c: {  	_ =	swait.ge [sflag:s20], $0x2000  }
0x6d: {  	[sflag:s20] =	ssyncset.done $0x0  }
0x6e: {  	s1 =	simm.s32 $0x100;
	[sflag:s20] =	ssyncadd.s32 $0xFFFFE000  }
0x6f: {  	[tilespmem:s23], [sflag:$0x1] =	stream.indirect.gather [spmem:s2], $0x40, s1, s22, $0xb8;
	[tilespmem:$0x1D000] =	vst v63  }
0x70: {  	_ =	swait.ge [sflag:s21], $0x2000  }
0x71: {  	[sflag:s21] =	ssyncset.done $0x0  }
0x72: {  	s30 =	simm.s32 $0x400;
	s31 =	simm.s32 $0x180;
	[sflag:s21] =	ssyncadd.s32 $0xFFFFE000  }
.LBB2_4:
0x73: {  	[tilespmem:s24], [sflag:$0x2] =	stream.indirect.gather [spmem:s2], $0x40, s31, s22, $0xb8;
	[tilespmem:$0x1D000] =	vst v63  }
0x74: {  	s1 =	smov.u32 s30  }
0x75: {  	p0 =	sne.s32 s30, $0x9800;
	s30 =	sadd.s32 $0x400, s30;
	_ =	swait.ge [sflag:s18], $0x2000  }
0x76: {  	s1 =	sshra.s32 s1, $0x2;
	[sflag:s18] =	ssyncset.done $0x0  }
0x77: {  	s31 =	sadd.s32 $0x2800, s1;
	[sflag:s18] =	ssyncadd.s32 $0xFFFFE000  }
0x78: {  	[spmem:s3] =	stream.indirect.scatter.add.f32 [tilespmem:s23], [sflag:$0x3], $0x40, s31, s22, $0xb8;
	[tilespmem:$0x1D000] =	vst v63  }
0x79: {  	_ =	swait.ge [sflag:s19], $0x2000  }
0x7a: {  	[sflag:s19] =	ssyncset.done $0x0  }
0x7b: {  	s31 =	sadd.s32 $0x2880, s1;
	[sflag:s19] =	ssyncadd.s32 $0xFFFFE000  }
0x7c: {  	[spmem:s3] =	stream.indirect.scatter.add.f32 [tilespmem:s24], [sflag:$0x4], $0x40, s31, s22, $0xb8;
	[tilespmem:$0x1D000] =	vst v63  }
0x7d: {  	_ =	swait.ge [sflag:s20], $0x2000  }
0x7e: {  	[sflag:s20] =	ssyncset.done $0x0  }
.Ltmp1:
0x7f: {  	s31 =	sadd.s32 $0x100, s1;
	[sflag:s20] =	ssyncadd.s32 $0xFFFFE000;
	(pc) =	sbr.rel @p0 .LBB2_4-.Ltmp1, $4  }
0x80: {  	[tilespmem:s23], [sflag:$0x1] =	stream.indirect.gather [spmem:s2], $0x40, s31, s22, $0xb8;
	[tilespmem:$0x1D000] =	vst v63  }
0x81: {  	_ =	swait.ge [sflag:s21], $0x2000  }
0x82: {  	[sflag:s21] =	ssyncset.done $0x0  }
0x83: {  	s31 =	sadd.s32 $0x180, s1;
	[sflag:s21] =	ssyncadd.s32 $0xFFFFE000  }
0x84: {  	[tilespmem:s24], [sflag:$0x2] =	stream.indirect.gather [spmem:s2], $0x40, s31, s22, $0xb8;
	[tilespmem:$0x1D000] =	vst v63  }
0x85: {  	_ =	swait.ge [sflag:s18], $0x2000  }
0x86: {  	[sflag:s18] =	ssyncset.done $0x0  }
0x87: {  	[sflag:s18] =	ssyncadd.s32 $0xFFFFE000  }
0x88: {  	[spmem:s3] =	stream.indirect.scatter.add.f32 [tilespmem:s23], [sflag:$0x3], $0x40, s25, s22, $0xb8;
	[tilespmem:$0x1D000] =	vst v63  }
0x89: {  	_ =	swait.ge [sflag:s19], $0x2000  }
0x8a: {  	[sflag:s19] =	ssyncset.done $0x0  }
0x8b: {  	[sflag:s19] =	ssyncadd.s32 $0xFFFFE000  }
0x8c: {  	[spmem:s3] =	stream.indirect.scatter.add.f32 [tilespmem:s24], [sflag:$0x4], $0x40, s26, s22, $0xb8;
	[tilespmem:$0x1D000] =	vst v63  }
0x8d: {  	_ =	swait.ge [sflag:s20], $0x2000  }
0x8e: {  	[sflag:s20] =	ssyncset.done $0x0  }
0x8f: {  	[sflag:s20] =	ssyncadd.s32 $0xFFFFE000  }
0x90: {  	_ =	swait.ge [sflag:s21], $0x2000  }
0x91: {  	s29 =	sadd.s32 $0x1, s29;
	[sflag:s21] =	ssyncset.done $0x0  }
0x92: {  	p0 =	sne.s32 s29, s13;
	[sflag:s21] =	ssyncadd.s32 $0xFFFFE000  }
.Ltmp2:
0x93: {  	s1 =	sor.u32 $0x1C05, s6;
	[bflag:$0x0] =	sbarrier.arrive $0xFFFF;
	(pc) =	sbr.rel @p0 .LBB2_1-.Ltmp2, $4  }
0x94: {  	[hbm:s12], [sflag:s1] =	dma.local [spmem:s16], $0x1400  }
0x95: {  	_ =	swait.ge [sflag:s28], $0x1400  }
0x96: {  	[sflag:s28] =	ssyncset.done $0x0  }
0x97: {  	[sflag:s28] =	ssyncadd.s32 $0xFFFFEC00  }
0x98: {  	_ =	sfence.sel $0x180000  }
0x99: {  	[bflag:$0x0] =	sbarrier.arrive $0xFFFF  }
0x9a: {  	_ =	strace $0x9000004A  }
0x9b: {  	[bflag:$0x2] =	sbarrier.arrive $0xFFFF  }
0x9c: {  	p0 =	sne.s32 s0, $0x0;
	s0 =	rddreg [dreg:$0x3]  }
0x9d: {  	s0 =	sadd.s32 @!p0 $0x100000, s0  }
0x9e: {  	[sflag:s0] =	ssyncadd.tile.s32 @!p0 $0x1;
	_ =	shalt  }
.Lfunc_end2:
_tile_overlayer_lowered:
.L_overlay_start_2:
0x9f: {  	(tag) =	ssettag $0x2  }
0xa0: {  	s0 =	rddreg [dreg:$0x0];
	s2 =	stileid.u32  }
0xa1: {  	s1 =	rddreg [dreg:$0x1];
	p0 =	sne.s32 s2, $0x0  }
0xa2: {  	s3 =	rddreg [dreg:$0x2];
	[bflag:$0x3] =	sbarrier.arrive $0xFFFF;
	s2 =	simm.s32 @!p0 $0x1C05  }
0xa3: {  	[timem:s3], [sflag:s2] =	dma.local @!p0 [hbm:s0], s1  }
0xa4: {  	s0 =	simm.s32 @!p0 $0x5  }
0xa5: {  	_ =	swait.ge @!p0 [sflag:s0], s1  }
0xa6: {  	s1 =	ssub.s32 @!p0 $0x0, s1;
	[sflag:s0] =	ssyncset.done @!p0 $0x0  }
0xa7: {  	[sflag:s0] =	ssyncadd.s32 @!p0 s1  }
0xa8: {  	[bflag:$0x3] =	sbarrier.arrive $0xFFFF  }
0xa9: {  	_ =	shalt  }

// kernel: kernel.14.cloned.1.call-start
scs
__scs_entry_jumppad:
0x0: {  	(pc) =	sbr.rel $0x88, $3  }
0x1: {  	(tag) =	ssettag $0x0;
	lr =	simm.s32 $0x1  }
0x2: {  	[smem:$0x3F98] =	sst lr;
	_ =	strace $0xD0000000  }
0x3: {  	_ = 	snop  }
0x4: {  	_ = 	snop  }
0x5: {  	_ = 	snop  }
0x6: {  	_ = 	snop  }
0x7: {  	_ = 	snop  }
__scs_overlays_trampoline_lowered:
0x8: {  	[smem:$0x3FA7] =	sst s0  }
0x9: {  	[smem:$0x3FA8] =	sst s1  }
0xa: {  	[smem:$0x3FA9] =	sst s2  }
0xb: {  	[smem:$0x3FAA] =	sst s3  }
0xc: {  	[smem:$0x3FAB] =	sst s4  }
0xd: {  	[smem:$0x3FAC] =	sst s5  }
0xe: {  	[smem:$0x3FAD] =	sst s6  }
0xf: {  	[smem:$0x3FAE] =	sst s7  }
0x10: {  	[smem:$0x3FAF] =	sst s8  }
0x11: {  	[smem:$0x3FB0] =	sst s9;
	s0 =	simm.s32 @!p0 $0x0  }
0x12: {  	s1 =	sld [smem:$0x3F96];
	s0 =	simm.s32 @p0 $0x1  }
0x13: {  	[smem:$0x3FB1] =	sst s0;
	s0 =	simm.s32 @!p1 $0x0  }
0x14: {  	s2 =	sld [smem:$0x3F95];
	s0 =	simm.s32 @p1 $0x1  }
0x15: {  	[smem:$0x3FB2] =	sst s0;
	s0 =	simm.s32 @!p2 $0x0  }
0x16: {  	s3 =	sld [smem:$0x3FDB];
	s0 =	simm.s32 @p2 $0x1  }
0x17: {  	s4 =	simm.s32 $0x1BF5;
	[smem:$0x3FB4] =	sst s0  }
0x18: {  	s0 =	sld [smem:$0x3F97];
	_ =	swait.ge [sflag:s4], $0x0  }
0x19: {  	s7 =	sld [smem:$0x3F98]  }
0x1a: {  	s8 =	sadd.s32 $0xFFFFE003, lr  }
0x1b: {  	s9 =	sadd.s32 $0xFFFFFEF7, lr;
	s5 =	simm.s32 $0xFFFFFFFF;
	p2 =	slt.u32 s8, $0xFFFFF086  }
0x1c: {  	p1 =	slt.u32 s9, $0xF7A;
	s5 =	simm.s32 @!p2 $0x0  }
0x1d: {  	s5 =	simm.s32 @p1 $0x1;
	p0 =	seq.s32 s7, s2  }
0x1e: {  	s7 =	smul.u32 @!p0 $0xF7A, s2;
	p2 =	seq.s32 @!p0 s5, $0x0  }
0x1f: {  	s9 =	smul.u32 $0xF7A, s1;
	s8 =	simm.s32 @!p0 $0x1BF5;
	p2 =	por !p2, p0  }
0x20: {  	[sflag:s8] =	ssyncset.s32 @!p0 $0xFFFFF086;
	s6 =	sadd.s32 @!p0 s3, s7;
	s7 =	simm.s32 @!p0 $0x108  }
0x21: {  	s3 =	sadd.s32 s3, s9;
	s6 =	sadd.s32 @!p0 $0x88, s6;
	s7 =	simm.s32 @p2 $0x1082  }
0x22: {  	[simem:s7], [sflag:s8] =	dma.local @!p0 [hbm:s6], $0xF7A  }
0x23: {  	s9 =	sor.u32 $0xD0000000, s2;
	s6 =	simm.s32 $0x108;
	_ =	swait.ge @!p0 [sflag:s8], $0x0  }
0x24: {  	s3 =	sadd.s32 $0x88, s3;
	s6 =	simm.s32 @!p1 $0x1082;
	[sflag:s4] =	ssyncset.s32 $0xFFFFF086  }
0x25: {  	[simem:s6], [sflag:s4] =	dma.local [hbm:s3], $0xF7A  }
0x26: {  	[smem:$0x3F98] =	sst s1;
	(tag) =	ssettag s2;
	_ =	strace s9  }
0x27: {  	s1 =	sld [smem:$0x3FA8]  }
0x28: {  	s2 =	sld [smem:$0x3FA9]  }
0x29: {  	s4 =	sld [smem:$0x3FAB]  }
0x2a: {  	p0 =	seq.s32 s5, $0x0;
	s5 =	sld [smem:$0x3FAC]  }
0x2b: {  	s6 =	sld [smem:$0x3FAD]  }
0x2c: {  	s7 =	sld [smem:$0x3FAE]  }
0x2d: {  	s3 =	simm.s32 $0x108;
	s8 =	sld [smem:$0x3FAF]  }
0x2e: {  	s3 =	simm.s32 @!p0 $0x1082;
	s9 =	sld [smem:$0x3FB0]  }
0x2f: {  	lr =	sadd.s32 s0, s3;
	s0 =	sld [smem:$0x3FA7]  }
0x30: {  	s3 =	sld [smem:$0x3FAA]  }
0x31: {  	[smem:$0x3FB3] =	sst s10  }
0x32: {  	s10 =	sld [smem:$0x3FB1];
	_ =	sdelay $0x3  }
0x33: {  	p0 =	seq.s32 s10, $0x1;
	s10 =	sld [smem:$0x3FB3];
	_ =	sdelay $0x3  }
0x34: {  	[smem:$0x3FB3] =	sst s10  }
0x35: {  	s10 =	sld [smem:$0x3FB2];
	_ =	sdelay $0x3  }
0x36: {  	p1 =	seq.s32 s10, $0x1;
	s10 =	sld [smem:$0x3FB3];
	_ =	sdelay $0x3  }
0x37: {  	[smem:$0x3FB3] =	sst s10  }
0x38: {  	s10 =	sld [smem:$0x3FB4]  }
0x39: {  	_ = 	snop;
	(pc) =	sbr.ind lr, $3  }
0x3a: {  	_ = 	snop  }
0x3b: {  	_ = 	snop  }
0x3c: {  	p2 =	seq.s32 s10, $0x1;
	s10 =	sld [smem:$0x3FB3]  }
0x3d: {  	_ =	shalt  }
0x3e: {  	_ =	shalt  }
0x3f: {  	_ =	shalt  }
0x40: {  	_ =	shalt  }
0x41: {  	_ =	shalt  }
0x42: {  	_ =	shalt  }
0x43: {  	_ =	shalt  }
0x44: {  	_ =	shalt  }
0x45: {  	_ =	shalt  }
0x46: {  	_ =	shalt  }
0x47: {  	_ =	shalt  }
0x48: {  	_ =	shalt  }
0x49: {  	_ =	shalt  }
0x4a: {  	_ =	shalt  }
0x4b: {  	_ =	shalt  }
0x4c: {  	_ =	shalt  }
0x4d: {  	_ =	shalt  }
0x4e: {  	_ =	shalt  }
0x4f: {  	_ =	shalt  }
0x50: {  	_ =	shalt  }
0x51: {  	_ =	shalt  }
0x52: {  	_ =	shalt  }
0x53: {  	_ =	shalt  }
0x54: {  	_ =	shalt  }
0x55: {  	_ =	shalt  }
0x56: {  	_ =	shalt  }
0x57: {  	_ =	shalt  }
0x58: {  	_ =	shalt  }
0x59: {  	_ =	shalt  }
0x5a: {  	_ =	shalt  }
0x5b: {  	_ =	shalt  }
0x5c: {  	_ =	shalt  }
0x5d: {  	_ =	shalt  }
0x5e: {  	_ =	shalt  }
0x5f: {  	_ =	shalt  }
0x60: {  	_ =	shalt  }
0x61: {  	_ =	shalt  }
0x62: {  	_ =	shalt  }
0x63: {  	_ =	shalt  }
0x64: {  	_ =	shalt  }
0x65: {  	_ =	shalt  }
0x66: {  	_ =	shalt  }
0x67: {  	_ =	shalt  }
0x68: {  	_ =	shalt  }
0x69: {  	_ =	shalt  }
0x6a: {  	_ =	shalt  }
0x6b: {  	_ =	shalt  }
0x6c: {  	_ =	shalt  }
0x6d: {  	_ =	shalt  }
0x6e: {  	_ =	shalt  }
0x6f: {  	_ =	shalt  }
0x70: {  	_ =	shalt  }
0x71: {  	_ =	shalt  }
0x72: {  	_ =	shalt  }
0x73: {  	_ =	shalt  }
0x74: {  	_ =	shalt  }
0x75: {  	_ =	shalt  }
0x76: {  	_ =	shalt  }
0x77: {  	_ =	shalt  }
0x78: {  	_ =	shalt  }
0x79: {  	_ =	shalt  }
0x7a: {  	_ =	shalt  }
0x7b: {  	_ =	shalt  }
0x7c: {  	_ =	shalt  }
0x7d: {  	_ =	shalt  }
0x7e: {  	_ =	shalt  }
0x7f: {  	_ =	shalt  }
0x80: {  	_ =	shalt  }
0x81: {  	_ =	shalt  }
0x82: {  	_ =	shalt  }
0x83: {  	_ =	shalt  }
0x84: {  	_ =	shalt  }
0x85: {  	_ =	shalt  }
0x86: {  	_ =	shalt  }
0x87: {  	_ =	shalt  }
.Lfunc_end0:
.L_simem_size_0:
called_computation.2_lowered:
.L_overlay_start_0:
0x88: {  	s2 =	sld [smem:$0x3FD9]  }
0x89: {  	s3 =	sld [smem:$0x3FFE];
	_ =	sdelay $0x1  }
0x8a: {  	s1 =	srdreg.scid  }
0x8b: {  	s0 =	sand.u32 $0x1, s1  }
0x8c: {  	s14 =	sshll.u32 s0, $0xA;
	s2 =	sadd.s32 s3, s2  }
0x8d: {  	s2 =	sadd.s32 s2, s14  }
0x8e: {  	[smem:$0x3FBF] =	sst s2  }
0x8f: {  	_ = 	snop  }
0x90: {  	s2 =	sld [smem:$0x3FD0];
	_ =	sdelay $0x2  }
0x91: {  	s15 =	simm.s32 $0xA;
	s4 =	simm.s32 $0x10  }
0x92: {  	[smem:s4], [sflag:s15] =	dma.local [hbm:s2], $0x1  }
0x93: {  	_ =	swait.eq [sflag:s15], $0x1  }
0x94: {  	s16 =	sld [smem:$0x10];
	[sflag:s15] =	ssyncset.done $0x0  }
0x95: {  	s17 =	sld [smem:$0x11];
	[sflag:s15] =	ssyncadd.s32 $0xFFFFFFFF  }
0x96: {  	s18 =	sld [smem:$0x12];
	(tm) =	ssettm $0x1  }
0x97: {  	s5 =	sld [smem:$0x3FFB];
	_ =	sdelay $0x3  }
0x98: {  	_ =	strace s5  }
0x99: {  	s5 =	sld [smem:$0x3FFC];
	_ =	sdelay $0x3  }
0x9a: {  	_ =	strace s5  }
0x9b: {  	s5 =	sld [smem:$0x3FFD];
	_ =	sdelay $0x3  }
0x9c: {  	_ =	strace s5  }
0x9d: {  	_ =	strace $0x8FFFFFFF  }
0x9e: {  	s19 =	sld [smem:$0x3FDB];
	_ =	sdelay $0x1  }
0x9f: {  	s6 =	simm.s32 $_scs_section_size  }
0xa0: {  	s7 =	simm.s32 $_size__tile_overlayer_lowered;
	s8 =	simm.s32 $_tile_overlayer_lowered  }
0xa1: {  	s22 =	simm.s32 $0x1BFF;
	s21 =	sshll.u32 s8, $0x1;
	s5 =	sadd.s32 s6, s19  }
0xa2: {  	s9 =	simm.s32 $0x0;
	s20 =	sshll.u32 s7, $0x1;
	s7 =	sadd.s32 s21, s5  }
0xa3: {  	[timem:s9], [sflag:s22] =	dma.local [hbm:s7], s20  }
0xa4: {  	_ =	swait.ge [sflag:s22], s20  }
0xa5: {  	s6 =	ssub.s32 $0x0, s20;
	[sflag:s22] =	ssyncset.done $0x0  }
0xa6: {  	[sflag:s22] =	ssyncadd.s32 s6;
	_ =	sdelay $0x1  }
0xa7: {  	s23 =	simm.s32 $0x1B8B  }
0xa8: {  	_ =	swait.ge [sflag:s23], $0x1  }
0xa9: {  	[sflag:s23] =	ssyncset.done $0x0  }
0xaa: {  	s25 =	simm.s32 $0x1B8E;
	s24 =	sld [smem:$0x3FFE];
	[sflag:s23] =	ssyncadd.s32 $0xFFFFFFFF  }
0xab: {  	s26 =	simm.s32 $execute0_lowered;
	[smem:$0x3FD2] =	sst s25  }
0xac: {  	s7 =	sshll.u32 s26, $0x1;
	_ =	strace $0x8000004C;
	[dreg:$0x1] =	wrdreg $0xFFFFFFFF  }
0xad: {  	s28 =	simm.s32 $_size_execute0_lowered;
	s5 =	sadd.s32 s5, s7;
	[dreg:$0x0] =	wrdreg $0x0  }
0xae: {  	s7 =	sshll.u32 s28, $0x1;
	[dreg:$0x2] =	wrdreg s5  }
0xaf: {  	[dreg:$0x3] =	wrdreg s7  }
0xb0: {  	[dreg:$0x4] =	wrdreg $0xC0  }
0xb1: {  	_ =	task [dreg:s9], $0x5FFFF  }
0xb2: {  	[dreg:$0x1] =	wrdreg $0xFFFFFFFF  }
0xb3: {  	[dreg:$0x0] =	wrdreg $0x60  }
0xb4: {  	[dreg:$0x2] =	wrdreg s24  }
0xb5: {  	[dreg:$0x3] =	wrdreg s16  }
0xb6: {  	[dreg:$0x4] =	wrdreg s18  }
0xb7: {  	[dreg:$0x5] =	wrdreg s17  }
0xb8: {  	[dreg:$0x6] =	wrdreg $0x90000  }
0xb9: {  	[dreg:$0x7] =	wrdreg $0x130000  }
0xba: {  	[dreg:$0x8] =	wrdreg $0x9  }
0xbb: {  	_ =	task.clear_ibuf [dreg:s9], $0x9FFFF;
	_ =	strace $0x9000004C  }
0xbc: {  	s29 =	simm.s32 $0x9;
	_ =	strace $0x8000004E  }
0xbd: {  	_ =	swait.ge [sflag:s29], $0x1  }
0xbe: {  	[sflag:s29] =	ssyncadd.s32 $0xFFFFFFFF  }
0xbf: {  	_ =	strace $0x9000004E  }
0xc0: {  	_ =	sfence  }
0xc1: {  	s30 =	sld [smem:$0x0];
	_ =	sdelay $0x2  }
0xc2: {  	s31 =	sshll.u32 s1, $0xD;
	s1 =	sshrl.u32 s1, $0x2  }
0xc3: {  	s3 =	sand.u32 $0x4000, s31;
	s1 =	sadd.s32 s1, s30  }
0xc4: {  	s0 =	sor.u32 s3, s0;
	s1 =	sshll.u32 s1, $0x11  }
0xc5: {  	s0 =	sor.u32 s1, s0  }
0xc6: {  	s0 =	sadd.s32 $0x8F2B, s0  }
0xc7: {  	[sflag:s0] =	ssyncadd.remote.s32 $0x1  }
0xc8: {  	_ =	sfence.sel $0xFFFF  }
0xc9: {  	[dreg:$0x0] =	wrdreg $0xFFFFFFFF;
	(pc) =	sbr.abs _section_cstart, $3  }
0xca: {  	[dreg:$0x1] =	wrdreg $0xFFFFFFFF  }
0xcb: {  	_ =	task.clear_ibuf [dreg:s9], $0x2FFFF;
	_ =	strace $0x9FFFFFFF  }
0xcc: {  	(tm) =	ssettm $0x7FFFFFFF  }
0xcd: {  	_ =	shalt  }
tec
execute0_lowered:
.L_overlay_start_1:
0x0: {  	(tag) =	ssettag $0x1  }
0x1: {  	s0 =	rddreg [dreg:$0x0]  }
0x2: {  	s1 =	rddreg [dreg:$0x1]  }
0x3: {  	s5 =	rddreg [dreg:$0x2]  }
0x4: {  	s7 =	rddreg [dreg:$0x3]  }
0x5: {  	s3 =	srdreg.scid;
	s2 =	rddreg [dreg:$0x4]  }
0x6: {  	s15 =	stileid.u32;
	s4 =	simm.s32 $0x0;
	s28 =	simm.s32 $0x7000  }
0x7: {  	s29 =	simm.s32 $0x4F00;
	s30 =	simm.s32 $0x4F80;
	s9 =	smul.u32 $0x1400, s15  }
0x8: {  	s8 =	sand.u32 $0x1, s3;
	s3 =	rddreg [dreg:$0x5];
	s12 =	smul.u32 $0xA000, s15  }
0x9: {  	s31 =	simm.s32 $0x1D000;
	[smem:$0x7FF] =	sst s4;
	s13 =	smul.u32 $0xA00, s15  }
0xa: {  	s26 =	sadd.s32 $0x11000, s0;
	s10 =	sadd.s32 $0x2000, s0;
	s14 =	smul.u32 $0x5000, s15  }
0xb: {  	s18 =	sshll.u32 s15, $0x6;
	s22 =	sshll.u32 s15, $0x3;
	s6 =	smul.u32 $0x14000, s8  }
0xc: {  	_ =	strace $0x8000004D;
	s11 =	ssub.s32 $0x2, s8;
	s16 =	sor.u32 $0x1C01, s18  }
0xd: {  	s24 =	sshll.u32 s8, $0x7;
	s25 =	sshll.u32 s8, $0xD;
	s8 =	sshll.u32 s8, $0xA  }
0xe: {  	s7 =	sadd.s32 s7, s18;
	s18 =	sor.u32 $0x1C02, s18;
	s17 =	sshrl.u32 s11, $0x1  }
0xf: {  	[dreg:$0x8] =	wrdreg s16;
	s19 =	sadd.s32 s12, s3;
	s20 =	sadd.s32 s26, s13  }
0x10: {  	s21 =	sshrl.u32 s14, $0x3;
	s13 =	sadd.s32 s10, s13;
	[dreg:$0x9] =	wrdreg s20  }
0x11: {  	s6 =	sadd.s32 s9, s6;
	[dreg:$0xa] =	wrdreg s13;
	s19 =	sshrl.u32 s19, $0x3  }
0x12: {  	s20 =	simm.s32 $0x2800;
	s6 =	sadd.s32 s6, s0;
	s0 =	sadd.s32 $0xC000, s0  }
0x13: {  	[dreg:$0x7] =	wrdreg s0;
	s0 =	ssub.s32 s11, s17;
	s17 =	sadd.s32 s12, s2  }
0x14: {  	s6 =	sadd.s32 $0x1B000, s6;
	s12 =	sadd.s32 $0x500, s21;
	s21 =	simm.s32 $0x1  }
0x15: {  	s9 =	sadd.s32 s26, s12;
	s23 =	sadd.s32 s10, s12;
	s12 =	sadd.s32 s1, s22  }
0x16: {  	s26 =	sshll.u32 s15, $0x9;
	s15 =	sadd.s32 s8, s7;
	s16 =	smax.u32 s0, $0x1  }
0x17: {  	s17 =	sshrl.u32 s17, $0x3;
	s22 =	simm.s32 $0x2;
	s0 =	simm.s32 $0x40  }
0x18: {  	s7 =	simm.s32 $0x1E080;
	s8 =	simm.s32 $0x5;
	[dreg:$0xb] =	wrdreg s9  }
0x19: {  	[dreg:$0xc] =	wrdreg s23;
	s5 =	sadd.s32 s5, s26;
	s1 =	sadd.s32 s24, s12  }
0x1a: {  	s23 =	simm.s32 $0x3;
	s24 =	simm.s32 $0x4;
	s26 =	simm.s32 $0x5000  }
0x1b: {  	s9 =	simm.s32 $0x0;
	[dreg:$0xd] =	wrdreg s1;
	s14 =	sadd.s32 s25, s5  }
0x1c: {  	s25 =	simm.s32 $0x80;
	s1 =	simm.s32 $0x1D040;
	s5 =	simm.s32 $0x1D080  }
.LBB2_1:
0x1d: {  	s10 =	rddreg [dreg:$0x8]  }
0x1e: {  	[spmem:s17], [sflag:s10] =	dma.local [hbm:s6], $0x1400  }
0x1f: {  	[spmem:s19], [sflag:s18] =	dma.local [hbm:s6], $0x1400  }
0x20: {  	s13 =	rddreg [dreg:$0x9]  }
0x21: {  	[tilespmem:s4], [sflag:$0x3] =	stream.linear.gather [hbm4b:s13+s4], $0x2800, $0x38;
	[tilespmem:$0x1E280] =	vst v63  }
0x22: {  	s11 =	rddreg [dreg:$0xa]  }
0x23: {  	[tilespmem:s20], [sflag:$0x4] =	stream.linear.gather [hbm4b:s11+s4], $0x2800, $0x38;
	[tilespmem:$0x1E280] =	vst v63  }
0x24: {  	_ =	swait.ge [sflag:s21], $0x1400  }
0x25: {  	[sflag:s21] =	ssyncset.done $0x0  }
0x26: {  	[sflag:s21] =	ssyncadd.s32 $0xFFFFEC00  }
0x27: {  	_ =	swait.ge [sflag:s22], $0x1400  }
0x28: {  	[sflag:s22] =	ssyncset.done $0x0  }
0x29: {  	[sflag:s22] =	ssyncadd.s32 $0xFFFFEC00  }
0x2a: {  	_ =	swait.ge [sflag:s23], $0x2800  }
0x2b: {  	[sflag:s23] =	ssyncset.done $0x0  }
0x2c: {  	[sflag:s23] =	ssyncadd.s32 $0xFFFFD800  }
0x2d: {  	_ =	swait.ge [sflag:s24], $0x2800  }
0x2e: {  	[sflag:s24] =	ssyncset.done $0x0  }
0x2f: {  	[sflag:s24] =	ssyncadd.s32 $0xFFFFD800  }
0x30: {  	[bflag:$0x0] =	sbarrier.arrive $0xFFFF  }
0x31: {  	[tilespmem:s26], [sflag:$0x1] =	stream.indirect.gather [spmem:s2], $0x40, s4, s25, $0xb8;
	[tilespmem:$0x1E280] =	vst v63  }
0x32: {  	_ = 	snop  }
0x33: {  	[tilespmem:s28], [sflag:$0x2] =	stream.indirect.gather [spmem:s2], $0x40, s25, s25, $0xb8;
	[tilespmem:$0x1E280] =	vst v63  }
0x34: {  	_ =	swait.ge [sflag:s21], $0x2000  }
0x35: {  	[sflag:s21] =	ssyncset.done $0x0  }
0x36: {  	s13 =	simm.s32 $0x2800;
	[sflag:s21] =	ssyncadd.s32 $0xFFFFE000  }
0x37: {  	[spmem:s3] =	stream.indirect.scatter.add.f32 [tilespmem:s26], [sflag:$0x3], $0x40, s13, s25, $0xb8;
	[tilespmem:$0x1E280] =	vst v63  }
0x38: {  	_ =	swait.ge [sflag:s22], $0x2000  }
0x39: {  	[sflag:s22] =	ssyncset.done $0x0  }
0x3a: {  	s11 =	simm.s32 $0x2880;
	[sflag:s22] =	ssyncadd.s32 $0xFFFFE000  }
0x3b: {  	[spmem:s3] =	stream.indirect.scatter.add.f32 [tilespmem:s28], [sflag:$0x4], $0x40, s11, s25, $0xb8;
	[tilespmem:$0x1E280] =	vst v63  }
0x3c: {  	_ =	swait.ge [sflag:s23], $0x2000  }
0x3d: {  	[sflag:s23] =	ssyncset.done $0x0  }
0x3e: {  	s13 =	simm.s32 $0x100;
	[sflag:s23] =	ssyncadd.s32 $0xFFFFE000  }
0x3f: {  	[tilespmem:s26], [sflag:$0x1] =	stream.indirect.gather [spmem:s2], $0x40, s13, s25, $0xb8;
	[tilespmem:$0x1E280] =	vst v63  }
0x40: {  	_ =	swait.ge [sflag:s24], $0x2000  }
0x41: {  	[sflag:s24] =	ssyncset.done $0x0  }
0x42: {  	s10 =	simm.s32 $0x400;
	s11 =	simm.s32 $0x180;
	[sflag:s24] =	ssyncadd.s32 $0xFFFFE000  }
.LBB2_2:
0x43: {  	[tilespmem:s28], [sflag:$0x2] =	stream.indirect.gather [spmem:s2], $0x40, s11, s25, $0xb8;
	[tilespmem:$0x1E280] =	vst v63  }
0x44: {  	s11 =	smov.u32 s10  }
0x45: {  	p0 =	sne.s32 s10, $0x9800;
	s10 =	sadd.s32 $0x400, s10;
	_ =	swait.ge [sflag:s21], $0x2000  }
0x46: {  	s11 =	sshra.s32 s11, $0x2;
	[sflag:s21] =	ssyncset.done $0x0  }
0x47: {  	s13 =	sadd.s32 $0x2800, s11;
	[sflag:s21] =	ssyncadd.s32 $0xFFFFE000  }
0x48: {  	[spmem:s3] =	stream.indirect.scatter.add.f32 [tilespmem:s26], [sflag:$0x3], $0x40, s13, s25, $0xb8;
	[tilespmem:$0x1E280] =	vst v63  }
0x49: {  	_ =	swait.ge [sflag:s22], $0x2000  }
0x4a: {  	[sflag:s22] =	ssyncset.done $0x0  }
0x4b: {  	s13 =	sadd.s32 $0x2880, s11;
	[sflag:s22] =	ssyncadd.s32 $0xFFFFE000  }
0x4c: {  	[spmem:s3] =	stream.indirect.scatter.add.f32 [tilespmem:s28], [sflag:$0x4], $0x40, s13, s25, $0xb8;
	[tilespmem:$0x1E280] =	vst v63  }
0x4d: {  	_ =	swait.ge [sflag:s23], $0x2000  }
0x4e: {  	[sflag:s23] =	ssyncset.done $0x0  }
.Ltmp0:
0x4f: {  	s13 =	sadd.s32 $0x100, s11;
	[sflag:s23] =	ssyncadd.s32 $0xFFFFE000;
	(pc) =	sbr.rel @p0 .LBB2_2-.Ltmp0, $4  }
0x50: {  	[tilespmem:s26], [sflag:$0x1] =	stream.indirect.gather [spmem:s2], $0x40, s13, s25, $0xb8;
	[tilespmem:$0x1E280] =	vst v63  }
0x51: {  	_ =	swait.ge [sflag:s24], $0x2000  }
0x52: {  	[sflag:s24] =	ssyncset.done $0x0  }
0x53: {  	s11 =	sadd.s32 $0x180, s11;
	[sflag:s24] =	ssyncadd.s32 $0xFFFFE000  }
0x54: {  	[tilespmem:s28], [sflag:$0x2] =	stream.indirect.gather [spmem:s2], $0x40, s11, s25, $0xb8;
	[tilespmem:$0x1E280] =	vst v63  }
0x55: {  	_ =	swait.ge [sflag:s21], $0x2000  }
0x56: {  	[sflag:s21] =	ssyncset.done $0x0  }
0x57: {  	[sflag:s21] =	ssyncadd.s32 $0xFFFFE000  }
0x58: {  	[spmem:s3] =	stream.indirect.scatter.add.f32 [tilespmem:s26], [sflag:$0x3], $0x40, s29, s25, $0xb8;
	[tilespmem:$0x1E280] =	vst v63  }
0x59: {  	_ =	swait.ge [sflag:s22], $0x2000  }
0x5a: {  	[sflag:s22] =	ssyncset.done $0x0  }
0x5b: {  	[sflag:s22] =	ssyncadd.s32 $0xFFFFE000  }
0x5c: {  	[spmem:s3] =	stream.indirect.scatter.add.f32 [tilespmem:s28], [sflag:$0x4], $0x40, s30, s25, $0xb8;
	[tilespmem:$0x1E280] =	vst v63  }
0x5d: {  	_ =	swait.ge [sflag:s23], $0x2000  }
0x5e: {  	[sflag:s23] =	ssyncset.done $0x0  }
0x5f: {  	[sflag:s23] =	ssyncadd.s32 $0xFFFFE000  }
0x60: {  	_ =	swait.ge [sflag:s24], $0x2000  }
0x61: {  	[sflag:s24] =	ssyncset.done $0x0  }
0x62: {  	s10 =	simm.s32 $0x0;
	s13 =	rddreg [dreg:$0xb];
	[sflag:s24] =	ssyncadd.s32 $0xFFFFE000  }
0x63: {  	[tilespmem:s10], [sflag:$0x1] =	stream.linear.gather [hbm4b:s13+s10], $0x2800, $0x38;
	[tilespmem:$0x1E280] =	vst v63  }
0x64: {  	s13 =	rddreg [dreg:$0xc]  }
0x65: {  	[tilespmem:s20], [sflag:$0x2] =	stream.linear.gather [hbm4b:s13+s10], $0x2800, $0x38;
	[tilespmem:$0x1E280] =	vst v63  }
0x66: {  	_ =	swait.ge [sflag:s21], $0x2800  }
0x67: {  	[sflag:s21] =	ssyncset.done $0x0  }
0x68: {  	[sflag:s21] =	ssyncadd.s32 $0xFFFFD800  }
0x69: {  	_ =	swait.ge [sflag:s22], $0x2800  }
0x6a: {  	[sflag:s22] =	ssyncset.done $0x0  }
0x6b: {  	[sflag:s22] =	ssyncadd.s32 $0xFFFFD800  }
0x6c: {  	[tilespmem:s26], [sflag:$0x1] =	stream.indirect.gather [spmem:s2], $0x40, s10, s25, $0xb8;
	[tilespmem:$0x1E280] =	vst v63  }
0x6d: {  	_ = 	snop  }
0x6e: {  	[tilespmem:s28], [sflag:$0x2] =	stream.indirect.gather [spmem:s2], $0x40, s25, s25, $0xb8;
	[tilespmem:$0x1E280] =	vst v63  }
0x6f: {  	_ =	swait.ge [sflag:s21], $0x2000  }
0x70: {  	[sflag:s21] =	ssyncset.done $0x0  }
0x71: {  	s13 =	simm.s32 $0x2800;
	[sflag:s21] =	ssyncadd.s32 $0xFFFFE000  }
0x72: {  	[spmem:s3] =	stream.indirect.scatter.add.f32 [tilespmem:s26], [sflag:$0x3], $0x40, s13, s25, $0xb8;
	[tilespmem:$0x1E280] =	vst v63  }
0x73: {  	_ =	swait.ge [sflag:s22], $0x2000  }
0x74: {  	[sflag:s22] =	ssyncset.done $0x0  }
0x75: {  	s11 =	simm.s32 $0x2880;
	[sflag:s22] =	ssyncadd.s32 $0xFFFFE000  }
0x76: {  	[spmem:s3] =	stream.indirect.scatter.add.f32 [tilespmem:s28], [sflag:$0x4], $0x40, s11, s25, $0xb8;
	[tilespmem:$0x1E280] =	vst v63  }
0x77: {  	_ =	swait.ge [sflag:s23], $0x2000  }
0x78: {  	[sflag:s23] =	ssyncset.done $0x0  }
0x79: {  	s13 =	simm.s32 $0x100;
	[sflag:s23] =	ssyncadd.s32 $0xFFFFE000  }
0x7a: {  	[tilespmem:s26], [sflag:$0x1] =	stream.indirect.gather [spmem:s2], $0x40, s13, s25, $0xb8;
	[tilespmem:$0x1E280] =	vst v63  }
0x7b: {  	_ =	swait.ge [sflag:s24], $0x2000  }
0x7c: {  	[sflag:s24] =	ssyncset.done $0x0  }
0x7d: {  	s10 =	simm.s32 $0x400;
	s11 =	simm.s32 $0x180;
	[sflag:s24] =	ssyncadd.s32 $0xFFFFE000  }
.LBB2_4:
0x7e: {  	[tilespmem:s28], [sflag:$0x2] =	stream.indirect.gather [spmem:s2], $0x40, s11, s25, $0xb8;
	[tilespmem:$0x1E280] =	vst v63  }
0x7f: {  	s11 =	smov.u32 s10  }
0x80: {  	p0 =	sne.s32 s10, $0x9800;
	s10 =	sadd.s32 $0x400, s10;
	_ =	swait.ge [sflag:s21], $0x2000  }
0x81: {  	s11 =	sshra.s32 s11, $0x2;
	[sflag:s21] =	ssyncset.done $0x0  }
0x82: {  	s13 =	sadd.s32 $0x2800, s11;
	[sflag:s21] =	ssyncadd.s32 $0xFFFFE000  }
0x83: {  	[spmem:s3] =	stream.indirect.scatter.add.f32 [tilespmem:s26], [sflag:$0x3], $0x40, s13, s25, $0xb8;
	[tilespmem:$0x1E280] =	vst v63  }
0x84: {  	_ =	swait.ge [sflag:s22], $0x2000  }
0x85: {  	[sflag:s22] =	ssyncset.done $0x0  }
0x86: {  	s13 =	sadd.s32 $0x2880, s11;
	[sflag:s22] =	ssyncadd.s32 $0xFFFFE000  }
0x87: {  	[spmem:s3] =	stream.indirect.scatter.add.f32 [tilespmem:s28], [sflag:$0x4], $0x40, s13, s25, $0xb8;
	[tilespmem:$0x1E280] =	vst v63  }
0x88: {  	_ =	swait.ge [sflag:s23], $0x2000  }
0x89: {  	[sflag:s23] =	ssyncset.done $0x0  }
.Ltmp1:
0x8a: {  	s13 =	sadd.s32 $0x100, s11;
	[sflag:s23] =	ssyncadd.s32 $0xFFFFE000;
	(pc) =	sbr.rel @p0 .LBB2_4-.Ltmp1, $4  }
0x8b: {  	[tilespmem:s26], [sflag:$0x1] =	stream.indirect.gather [spmem:s2], $0x40, s13, s25, $0xb8;
	[tilespmem:$0x1E280] =	vst v63  }
0x8c: {  	_ =	swait.ge [sflag:s24], $0x2000  }
0x8d: {  	[sflag:s24] =	ssyncset.done $0x0  }
0x8e: {  	s11 =	sadd.s32 $0x180, s11;
	[sflag:s24] =	ssyncadd.s32 $0xFFFFE000  }
0x8f: {  	[tilespmem:s28], [sflag:$0x2] =	stream.indirect.gather [spmem:s2], $0x40, s11, s25, $0xb8;
	[tilespmem:$0x1E280] =	vst v63  }
0x90: {  	_ =	swait.ge [sflag:s21], $0x2000  }
0x91: {  	[sflag:s21] =	ssyncset.done $0x0  }
0x92: {  	[sflag:s21] =	ssyncadd.s32 $0xFFFFE000  }
0x93: {  	[spmem:s3] =	stream.indirect.scatter.add.f32 [tilespmem:s26], [sflag:$0x3], $0x40, s29, s25, $0xb8;
	[tilespmem:$0x1E280] =	vst v63  }
0x94: {  	_ =	swait.ge [sflag:s22], $0x2000  }
0x95: {  	[sflag:s22] =	ssyncset.done $0x0  }
0x96: {  	[sflag:s22] =	ssyncadd.s32 $0xFFFFE000  }
0x97: {  	[spmem:s3] =	stream.indirect.scatter.add.f32 [tilespmem:s28], [sflag:$0x4], $0x40, s30, s25, $0xb8;
	[tilespmem:$0x1E280] =	vst v63  }
0x98: {  	_ =	swait.ge [sflag:s23], $0x2000  }
0x99: {  	[sflag:s23] =	ssyncset.done $0x0  }
0x9a: {  	[sflag:s23] =	ssyncadd.s32 $0xFFFFE000  }
0x9b: {  	_ =	swait.ge [sflag:s24], $0x2000  }
0x9c: {  	[sflag:s24] =	ssyncset.done $0x0  }
0x9d: {  	[sflag:s24] =	ssyncadd.s32 $0xFFFFE000  }
0x9e: {  	[bflag:$0x0] =	sbarrier.arrive $0xFFFF  }
0x9f: {  	[tilespmem:s31], [sflag:$0x1] =	stream.linear.gather [hbm4b:s12+s4], $0x40, $0x38;
	[tilespmem:$0x1E280] =	vst v63  }
0xa0: {  	s10 =	rddreg [dreg:$0xd]  }
0xa1: {  	[tilespmem:s1], [sflag:$0x2] =	stream.linear.gather [hbm4b:s10+s4], $0x40, $0x38;
	[tilespmem:$0x1E280] =	vst v63  }
0xa2: {  	_ =	swait.ge [sflag:s21], $0x40  }
0xa3: {  	[sflag:s21] =	ssyncset.done $0x0  }
0xa4: {  	[sflag:s21] =	ssyncadd.s32 $0xFFFFFFC0  }
0xa5: {  	_ =	swait.ge [sflag:s22], $0x40  }
0xa6: {  	[sflag:s22] =	ssyncset.done $0x0  }
0xa7: {  	[sflag:s22] =	ssyncadd.s32 $0xFFFFFFC0  }
0xa8: {  	[tilespmem:s5], [sflag:$0x5] =	stream.indirect.gather [spmem:s3], $0x40, s31, s0, $0xb8;
	[tilespmem:$0x1E280] =	vst v63  }
0xa9: {  	s13 =	rddreg [dreg:$0x7]  }
0xaa: {  	[tilespmem:s7], [sflag:$0x3] =	stream.indirect.gather [hbm4b:s13+s0], $0x8, s1, s0, $0xb8;
	[tilespmem:$0x1E280] =	vst v63  }
0xab: {  	_ =	swait.ge [sflag:s8], $0x1000  }
0xac: {  	[sflag:s8] =	ssyncset.done $0x0  }
0xad: {  	[sflag:s8] =	ssyncadd.s32 $0xFFFFF000  }
0xae: {  	[hbm4b:s14+s4] =	stream.linear.scatter [tilespmem:s5], [sflag:$0x1], $0x1000, $0x38;
	[tilespmem:$0x1E280] =	vst v63  }
0xaf: {  	_ =	swait.ge [sflag:s23], $0x200  }
0xb0: {  	[sflag:s23] =	ssyncset.done $0x0  }
0xb1: {  	s9 =	sadd.s32 $0x1, s9;
	[sflag:s23] =	ssyncadd.s32 $0xFFFFFE00  }
0xb2: {  	[hbm4b:s15+s4] =	stream.linear.scatter [tilespmem:s7], [sflag:$0x2], $0x200, $0x38;
	[tilespmem:$0x1E280] =	vst v63  }
0xb3: {  	p0 =	sne.s32 s9, s16;
	_ =	swait.ge [sflag:s21], $0x1000  }
.Ltmp2:
0xb4: {  	[sflag:s21] =	ssyncset.done $0x0;
	(pc) =	sbr.rel @p0 .LBB2_1-.Ltmp2, $4  }
0xb5: {  	[sflag:s21] =	ssyncadd.s32 $0xFFFFF000  }
0xb6: {  	_ =	swait.ge [sflag:s22], $0x200  }
0xb7: {  	[sflag:s22] =	ssyncset.done $0x0  }
0xb8: {  	[sflag:s22] =	ssyncadd.s32 $0xFFFFFE00  }
0xb9: {  	_ =	sfence.sel $0x180000  }
0xba: {  	[bflag:$0x0] =	sbarrier.arrive $0xFFFF  }
0xbb: {  	_ =	strace $0x9000004D  }
0xbc: {  	s0 =	stileid.u32;
	[bflag:$0x2] =	sbarrier.arrive $0xFFFF  }
0xbd: {  	p0 =	sne.s32 s0, $0x0;
	s0 =	rddreg [dreg:$0x6]  }
0xbe: {  	s0 =	sadd.s32 @!p0 $0x100000, s0  }
0xbf: {  	[sflag:s0] =	ssyncadd.tile.s32 @!p0 $0x1;
	_ =	shalt  }
.Lfunc_end2:
_tile_overlayer_lowered:
.L_overlay_start_2:
0xc0: {  	(tag) =	ssettag $0x2  }
0xc1: {  	s0 =	rddreg [dreg:$0x0];
	s2 =	stileid.u32  }
0xc2: {  	s1 =	rddreg [dreg:$0x1];
	p0 =	sne.s32 s2, $0x0  }
0xc3: {  	s3 =	rddreg [dreg:$0x2];
	[bflag:$0x3] =	sbarrier.arrive $0xFFFF;
	s2 =	simm.s32 @!p0 $0x1C06  }
0xc4: {  	[timem:s3], [sflag:s2] =	dma.local @!p0 [hbm:s0], s1  }
0xc5: {  	s0 =	simm.s32 @!p0 $0x6  }
0xc6: {  	_ =	swait.ge @!p0 [sflag:s0], s1  }
0xc7: {  	s1 =	ssub.s32 @!p0 $0x0, s1;
	[sflag:s0] =	ssyncset.done @!p0 $0x0  }
0xc8: {  	[sflag:s0] =	ssyncadd.s32 @!p0 s1  }
0xc9: {  	[bflag:$0x3] =	sbarrier.arrive $0xFFFF  }
0xca: {  	_ =	shalt  }

// kernel: kernel.8.cloned.1.call-start
scs
__scs_entry_jumppad:
0x0: {  	(pc) =	sbr.rel $0x88, $3  }
0x1: {  	(tag) =	ssettag $0x0;
	lr =	simm.s32 $0x1  }
0x2: {  	[smem:$0x3F98] =	sst lr;
	_ =	strace $0xD0000000  }
0x3: {  	_ = 	snop  }
0x4: {  	_ = 	snop  }
0x5: {  	_ = 	snop  }
0x6: {  	_ = 	snop  }
0x7: {  	_ = 	snop  }
__scs_overlays_trampoline_lowered:
0x8: {  	[smem:$0x3FA7] =	sst s0  }
0x9: {  	[smem:$0x3FA8] =	sst s1  }
0xa: {  	[smem:$0x3FA9] =	sst s2  }
0xb: {  	[smem:$0x3FAA] =	sst s3  }
0xc: {  	[smem:$0x3FAB] =	sst s4  }
0xd: {  	[smem:$0x3FAC] =	sst s5  }
0xe: {  	[smem:$0x3FAD] =	sst s6  }
0xf: {  	[smem:$0x3FAE] =	sst s7  }
0x10: {  	[smem:$0x3FAF] =	sst s8  }
0x11: {  	[smem:$0x3FB0] =	sst s9;
	s0 =	simm.s32 @!p0 $0x0  }
0x12: {  	s1 =	sld [smem:$0x3F96];
	s0 =	simm.s32 @p0 $0x1  }
0x13: {  	[smem:$0x3FB1] =	sst s0;
	s0 =	simm.s32 @!p1 $0x0  }
0x14: {  	s2 =	sld [smem:$0x3F95];
	s0 =	simm.s32 @p1 $0x1  }
0x15: {  	[smem:$0x3FB2] =	sst s0;
	s0 =	simm.s32 @!p2 $0x0  }
0x16: {  	s3 =	sld [smem:$0x3FDB];
	s0 =	simm.s32 @p2 $0x1  }
0x17: {  	s4 =	simm.s32 $0x1BF5;
	[smem:$0x3FB4] =	sst s0  }
0x18: {  	s0 =	sld [smem:$0x3F97];
	_ =	swait.ge [sflag:s4], $0x0  }
0x19: {  	s7 =	sld [smem:$0x3F98]  }
0x1a: {  	s8 =	sadd.s32 $0xFFFFE003, lr  }
0x1b: {  	s9 =	sadd.s32 $0xFFFFFEF7, lr;
	s5 =	simm.s32 $0xFFFFFFFF;
	p2 =	slt.u32 s8, $0xFFFFF086  }
0x1c: {  	p1 =	slt.u32 s9, $0xF7A;
	s5 =	simm.s32 @!p2 $0x0  }
0x1d: {  	s5 =	simm.s32 @p1 $0x1;
	p0 =	seq.s32 s7, s2  }
0x1e: {  	s7 =	smul.u32 @!p0 $0xF7A, s2;
	p2 =	seq.s32 @!p0 s5, $0x0  }
0x1f: {  	s9 =	smul.u32 $0xF7A, s1;
	s8 =	simm.s32 @!p0 $0x1BF5;
	p2 =	por !p2, p0  }
0x20: {  	[sflag:s8] =	ssyncset.s32 @!p0 $0xFFFFF086;
	s6 =	sadd.s32 @!p0 s3, s7;
	s7 =	simm.s32 @!p0 $0x108  }
0x21: {  	s3 =	sadd.s32 s3, s9;
	s6 =	sadd.s32 @!p0 $0x88, s6;
	s7 =	simm.s32 @p2 $0x1082  }
0x22: {  	[simem:s7], [sflag:s8] =	dma.local @!p0 [hbm:s6], $0xF7A  }
0x23: {  	s9 =	sor.u32 $0xD0000000, s2;
	s6 =	simm.s32 $0x108;
	_ =	swait.ge @!p0 [sflag:s8], $0x0  }
0x24: {  	s3 =	sadd.s32 $0x88, s3;
	s6 =	simm.s32 @!p1 $0x1082;
	[sflag:s4] =	ssyncset.s32 $0xFFFFF086  }
0x25: {  	[simem:s6], [sflag:s4] =	dma.local [hbm:s3], $0xF7A  }
0x26: {  	[smem:$0x3F98] =	sst s1;
	(tag) =	ssettag s2;
	_ =	strace s9  }
0x27: {  	s1 =	sld [smem:$0x3FA8]  }
0x28: {  	s2 =	sld [smem:$0x3FA9]  }
0x29: {  	s4 =	sld [smem:$0x3FAB]  }
0x2a: {  	p0 =	seq.s32 s5, $0x0;
	s5 =	sld [smem:$0x3FAC]  }
0x2b: {  	s6 =	sld [smem:$0x3FAD]  }
0x2c: {  	s7 =	sld [smem:$0x3FAE]  }
0x2d: {  	s3 =	simm.s32 $0x108;
	s8 =	sld [smem:$0x3FAF]  }
0x2e: {  	s3 =	simm.s32 @!p0 $0x1082;
	s9 =	sld [smem:$0x3FB0]  }
0x2f: {  	lr =	sadd.s32 s0, s3;
	s0 =	sld [smem:$0x3FA7]  }
0x30: {  	s3 =	sld [smem:$0x3FAA]  }
0x31: {  	[smem:$0x3FB3] =	sst s10  }
0x32: {  	s10 =	sld [smem:$0x3FB1];
	_ =	sdelay $0x3  }
0x33: {  	p0 =	seq.s32 s10, $0x1;
	s10 =	sld [smem:$0x3FB3];
	_ =	sdelay $0x3  }
0x34: {  	[smem:$0x3FB3] =	sst s10  }
0x35: {  	s10 =	sld [smem:$0x3FB2];
	_ =	sdelay $0x3  }
0x36: {  	p1 =	seq.s32 s10, $0x1;
	s10 =	sld [smem:$0x3FB3];
	_ =	sdelay $0x3  }
0x37: {  	[smem:$0x3FB3] =	sst s10  }
0x38: {  	s10 =	sld [smem:$0x3FB4]  }
0x39: {  	_ = 	snop;
	(pc) =	sbr.ind lr, $3  }
0x3a: {  	_ = 	snop  }
0x3b: {  	_ = 	snop  }
0x3c: {  	p2 =	seq.s32 s10, $0x1;
	s10 =	sld [smem:$0x3FB3]  }
0x3d: {  	_ =	shalt  }
0x3e: {  	_ =	shalt  }
0x3f: {  	_ =	shalt  }
0x40: {  	_ =	shalt  }
0x41: {  	_ =	shalt  }
0x42: {  	_ =	shalt  }
0x43: {  	_ =	shalt  }
0x44: {  	_ =	shalt  }
0x45: {  	_ =	shalt  }
0x46: {  	_ =	shalt  }
0x47: {  	_ =	shalt  }
0x48: {  	_ =	shalt  }
0x49: {  	_ =	shalt  }
0x4a: {  	_ =	shalt  }
0x4b: {  	_ =	shalt  }
0x4c: {  	_ =	shalt  }
0x4d: {  	_ =	shalt  }
0x4e: {  	_ =	shalt  }
0x4f: {  	_ =	shalt  }
0x50: {  	_ =	shalt  }
0x51: {  	_ =	shalt  }
0x52: {  	_ =	shalt  }
0x53: {  	_ =	shalt  }
0x54: {  	_ =	shalt  }
0x55: {  	_ =	shalt  }
0x56: {  	_ =	shalt  }
0x57: {  	_ =	shalt  }
0x58: {  	_ =	shalt  }
0x59: {  	_ =	shalt  }
0x5a: {  	_ =	shalt  }
0x5b: {  	_ =	shalt  }
0x5c: {  	_ =	shalt  }
0x5d: {  	_ =	shalt  }
0x5e: {  	_ =	shalt  }
0x5f: {  	_ =	shalt  }
0x60: {  	_ =	shalt  }
0x61: {  	_ =	shalt  }
0x62: {  	_ =	shalt  }
0x63: {  	_ =	shalt  }
0x64: {  	_ =	shalt  }
0x65: {  	_ =	shalt  }
0x66: {  	_ =	shalt  }
0x67: {  	_ =	shalt  }
0x68: {  	_ =	shalt  }
0x69: {  	_ =	shalt  }
0x6a: {  	_ =	shalt  }
0x6b: {  	_ =	shalt  }
0x6c: {  	_ =	shalt  }
0x6d: {  	_ =	shalt  }
0x6e: {  	_ =	shalt  }
0x6f: {  	_ =	shalt  }
0x70: {  	_ =	shalt  }
0x71: {  	_ =	shalt  }
0x72: {  	_ =	shalt  }
0x73: {  	_ =	shalt  }
0x74: {  	_ =	shalt  }
0x75: {  	_ =	shalt  }
0x76: {  	_ =	shalt  }
0x77: {  	_ =	shalt  }
0x78: {  	_ =	shalt  }
0x79: {  	_ =	shalt  }
0x7a: {  	_ =	shalt  }
0x7b: {  	_ =	shalt  }
0x7c: {  	_ =	shalt  }
0x7d: {  	_ =	shalt  }
0x7e: {  	_ =	shalt  }
0x7f: {  	_ =	shalt  }
0x80: {  	_ =	shalt  }
0x81: {  	_ =	shalt  }
0x82: {  	_ =	shalt  }
0x83: {  	_ =	shalt  }
0x84: {  	_ =	shalt  }
0x85: {  	_ =	shalt  }
0x86: {  	_ =	shalt  }
0x87: {  	_ =	shalt  }
.Lfunc_end0:
.L_simem_size_0:
called_computation_lowered:
.L_overlay_start_0:
0x88: {  	s2 =	sld [smem:$0x3FD9]  }
0x89: {  	s3 =	sld [smem:$0x3FFE];
	_ =	sdelay $0x1  }
0x8a: {  	s1 =	srdreg.scid  }
0x8b: {  	s0 =	sand.u32 $0x1, s1  }
0x8c: {  	s14 =	sshll.u32 s0, $0xA;
	s2 =	sadd.s32 s3, s2  }
0x8d: {  	s2 =	sadd.s32 s2, s14  }
0x8e: {  	[smem:$0x3FBF] =	sst s2  }
0x8f: {  	_ = 	snop  }
0x90: {  	s2 =	sld [smem:$0x3FD0];
	_ =	sdelay $0x2  }
0x91: {  	s15 =	simm.s32 $0xA;
	s4 =	simm.s32 $0x10  }
0x92: {  	[smem:s4], [sflag:s15] =	dma.local [hbm:s2], $0x1  }
0x93: {  	_ =	swait.eq [sflag:s15], $0x1  }
0x94: {  	[sflag:s15] =	ssyncset.done $0x0  }
0x95: {  	s16 =	sld [smem:$0x11];
	[sflag:s15] =	ssyncadd.s32 $0xFFFFFFFF  }
0x96: {  	s17 =	sld [smem:$0x12];
	(tm) =	ssettm $0x1  }
0x97: {  	s18 =	sld [smem:$0x3FFB];
	_ =	sdelay $0x3  }
0x98: {  	_ =	strace s18  }
0x99: {  	s4 =	sld [smem:$0x3FFC];
	_ =	sdelay $0x3  }
0x9a: {  	_ =	strace s4  }
0x9b: {  	s4 =	sld [smem:$0x3FFD];
	_ =	sdelay $0x3  }
0x9c: {  	_ =	strace s4  }
0x9d: {  	_ =	strace $0x8FFFFFFF  }
0x9e: {  	s19 =	sld [smem:$0x3FDB];
	_ =	sdelay $0x1  }
0x9f: {  	s5 =	simm.s32 $_scs_section_size  }
0xa0: {  	s6 =	simm.s32 $_size__tile_overlayer_lowered;
	s7 =	simm.s32 $_tile_overlayer_lowered  }
0xa1: {  	s22 =	simm.s32 $0x1BFF;
	s21 =	sshll.u32 s7, $0x1;
	s4 =	sadd.s32 s5, s19  }
0xa2: {  	s8 =	simm.s32 $0x0;
	s20 =	sshll.u32 s6, $0x1;
	s6 =	sadd.s32 s21, s4  }
0xa3: {  	[timem:s8], [sflag:s22] =	dma.local [hbm:s6], s20  }
0xa4: {  	_ =	swait.ge [sflag:s22], s20  }
0xa5: {  	s5 =	ssub.s32 $0x0, s20;
	[sflag:s22] =	ssyncset.done $0x0  }
0xa6: {  	[sflag:s22] =	ssyncadd.s32 s5;
	_ =	sdelay $0x1  }
0xa7: {  	s23 =	simm.s32 $0x1B8B  }
0xa8: {  	_ =	swait.ge [sflag:s23], $0x1  }
0xa9: {  	[sflag:s23] =	ssyncset.done $0x0  }
0xaa: {  	s25 =	simm.s32 $0x1B8E;
	s24 =	sld [smem:$0x3FFE];
	[sflag:s23] =	ssyncadd.s32 $0xFFFFFFFF  }
0xab: {  	s26 =	simm.s32 $execute0_lowered;
	[smem:$0x3FD2] =	sst s25  }
0xac: {  	s6 =	sshll.u32 s26, $0x1;
	_ =	strace $0x80000046;
	[dreg:$0x1] =	wrdreg $0xFFFFFFFF  }
0xad: {  	s28 =	simm.s32 $_size_execute0_lowered;
	s4 =	sadd.s32 s4, s6;
	[dreg:$0x0] =	wrdreg $0x0  }
0xae: {  	s6 =	sshll.u32 s28, $0x1;
	[dreg:$0x2] =	wrdreg s4  }
0xaf: {  	[dreg:$0x3] =	wrdreg s6  }
0xb0: {  	[dreg:$0x4] =	wrdreg $0xC0  }
0xb1: {  	_ =	task [dreg:s8], $0x5FFFF  }
0xb2: {  	[dreg:$0x1] =	wrdreg $0xFFFFFFFF  }
0xb3: {  	[dreg:$0x0] =	wrdreg $0x60  }
0xb4: {  	[dreg:$0x2] =	wrdreg s24  }
0xb5: {  	[dreg:$0x3] =	wrdreg s17  }
0xb6: {  	[dreg:$0x4] =	wrdreg s16  }
0xb7: {  	[dreg:$0x5] =	wrdreg $0x2C000  }
0xb8: {  	[dreg:$0x6] =	wrdreg $0x9  }
0xb9: {  	_ =	task.clear_ibuf [dreg:s8], $0x7FFFF;
	_ =	strace $0x90000046  }
0xba: {  	s29 =	simm.s32 $0x9;
	_ =	strace $0x80000048  }
0xbb: {  	_ =	swait.ge [sflag:s29], $0x1  }
0xbc: {  	[sflag:s29] =	ssyncadd.s32 $0xFFFFFFFF  }
0xbd: {  	_ =	strace $0x90000048  }
0xbe: {  	_ =	sfence  }
0xbf: {  	s30 =	sld [smem:$0x0];
	_ =	sdelay $0x2  }
0xc0: {  	s31 =	sshll.u32 s1, $0xD;
	s1 =	sshrl.u32 s1, $0x2  }
0xc1: {  	s3 =	sand.u32 $0x4000, s31;
	s1 =	sadd.s32 s1, s30  }
0xc2: {  	s0 =	sor.u32 s3, s0;
	s1 =	sshll.u32 s1, $0x11  }
0xc3: {  	s0 =	sor.u32 s1, s0  }
0xc4: {  	s0 =	sadd.s32 $0x8F2B, s0  }
0xc5: {  	[sflag:s0] =	ssyncadd.remote.s32 $0x1  }
0xc6: {  	_ =	sfence.sel $0xFFFF  }
0xc7: {  	[dreg:$0x0] =	wrdreg $0xFFFFFFFF;
	(pc) =	sbr.abs _section_cstart, $3  }
0xc8: {  	[dreg:$0x1] =	wrdreg $0xFFFFFFFF  }
0xc9: {  	_ =	task.clear_ibuf [dreg:s8], $0x2FFFF;
	_ =	strace $0x9FFFFFFF  }
0xca: {  	(tm) =	ssettm $0x7FFFFFFF  }
0xcb: {  	_ =	shalt  }
tec
execute0_lowered:
.L_overlay_start_1:
0x0: {  	(tag) =	ssettag $0x1  }
0x1: {  	s5 =	rddreg [dreg:$0x0]  }
0x2: {  	s6 =	rddreg [dreg:$0x1]  }
0x3: {  	s2 =	rddreg [dreg:$0x2]  }
0x4: {  	s0 =	srdreg.scid;
	s3 =	rddreg [dreg:$0x3]  }
0x5: {  	s1 =	rddreg [dreg:$0x4];
	s7 =	sand.u32 $0x1, s0  }
0x6: {  	s0 =	stileid.u32;
	s8 =	smul.u32 $0x28000, s7  }
0x7: {  	s4 =	simm.s32 $0x0;
	s13 =	simm.s32 $0x80;
	s9 =	smul.u32 $0x2800, s0  }
0x8: {  	s15 =	simm.s32 $0x2;
	s16 =	simm.s32 $0x0;
	s10 =	smul.u32 $0x1400, s0  }
0x9: {  	[smem:$0x7FF] =	sst s4;
	s11 =	smul.u32 $0x14000, s7;
	s7 =	ssub.s32 $0x2, s7  }
0xa: {  	_ =	strace $0x80000047;
	s14 =	sshll.u32 s0, $0x6;
	s30 =	sshrl.u32 s7, $0x1  }
0xb: {  	s8 =	sadd.s32 s9, s8;
	s29 =	sadd.s32 s10, s11;
	s11 =	ssub.s32 s7, s30  }
0xc: {  	s12 =	sadd.s32 s10, s3;
	s31 =	sshrl.u32 s10, $0x3;
	s8 =	sshrl.u32 s8, $0x3  }
0xd: {  	s9 =	sshrl.u32 s29, $0x3;
	s10 =	sshrl.u32 s12, $0x3;
	s12 =	simm.s32 $0x1  }
0xe: {  	s8 =	sadd.s32 s8, s5;
	s9 =	sadd.s32 s9, s5;
	s5 =	sadd.s32 s6, s31  }
0xf: {  	s6 =	sor.u32 $0x1C01, s14;
	s14 =	sor.u32 $0x1C02, s14;
	s7 =	sadd.s32 $0x2000, s8  }
0x10: {  	s8 =	sadd.s32 $0xC000, s9;
	s9 =	smax.u32 s11, $0x1;
	s11 =	simm.s32 $0x2800  }
.LBB2_1:
0x11: {  	[spmem:s10], [sflag:s6] =	dma.local [hbm:s5], $0x280  }
0x12: {  	[tilespmem:s11], [sflag:$0x1] =	stream.linear.gather [hbm4b:s2+s4], $0x400, $0x38;
	[tilespmem:$0x4000] =	vst v63  }
0x13: {  	_ = 	snop  }
0x14: {  	[tilespmem:s4], [sflag:$0x1] =	stream.linear.gather [hbm4b:s7+s4], $0x2800, $0x38;
	[tilespmem:$0x4000] =	vst v63  }
0x15: {  	_ =	swait.ge [sflag:s12], $0x280  }
0x16: {  	[sflag:s12] =	ssyncset.done $0x0  }
0x17: {  	[sflag:s12] =	ssyncadd.s32 $0xFFFFFD80  }
0x18: {  	_ =	swait.ge [sflag:s12], $0x400  }
0x19: {  	[sflag:s12] =	ssyncset.done $0x0  }
0x1a: {  	[sflag:s12] =	ssyncadd.s32 $0xFFFFFC00  }
0x1b: {  	_ =	swait.ge [sflag:s12], $0x2800  }
0x1c: {  	[sflag:s12] =	ssyncset.done $0x0  }
0x1d: {  	[sflag:s12] =	ssyncadd.s32 $0xFFFFD800  }
0x1e: {  	s17 =	simm.s32 $0x0;
	[bflag:$0x0] =	sbarrier.arrive $0xFFFF  }
.LBB2_2:
0x1f: {  	p0 =	sne.s32 s17, $0x9E00  }
.Ltmp0:
0x20: {  	_ = 	snop;
	(pc) =	sbr.rel @p0 .LBB2_2-.Ltmp0, $3  }
0x21: {  	_ =	sdelay $0x1  }
0x22: {  	s18 =	sshra.s32 s17, $0x2;
	s17 =	sadd.s32 $0x200, s17  }
0x23: {  	[spmem:s3] =	stream.indirect.scatter.add.f32 [tilespmem:s11], [sflag:$0x1], $0x8, s18, s13, $0xb8;
	[tilespmem:$0x4000] =	vst v63  }
0x24: {  	_ =	swait.ge [sflag:s12], $0x400  }
0x25: {  	s17 =	simm.s32 $0x4F;
	[sflag:s12] =	ssyncset.done $0x0  }
.LBB2_4:
0x26: {  	p0 =	sne.s32 s17, $0x1;
	s17 =	sadd.s32 $0xFFFFFFFF, s17;
	[sflag:s12] =	ssyncadd.s32 $0xFFFFFC00  }
.Ltmp1:
0x27: {  	(pc) =	sbr.rel @p0 .LBB2_4-.Ltmp1, $3  }
0x28: {  	_ =	sdelay $0x1  }
0x29: {  	_ =	swait.ge [sflag:s12], $0x400  }
0x2a: {  	[sflag:s12] =	ssyncset.done $0x0  }
0x2b: {  	s16 =	sadd.s32 $0x1, s16  }
0x2c: {  	[sflag:s12] =	ssyncadd.s32 $0xFFFFFC00;
	p0 =	sne.s32 s16, s9  }
.Ltmp2:
0x2d: {  	[bflag:$0x0] =	sbarrier.arrive $0xFFFF;
	(pc) =	sbr.rel @p0 .LBB2_1-.Ltmp2, $4  }
0x2e: {  	[hbm:s8], [sflag:s14] =	dma.local [spmem:s10], $0x280  }
0x2f: {  	_ =	swait.ge [sflag:s15], $0x280  }
0x30: {  	[sflag:s15] =	ssyncset.done $0x0  }
0x31: {  	[sflag:s15] =	ssyncadd.s32 $0xFFFFFD80  }
0x32: {  	_ =	sfence.sel $0x180000  }
0x33: {  	[bflag:$0x0] =	sbarrier.arrive $0xFFFF  }
0x34: {  	p0 =	sne.s32 s0, $0x0;
	_ =	strace $0x90000047  }
0x35: {  	s0 =	sadd.s32 @!p0 $0x100000, s1;
	[bflag:$0x2] =	sbarrier.arrive $0xFFFF  }
0x36: {  	[sflag:s0] =	ssyncadd.tile.s32 @!p0 $0x1;
	_ =	shalt  }
.Lfunc_end2:
_tile_overlayer_lowered:
.L_overlay_start_2:
0x37: {  	(tag) =	ssettag $0x2  }
0x38: {  	s0 =	rddreg [dreg:$0x0];
	s2 =	stileid.u32  }
0x39: {  	s1 =	rddreg [dreg:$0x1];
	p0 =	sne.s32 s2, $0x0  }
0x3a: {  	s3 =	rddreg [dreg:$0x2];
	[bflag:$0x3] =	sbarrier.arrive $0xFFFF;
	s2 =	simm.s32 @!p0 $0x1C02  }
0x3b: {  	[timem:s3], [sflag:s2] =	dma.local @!p0 [hbm:s0], s1  }
0x3c: {  	s0 =	simm.s32 @!p0 $0x2  }
0x3d: {  	_ =	swait.ge @!p0 [sflag:s0], s1  }
0x3e: {  	s1 =	ssub.s32 @!p0 $0x0, s1;
	[sflag:s0] =	ssyncset.done @!p0 $0x0  }
0x3f: {  	[sflag:s0] =	ssyncadd.s32 @!p0 s1  }
0x40: {  	[bflag:$0x3] =	sbarrier.arrive $0xFFFF  }
0x41: {  	_ =	shalt  }

</sc_bundles>
